<compile_context>
chip_gen: v7x
topology: tpu7x:2x2x1
jax: 0.10.2.dev20260603
libtpu: 0.0.44.dev20260713+nightly
codegen_flags: <defaults>
</compile_context>

<pallas_src>
import functools

import jax
import jax.numpy as jnp
from jax import lax
from jax.experimental import pallas as pl
from jax.experimental.pallas import tpu as pltpu
from jax.experimental.pallas import tpu_sc as plsc

_NUM_PT = 32
_TBLK = 8192


def _transpose_table(rules):
    num_pt, v = rules.shape
    c = _TBLK
    q = c // 4
    nblk = pl.cdiv(v, c)

    def body(r_ref, o_ref):
        for j in range(4):
            o_ref[:, 32 * j:32 * (j + 1)] = r_ref[:, q * j:q * (j + 1)].T

    return pl.pallas_call(
        body,
        grid=(nblk,),
        in_specs=[pl.BlockSpec((num_pt, c), lambda i: (0, i))],
        out_specs=pl.BlockSpec((c // 4, 4 * num_pt), lambda i: (i, 0)),
        out_shape=jax.ShapeDtypeStruct((nblk * c // 4, 4 * num_pt), jnp.float32),
    )(rules)


def _sc_gather_transpose(table_t, sentences):
    b, l = sentences.shape
    idx_flat = sentences.reshape(-1)
    info = plsc.get_sparse_core_info()
    nc, ns = info.num_cores, info.num_subcores
    nw = nc * ns
    s_chunk = 4
    t_chunk = s_chunk * l
    n_chunks = b // (nw * s_chunk)
    n_groups = t_chunk // 16
    mesh = plsc.VectorSubcoreMesh(core_axis_name="c", subcore_axis_name="s")

    per_w = n_chunks * t_chunk

    @functools.partial(
        pl.kernel,
        mesh=mesh,
        out_type=jax.ShapeDtypeStruct((b * _NUM_PT * l,), jnp.float32),
        scratch_types=[
            pltpu.VMEM((per_w,), jnp.int32),
            pltpu.VMEM((t_chunk, _NUM_PT), jnp.float32),
            pltpu.VMEM((t_chunk, _NUM_PT), jnp.float32),
            pltpu.VMEM((s_chunk * _NUM_PT * l,), jnp.float32),
            pltpu.VMEM((s_chunk * _NUM_PT * l,), jnp.float32),
            pltpu.SemaphoreType.DMA,
            pltpu.SemaphoreType.DMA,
            pltpu.SemaphoreType.DMA,
            pltpu.SemaphoreType.DMA,
        ],
        compiler_params=pltpu.CompilerParams(
            use_tc_tiling_on_sc=False,
            needs_layout_passes=False,
            disable_bounds_checks=True,
        ),
    )
    def k(table_hbm, idx_hbm, out_hbm, idx_v, rows_a, rows_b, outb_a, outb_b,
          sem_a, sem_b, sem_oa, sem_ob):
        wid = lax.axis_index("s") * nc + lax.axis_index("c")
        iota = lax.iota(jnp.int32, 16)

        pltpu.sync_copy(idx_hbm.at[pl.ds(wid * per_w, per_w)], idx_v)

        qm = _TBLK // 4 - 1
        js = qm.bit_length()

        @plsc.parallel_loop(0, per_w // 16)
        def remap_body(g):
            t = idx_v[pl.ds(g * 16, 16)]
            idx_v[pl.ds(g * 16, 16)] = (
                (t & jnp.int32(-_TBLK)) + ((t & qm) << 2) + ((t >> js) & 3)
            )

        def gather(ci, rows, sem):
            return pltpu.make_async_copy(
                table_hbm.at[idx_v.at[pl.ds(ci * t_chunk, t_chunk)]], rows, sem
            )

        def out_copy(ci, outb, sem_o):
            tok0 = (wid * n_chunks + ci) * t_chunk
            return pltpu.make_async_copy(
                outb, out_hbm.at[pl.ds(tok0 * _NUM_PT, t_chunk * _NUM_PT)],
                sem_o,
            )

        def transpose(rows, outb):
            @plsc.parallel_loop(0, n_groups, unroll=2)
            def group_body(g):
                i = g * 16 + iota
                b_loc = (i * 41) >> 13
                dst0 = i + b_loc * (_NUM_PT * l - l)
                for pt in range(_NUM_PT):
                    pt_v = jnp.full((16,), pt, jnp.int32)
                    vals = plsc.load_gather(rows, [i, pt_v])
                    plsc.store_scatter(outb, [dst0 + pt * l], vals)

        gather(0, rows_a, sem_a).start()

        def super_body(s, carry):
            c0 = 2 * s
            gather(c0 + 1, rows_b, sem_b).start()
            gather(c0, rows_a, sem_a).wait()

            @pl.when(s > 0)
            def _():
                out_copy(c0 - 2, outb_a, sem_oa).wait()

            transpose(rows_a, outb_a)
            out_copy(c0, outb_a, sem_oa).start()

            @pl.when(c0 + 2 < n_chunks)
            def _():
                gather(c0 + 2, rows_a, sem_a).start()

            gather(c0 + 1, rows_b, sem_b).wait()

            @pl.when(s > 0)
            def _():
                out_copy(c0 - 1, outb_b, sem_ob).wait()

            transpose(rows_b, outb_b)
            out_copy(c0 + 1, outb_b, sem_ob).start()
            return carry

        lax.fori_loop(0, n_chunks // 2, super_body, 0)
        out_copy(n_chunks - 2, outb_a, sem_oa).wait()
        out_copy(n_chunks - 1, outb_b, sem_ob).wait()

    return k(table_t, idx_flat).reshape(b, _NUM_PT, l)


def kernel(sentences, rules):
    b, l = sentences.shape
    table_t = _transpose_table(rules).reshape(-1, _NUM_PT)
    return _sc_gather_transpose(table_t, sentences)

# --- scband reference (transcript-rebuilt; emitter-appended) ---
"""Pipeline reference for scband-determined-unary-grammar-43696997270097 (READ-ONLY COPY).

The authoritative reference and input builder live on the scoring server;
editing this copy changes nothing except your own understanding.
"""

import jax, jax.numpy as jnp
import numpy as np

NUM_PT = 32
NUM_T = 1000000
BATCH = 4096
SEQ_LEN = 200


def setup_inputs(seed: int = 0) -> dict:
    key = jax.random.key(seed)
    k1, k2 = jax.random.split(key)
    sentences = jax.random.randint(k1, (BATCH, SEQ_LEN), 0, NUM_T, dtype=jnp.int32)
    raw = jax.random.normal(k2, (NUM_PT, NUM_T), dtype=jnp.float32)
    rules = jax.nn.log_softmax(raw, axis=-1)  # log prob of pt -> t, shape (num_pt, num_t)
    return {"sentences": sentences, "rules": rules}


def reference(sentences, rules):
    # Faithful translation of DeterminedUnaryGrammar.get_rule_log_probs:
    # torch: expand rules to (B, num_pt, num_t), expand sentences to (B, num_pt, L),
    #        gather along dim=2  ==  rules[pt, sentences[b, l]] for each (b, pt, l)
    gathered = jnp.take(rules, sentences, axis=1)  # (num_pt, B, L)
    rule_log_probs = jnp.transpose(gathered, (1, 0, 2))  # (B, num_pt, L)
    assert rule_log_probs.shape == (sentences.shape[0], NUM_PT, sentences.shape[1])
    return rule_log_probs

if __name__ == "__main__":
    import jax
    _d = setup_inputs()
    print(jax.jit(kernel)(*tuple(_d.values())))

</pallas_src>

<mosaic_0001>
#map = affine_map<(d0, d1) -> (0, 0)>
#map1 = affine_map<(d0, d1) -> (0)>
module attributes {stable_mosaic.version = 14 : i64} {
  func.func @k(%arg0: i32, %arg1: i32, %arg2: memref<1007616x32xf32, #tpu.memory_space<hbm>>, %arg3: memref<819200xi32, #tpu.memory_space<hbm>>, %arg4: memref<26214400xf32, #tpu.memory_space<hbm>>, %arg5: memref<25600xi32, #tpu.memory_space<vmem>>, %arg6: memref<800x32xf32, #tpu.memory_space<vmem>>, %arg7: memref<800x32xf32, #tpu.memory_space<vmem>>, %arg8: memref<25600xf32, #tpu.memory_space<vmem>>, %arg9: memref<25600xf32, #tpu.memory_space<vmem>>, %arg10: memref<!tpu.dma_semaphore, #tpu.memory_space<semaphore_mem>>, %arg11: memref<!tpu.dma_semaphore, #tpu.memory_space<semaphore_mem>>, %arg12: memref<!tpu.dma_semaphore, #tpu.memory_space<semaphore_mem>>, %arg13: memref<!tpu.dma_semaphore, #tpu.memory_space<semaphore_mem>>) attributes {dimension_semantics = [#tpu.dimension_semantics<core_parallel>, #tpu.dimension_semantics<subcore_parallel>], iteration_bounds = array<i64: 2, 16>, scalar_prefetch = 0 : i64, scratch_operands = 9 : i64, tpu.core_type = #tpu.core_type<sc_vector_subcore>, window_params = [{transform_indices = #map}, {transform_indices = #map1}, {transform_indices = #map1}]} {
    %mul3A = arith.constant 2 : i32
    %mul3A_0 = arith.muli %arg1, %mul3A : i32
    %add3A = arith.addi %mul3A_0, %arg0 : i32
    %iota3A = tpu.iota {dimensions = array<i32: 0>} : vector<16xi32>
    %mul3A_1 = arith.constant 25600 : i32
    %mul3A_2 = arith.muli %add3A, %mul3A_1 : i32
    "tpu.region"() ({
      %run_scoped3A = tpu.sem_alloc : memref<!tpu.dma_semaphore, #tpu.memory_space<semaphore_mem>>
      %dma_start3A_33 = tpu.memref_slice %arg3[%mul3A_2] : memref<819200xi32, #tpu.memory_space<hbm>> -> memref<25600xi32, #tpu.memory_space<hbm>>
      %dma_start3A_34 = tpu.memref_slice %arg3[%mul3A_2] : memref<819200xi32, #tpu.memory_space<hbm>> -> memref<25600xi32, #tpu.memory_space<hbm>>
      tpu.enqueue_dma source(%dma_start3A_34 : memref<25600xi32, #tpu.memory_space<hbm>>) target(%arg5 : memref<25600xi32, #tpu.memory_space<vmem>>) target_semaphore(%run_scoped3A : memref<!tpu.dma_semaphore, #tpu.memory_space<semaphore_mem>>)
      %dma_wait3A_35 = tpu.memref_slice %arg3[%mul3A_2] : memref<819200xi32, #tpu.memory_space<hbm>> -> memref<25600xi32, #tpu.memory_space<hbm>>
      %dma_wait3A_36 = tpu.memref_slice %arg3[%mul3A_2] : memref<819200xi32, #tpu.memory_space<hbm>> -> memref<25600xi32, #tpu.memory_space<hbm>>
      tpu.wait_dma2 semaphore(%run_scoped3A : memref<!tpu.dma_semaphore, #tpu.memory_space<semaphore_mem>>) src(%dma_wait3A_36 : memref<25600xi32, #tpu.memory_space<hbm>>) dst(%arg5 : memref<25600xi32, #tpu.memory_space<vmem>>)
      tpu.yield
    }) : () -> ()
    %parallel_loop3A = arith.constant 0 : i32
    %parallel_loop3A_3 = arith.constant 1600 : i32
    %parallel_loop3A_4 = arith.constant 1 : i32
    scf.for %parallel_loop3A_33 = %parallel_loop3A to %parallel_loop3A_3 step %parallel_loop3A_4  : i32 {
      %parallel_loop3A_34 = arith.constant 16 : i32
      %parallel_loop3A_35 = arith.muli %parallel_loop3A_33, %parallel_loop3A_34 : i32
      %parallel_loop3A_36 = arith.index_cast %parallel_loop3A_35 : i32 to index
      %parallel_loop3A_37 = tpu.vector_load %arg5[%parallel_loop3A_36] {strides = array<i32>} : memref<25600xi32, #tpu.memory_space<vmem>>, vector<16xi32>,
      %parallel_loop3A_38 = arith.constant -8192 : i32
      %parallel_loop3A_39 = vector.broadcast %parallel_loop3A_38 : i32 to vector<16xi32>
      %parallel_loop3A_40 = arith.andi %parallel_loop3A_37, %parallel_loop3A_39 : vector<16xi32>
      %parallel_loop3A_41 = arith.constant 2047 : i32
      %parallel_loop3A_42 = vector.broadcast %parallel_loop3A_41 : i32 to vector<16xi32>
      %parallel_loop3A_43 = arith.andi %parallel_loop3A_37, %parallel_loop3A_42 : vector<16xi32>
      %parallel_loop3A_44 = arith.constant 2 : i32
      %parallel_loop3A_45 = vector.broadcast %parallel_loop3A_44 : i32 to vector<16xi32>
      %parallel_loop3A_46 = arith.shli %parallel_loop3A_43, %parallel_loop3A_45 : vector<16xi32>
      %parallel_loop3A_47 = arith.addi %parallel_loop3A_40, %parallel_loop3A_46 : vector<16xi32>
      %parallel_loop3A_48 = arith.constant 11 : i32
      %parallel_loop3A_49 = vector.broadcast %parallel_loop3A_48 : i32 to vector<16xi32>
      %parallel_loop3A_50 = arith.shrsi %parallel_loop3A_37, %parallel_loop3A_49 : vector<16xi32>
      %parallel_loop3A_51 = arith.constant 3 : i32
      %parallel_loop3A_52 = vector.broadcast %parallel_loop3A_51 : i32 to vector<16xi32>
      %parallel_loop3A_53 = arith.andi %parallel_loop3A_50, %parallel_loop3A_52 : vector<16xi32>
      %parallel_loop3A_54 = arith.addi %parallel_loop3A_47, %parallel_loop3A_53 : vector<16xi32>
      %parallel_loop3A_55 = arith.constant 16 : i32
      %parallel_loop3A_56 = arith.muli %parallel_loop3A_33, %parallel_loop3A_55 : i32
      %parallel_loop3A_57 = arith.index_cast %parallel_loop3A_56 : i32 to index
      %parallel_loop3A_58 = tpu.vector_load %arg5[%parallel_loop3A_57] {strides = array<i32>} : memref<25600xi32, #tpu.memory_space<vmem>>, vector<16xi32>,
      tpu.vector_store %arg5[%parallel_loop3A_57], %parallel_loop3A_54 {strides = array<i32>} : memref<25600xi32, #tpu.memory_space<vmem>>, vector<16xi32>,
    } {sc.loop_unroll_factor = 1 : i64, sc.parallel_access}
    %dma_start3A = arith.constant 0 : i32
    %dma_start3A_5 = tpu.memref_slice %arg5[%dma_start3A] : memref<25600xi32, #tpu.memory_space<vmem>> -> memref<800xi32, #tpu.memory_space<vmem>>
    %dma_start3A_6 = arith.constant 0 : i32
    %dma_start3A_7 = arith.constant 0 : i32
    %dma_start3A_8 = tpu.memref_slice %arg2[%dma_start3A_6, %dma_start3A_7] : memref<1007616x32xf32, #tpu.memory_space<hbm>> -> memref<1007616x32xf32, #tpu.memory_space<hbm>>
    tpu.enqueue_indirect_dma source(%dma_start3A_8 : memref<1007616x32xf32, #tpu.memory_space<hbm>>) target(%arg6 : memref<800x32xf32, #tpu.memory_space<vmem>>) offsets(%dma_start3A_5 : memref<800xi32, #tpu.memory_space<vmem>>) semaphore(%arg10 : memref<!tpu.dma_semaphore, #tpu.memory_space<semaphore_mem>>)
    %scan3A = arith.constant 0 : i32
    %scan3A_9 = arith.constant 0 : i32
    %scan3A_10 = arith.constant 16 : i32
    %scan3A_11 = arith.addi %scan3A_9, %scan3A_10 : i32
    %scan3A_12 = arith.constant 1 : i32
    scf.for %scan3A_33 = %scan3A_9 to %scan3A_11 step %scan3A_12  : i32 {
      %mul3A_34 = arith.constant 2 : i32
      %mul3A_35 = arith.muli %mul3A_34, %scan3A_33 : i32
      %add3A_36 = arith.constant 1 : i32
      %add3A_37 = arith.addi %mul3A_35, %add3A_36 : i32
      %mul3A_38 = arith.constant 800 : i32
      %mul3A_39 = arith.muli %add3A_37, %mul3A_38 : i32
      %dma_start3A_40 = tpu.memref_slice %arg5[%mul3A_39] : memref<25600xi32, #tpu.memory_space<vmem>> -> memref<800xi32, #tpu.memory_space<vmem>>
      %dma_start3A_41 = arith.constant 0 : i32
      %dma_start3A_42 = arith.constant 0 : i32
      %dma_start3A_43 = tpu.memref_slice %arg2[%dma_start3A_41, %dma_start3A_42] : memref<1007616x32xf32, #tpu.memory_space<hbm>> -> memref<1007616x32xf32, #tpu.memory_space<hbm>>
      tpu.enqueue_indirect_dma source(%dma_start3A_43 : memref<1007616x32xf32, #tpu.memory_space<hbm>>) target(%arg7 : memref<800x32xf32, #tpu.memory_space<vmem>>) offsets(%dma_start3A_40 : memref<800xi32, #tpu.memory_space<vmem>>) semaphore(%arg11 : memref<!tpu.dma_semaphore, #tpu.memory_space<semaphore_mem>>)
      %mul3A_44 = arith.constant 800 : i32
      %mul3A_45 = arith.muli %mul3A_35, %mul3A_44 : i32
      %dma_wait3A_46 = tpu.memref_slice %arg5[%mul3A_45] : memref<25600xi32, #tpu.memory_space<vmem>> -> memref<800xi32, #tpu.memory_space<vmem>>
      %dma_wait3A_47 = arith.constant 0 : i32
      %dma_wait3A_48 = arith.constant 0 : i32
      %dma_wait3A_49 = tpu.memref_slice %arg2[%dma_wait3A_47, %dma_wait3A_48] : memref<1007616x32xf32, #tpu.memory_space<hbm>> -> memref<1007616x32xf32, #tpu.memory_space<hbm>>
      tpu.wait_indirect_dma semaphore(%arg10 : memref<!tpu.dma_semaphore, #tpu.memory_space<semaphore_mem>>) src(%dma_wait3A_49 : memref<1007616x32xf32, #tpu.memory_space<hbm>>) dst(%arg6 : memref<800x32xf32, #tpu.memory_space<vmem>>)
      %gt3A = arith.constant 0 : i32
      %gt3A_50 = arith.cmpi sgt, %scan3A_33, %gt3A : i32
      %convert_element_type3A = arith.extui %gt3A_50 : i1 to i32
      %cond3A = arith.constant 0 : i32
      %cond3A_51 = arith.cmpi ne, %convert_element_type3A, %cond3A : i32
      scf.if %cond3A_51 {
        %sub3A = arith.constant 2 : i32
        %sub3A_97 = arith.subi %mul3A_35, %sub3A : i32
        %mul3A_98 = arith.constant 32 : i32
        %mul3A_99 = arith.muli %add3A, %mul3A_98 : i32
        %add3A_100 = arith.addi %mul3A_99, %sub3A_97 : i32
        %mul3A_101 = arith.constant 800 : i32
        %mul3A_102 = arith.muli %add3A_100, %mul3A_101 : i32
        %mul3A_103 = arith.constant 32 : i32
        %mul3A_104 = arith.muli %mul3A_102, %mul3A_103 : i32
        %dma_wait3A_105 = tpu.memref_slice %arg4[%mul3A_104] : memref<26214400xf32, #tpu.memory_space<hbm>> -> memref<25600xf32, #tpu.memory_space<hbm>>
        %dma_wait3A_106 = tpu.memref_slice %arg4[%mul3A_104] : memref<26214400xf32, #tpu.memory_space<hbm>> -> memref<25600xf32, #tpu.memory_space<hbm>>
        tpu.wait_dma2 semaphore(%arg12 : memref<!tpu.dma_semaphore, #tpu.memory_space<semaphore_mem>>) src(%arg8 : memref<25600xf32, #tpu.memory_space<vmem>>) dst(%dma_wait3A_106 : memref<25600xf32, #tpu.memory_space<hbm>>)
      } else {
      }
      %parallel_loop3A_52 = arith.constant 0 : i32
      %parallel_loop3A_53 = arith.constant 50 : i32
      %parallel_loop3A_54 = arith.constant 1 : i32
      scf.for %parallel_loop3A_97 = %parallel_loop3A_52 to %parallel_loop3A_53 step %parallel_loop3A_54  : i32 {
        %parallel_loop3A_98 = arith.constant 16 : i32
        %parallel_loop3A_99 = arith.muli %parallel_loop3A_97, %parallel_loop3A_98 : i32
        %parallel_loop3A_100 = vector.broadcast %parallel_loop3A_99 : i32 to vector<16xi32>
        %parallel_loop3A_101 = arith.addi %parallel_loop3A_100, %iota3A : vector<16xi32>
        %parallel_loop3A_102 = arith.constant 41 : i32
        %parallel_loop3A_103 = vector.broadcast %parallel_loop3A_102 : i32 to vector<16xi32>
        %parallel_loop3A_104 = arith.muli %parallel_loop3A_101, %parallel_loop3A_103 : vector<16xi32>
        %parallel_loop3A_105 = arith.constant 13 : i32
        %parallel_loop3A_106 = vector.broadcast %parallel_loop3A_105 : i32 to vector<16xi32>
        %parallel_loop3A_107 = arith.shrsi %parallel_loop3A_104, %parallel_loop3A_106 : vector<16xi32>
        %parallel_loop3A_108 = arith.constant 6200 : i32
        %parallel_loop3A_109 = vector.broadcast %parallel_loop3A_108 : i32 to vector<16xi32>
        %parallel_loop3A_110 = arith.muli %parallel_loop3A_107, %parallel_loop3A_109 : vector<16xi32>
        %parallel_loop3A_111 = arith.addi %parallel_loop3A_101, %parallel_loop3A_110 : vector<16xi32>
        %parallel_loop3A_112 = arith.constant 0 : i32
        %parallel_loop3A_113 = vector.broadcast %parallel_loop3A_112 : i32 to vector<16xi32>
        %parallel_loop3A_114 = tpu.vector_load_idx %arg6[%parallel_loop3A_101, %parallel_loop3A_113] : memref<800x32xf32, #tpu.memory_space<vmem>>[vector<16xi32>, vector<16xi32>], vector<16xf32>,
        %parallel_loop3A_115 = arith.constant 0 : i32
        %parallel_loop3A_116 = vector.broadcast %parallel_loop3A_115 : i32 to vector<16xi32>
        %parallel_loop3A_117 = arith.addi %parallel_loop3A_111, %parallel_loop3A_116 : vector<16xi32>
        tpu.vector_store_idx %arg8[%parallel_loop3A_117], %parallel_loop3A_114 : memref<25600xf32, #tpu.memory_space<vmem>>[vector<16xi32>], vector<16xf32>,
        %parallel_loop3A_118 = arith.constant 1 : i32
        %parallel_loop3A_119 = vector.broadcast %parallel_loop3A_118 : i32 to vector<16xi32>
        %parallel_loop3A_120 = tpu.vector_load_idx %arg6[%parallel_loop3A_101, %parallel_loop3A_119] : memref<800x32xf32, #tpu.memory_space<vmem>>[vector<16xi32>, vector<16xi32>], vector<16xf32>,
        %parallel_loop3A_121 = arith.constant 200 : i32
        %parallel_loop3A_122 = vector.broadcast %parallel_loop3A_121 : i32 to vector<16xi32>
        %parallel_loop3A_123 = arith.addi %parallel_loop3A_111, %parallel_loop3A_122 : vector<16xi32>
        tpu.vector_store_idx %arg8[%parallel_loop3A_123], %parallel_loop3A_120 : memref<25600xf32, #tpu.memory_space<vmem>>[vector<16xi32>], vector<16xf32>,
        %parallel_loop3A_124 = arith.constant 2 : i32
        %parallel_loop3A_125 = vector.broadcast %parallel_loop3A_124 : i32 to vector<16xi32>
        %parallel_loop3A_126 = tpu.vector_load_idx %arg6[%parallel_loop3A_101, %parallel_loop3A_125] : memref<800x32xf32, #tpu.memory_space<vmem>>[vector<16xi32>, vector<16xi32>], vector<16xf32>,
        %parallel_loop3A_127 = arith.constant 400 : i32
        %parallel_loop3A_128 = vector.broadcast %parallel_loop3A_127 : i32 to vector<16xi32>
        %parallel_loop3A_129 = arith.addi %parallel_loop3A_111, %parallel_loop3A_128 : vector<16xi32>
        tpu.vector_store_idx %arg8[%parallel_loop3A_129], %parallel_loop3A_126 : memref<25600xf32, #tpu.memory_space<vmem>>[vector<16xi32>], vector<16xf32>,
        %parallel_loop3A_130 = arith.constant 3 : i32
        %parallel_loop3A_131 = vector.broadcast %parallel_loop3A_130 : i32 to vector<16xi32>
        %parallel_loop3A_132 = tpu.vector_load_idx %arg6[%parallel_loop3A_101, %parallel_loop3A_131] : memref<800x32xf32, #tpu.memory_space<vmem>>[vector<16xi32>, vector<16xi32>], vector<16xf32>,
        %parallel_loop3A_133 = arith.constant 600 : i32
        %parallel_loop3A_134 = vector.broadcast %parallel_loop3A_133 : i32 to vector<16xi32>
        %parallel_loop3A_135 = arith.addi %parallel_loop3A_111, %parallel_loop3A_134 : vector<16xi32>
        tpu.vector_store_idx %arg8[%parallel_loop3A_135], %parallel_loop3A_132 : memref<25600xf32, #tpu.memory_space<vmem>>[vector<16xi32>], vector<16xf32>,
        %parallel_loop3A_136 = arith.constant 4 : i32
        %parallel_loop3A_137 = vector.broadcast %parallel_loop3A_136 : i32 to vector<16xi32>
        %parallel_loop3A_138 = tpu.vector_load_idx %arg6[%parallel_loop3A_101, %parallel_loop3A_137] : memref<800x32xf32, #tpu.memory_space<vmem>>[vector<16xi32>, vector<16xi32>], vector<16xf32>,
        %parallel_loop3A_139 = arith.constant 800 : i32
        %parallel_loop3A_140 = vector.broadcast %parallel_loop3A_139 : i32 to vector<16xi32>
        %parallel_loop3A_141 = arith.addi %parallel_loop3A_111, %parallel_loop3A_140 : vector<16xi32>
        tpu.vector_store_idx %arg8[%parallel_loop3A_141], %parallel_loop3A_138 : memref<25600xf32, #tpu.memory_space<vmem>>[vector<16xi32>], vector<16xf32>,
        %parallel_loop3A_142 = arith.constant 5 : i32
        %parallel_loop3A_143 = vector.broadcast %parallel_loop3A_142 : i32 to vector<16xi32>
        %parallel_loop3A_144 = tpu.vector_load_idx %arg6[%parallel_loop3A_101, %parallel_loop3A_143] : memref<800x32xf32, #tpu.memory_space<vmem>>[vector<16xi32>, vector<16xi32>], vector<16xf32>,
        %parallel_loop3A_145 = arith.constant 1000 : i32
        %parallel_loop3A_146 = vector.broadcast %parallel_loop3A_145 : i32 to vector<16xi32>
        %parallel_loop3A_147 = arith.addi %parallel_loop3A_111, %parallel_loop3A_146 : vector<16xi32>
        tpu.vector_store_idx %arg8[%parallel_loop3A_147], %parallel_loop3A_144 : memref<25600xf32, #tpu.memory_space<vmem>>[vector<16xi32>], vector<16xf32>,
        %parallel_loop3A_148 = arith.constant 6 : i32
        %parallel_loop3A_149 = vector.broadcast %parallel_loop3A_148 : i32 to vector<16xi32>
        %parallel_loop3A_150 = tpu.vector_load_idx %arg6[%parallel_loop3A_101, %parallel_loop3A_149] : memref<800x32xf32, #tpu.memory_space<vmem>>[vector<16xi32>, vector<16xi32>], vector<16xf32>,
        %parallel_loop3A_151 = arith.constant 1200 : i32
        %parallel_loop3A_152 = vector.broadcast %parallel_loop3A_151 : i32 to vector<16xi32>
        %parallel_loop3A_153 = arith.addi %parallel_loop3A_111, %parallel_loop3A_152 : vector<16xi32>
        tpu.vector_store_idx %arg8[%parallel_loop3A_153], %parallel_loop3A_150 : memref<25600xf32, #tpu.memory_space<vmem>>[vector<16xi32>], vector<16xf32>,
        %parallel_loop3A_154 = arith.constant 7 : i32
        %parallel_loop3A_155 = vector.broadcast %parallel_loop3A_154 : i32 to vector<16xi32>
        %parallel_loop3A_156 = tpu.vector_load_idx %arg6[%parallel_loop3A_101, %parallel_loop3A_155] : memref<800x32xf32, #tpu.memory_space<vmem>>[vector<16xi32>, vector<16xi32>], vector<16xf32>,
        %parallel_loop3A_157 = arith.constant 1400 : i32
        %parallel_loop3A_158 = vector.broadcast %parallel_loop3A_157 : i32 to vector<16xi32>
        %parallel_loop3A_159 = arith.addi %parallel_loop3A_111, %parallel_loop3A_158 : vector<16xi32>
        tpu.vector_store_idx %arg8[%parallel_loop3A_159], %parallel_loop3A_156 : memref<25600xf32, #tpu.memory_space<vmem>>[vector<16xi32>], vector<16xf32>,
        %parallel_loop3A_160 = arith.constant 8 : i32
        %parallel_loop3A_161 = vector.broadcast %parallel_loop3A_160 : i32 to vector<16xi32>
        %parallel_loop3A_162 = tpu.vector_load_idx %arg6[%parallel_loop3A_101, %parallel_loop3A_161] : memref<800x32xf32, #tpu.memory_space<vmem>>[vector<16xi32>, vector<16xi32>], vector<16xf32>,
        %parallel_loop3A_163 = arith.constant 1600 : i32
        %parallel_loop3A_164 = vector.broadcast %parallel_loop3A_163 : i32 to vector<16xi32>
        %parallel_loop3A_165 = arith.addi %parallel_loop3A_111, %parallel_loop3A_164 : vector<16xi32>
        tpu.vector_store_idx %arg8[%parallel_loop3A_165], %parallel_loop3A_162 : memref<25600xf32, #tpu.memory_space<vmem>>[vector<16xi32>], vector<16xf32>,
        %parallel_loop3A_166 = arith.constant 9 : i32
        %parallel_loop3A_167 = vector.broadcast %parallel_loop3A_166 : i32 to vector<16xi32>
        %parallel_loop3A_168 = tpu.vector_load_idx %arg6[%parallel_loop3A_101, %parallel_loop3A_167] : memref<800x32xf32, #tpu.memory_space<vmem>>[vector<16xi32>, vector<16xi32>], vector<16xf32>,
        %parallel_loop3A_169 = arith.constant 1800 : i32
        %parallel_loop3A_170 = vector.broadcast %parallel_loop3A_169 : i32 to vector<16xi32>
        %parallel_loop3A_171 = arith.addi %parallel_loop3A_111, %parallel_loop3A_170 : vector<16xi32>
        tpu.vector_store_idx %arg8[%parallel_loop3A_171], %parallel_loop3A_168 : memref<25600xf32, #tpu.memory_space<vmem>>[vector<16xi32>], vector<16xf32>,
        %parallel_loop3A_172 = arith.constant 10 : i32
        %parallel_loop3A_173 = vector.broadcast %parallel_loop3A_172 : i32 to vector<16xi32>
        %parallel_loop3A_174 = tpu.vector_load_idx %arg6[%parallel_loop3A_101, %parallel_loop3A_173] : memref<800x32xf32, #tpu.memory_space<vmem>>[vector<16xi32>, vector<16xi32>], vector<16xf32>,
        %parallel_loop3A_175 = arith.constant 2000 : i32
        %parallel_loop3A_176 = vector.broadcast %parallel_loop3A_175 : i32 to vector<16xi32>
        %parallel_loop3A_177 = arith.addi %parallel_loop3A_111, %parallel_loop3A_176 : vector<16xi32>
        tpu.vector_store_idx %arg8[%parallel_loop3A_177], %parallel_loop3A_174 : memref<25600xf32, #tpu.memory_space<vmem>>[vector<16xi32>], vector<16xf32>,
        %parallel_loop3A_178 = arith.constant 11 : i32
        %parallel_loop3A_179 = vector.broadcast %parallel_loop3A_178 : i32 to vector<16xi32>
        %parallel_loop3A_180 = tpu.vector_load_idx %arg6[%parallel_loop3A_101, %parallel_loop3A_179] : memref<800x32xf32, #tpu.memory_space<vmem>>[vector<16xi32>, vector<16xi32>], vector<16xf32>,
        %parallel_loop3A_181 = arith.constant 2200 : i32
        %parallel_loop3A_182 = vector.broadcast %parallel_loop3A_181 : i32 to vector<16xi32>
        %parallel_loop3A_183 = arith.addi %parallel_loop3A_111, %parallel_loop3A_182 : vector<16xi32>
        tpu.vector_store_idx %arg8[%parallel_loop3A_183], %parallel_loop3A_180 : memref<25600xf32, #tpu.memory_space<vmem>>[vector<16xi32>], vector<16xf32>,
        %parallel_loop3A_184 = arith.constant 12 : i32
        %parallel_loop3A_185 = vector.broadcast %parallel_loop3A_184 : i32 to vector<16xi32>
        %parallel_loop3A_186 = tpu.vector_load_idx %arg6[%parallel_loop3A_101, %parallel_loop3A_185] : memref<800x32xf32, #tpu.memory_space<vmem>>[vector<16xi32>, vector<16xi32>], vector<16xf32>,
        %parallel_loop3A_187 = arith.constant 2400 : i32
        %parallel_loop3A_188 = vector.broadcast %parallel_loop3A_187 : i32 to vector<16xi32>
        %parallel_loop3A_189 = arith.addi %parallel_loop3A_111, %parallel_loop3A_188 : vector<16xi32>
        tpu.vector_store_idx %arg8[%parallel_loop3A_189], %parallel_loop3A_186 : memref<25600xf32, #tpu.memory_space<vmem>>[vector<16xi32>], vector<16xf32>,
        %parallel_loop3A_190 = arith.constant 13 : i32
        %parallel_loop3A_191 = vector.broadcast %parallel_loop3A_190 : i32 to vector<16xi32>
        %parallel_loop3A_192 = tpu.vector_load_idx %arg6[%parallel_loop3A_101, %parallel_loop3A_191] : memref<800x32xf32, #tpu.memory_space<vmem>>[vector<16xi32>, vector<16xi32>], vector<16xf32>,
        %parallel_loop3A_193 = arith.constant 2600 : i32
        %parallel_loop3A_194 = vector.broadcast %parallel_loop3A_193 : i32 to vector<16xi32>
        %parallel_loop3A_195 = arith.addi %parallel_loop3A_111, %parallel_loop3A_194 : vector<16xi32>
        tpu.vector_store_idx %arg8[%parallel_loop3A_195], %parallel_loop3A_192 : memref<25600xf32, #tpu.memory_space<vmem>>[vector<16xi32>], vector<16xf32>,
        %parallel_loop3A_196 = arith.constant 14 : i32
        %parallel_loop3A_197 = vector.broadcast %parallel_loop3A_196 : i32 to vector<16xi32>
        %parallel_loop3A_198 = tpu.vector_load_idx %arg6[%parallel_loop3A_101, %parallel_loop3A_197] : memref<800x32xf32, #tpu.memory_space<vmem>>[vector<16xi32>, vector<16xi32>], vector<16xf32>,
        %parallel_loop3A_199 = arith.constant 2800 : i32
        %parallel_loop3A_200 = vector.broadcast %parallel_loop3A_199 : i32 to vector<16xi32>
        %parallel_loop3A_201 = arith.addi %parallel_loop3A_111, %parallel_loop3A_200 : vector<16xi32>
        tpu.vector_store_idx %arg8[%parallel_loop3A_201], %parallel_loop3A_198 : memref<25600xf32, #tpu.memory_space<vmem>>[vector<16xi32>], vector<16xf32>,
        %parallel_loop3A_202 = arith.constant 15 : i32
        %parallel_loop3A_203 = vector.broadcast %parallel_loop3A_202 : i32 to vector<16xi32>
        %parallel_loop3A_204 = tpu.vector_load_idx %arg6[%parallel_loop3A_101, %parallel_loop3A_203] : memref<800x32xf32, #tpu.memory_space<vmem>>[vector<16xi32>, vector<16xi32>], vector<16xf32>,
        %parallel_loop3A_205 = arith.constant 3000 : i32
        %parallel_loop3A_206 = vector.broadcast %parallel_loop3A_205 : i32 to vector<16xi32>
        %parallel_loop3A_207 = arith.addi %parallel_loop3A_111, %parallel_loop3A_206 : vector<16xi32>
        tpu.vector_store_idx %arg8[%parallel_loop3A_207], %parallel_loop3A_204 : memref<25600xf32, #tpu.memory_space<vmem>>[vector<16xi32>], vector<16xf32>,
        %parallel_loop3A_208 = arith.constant 16 : i32
        %parallel_loop3A_209 = vector.broadcast %parallel_loop3A_208 : i32 to vector<16xi32>
        %parallel_loop3A_210 = tpu.vector_load_idx %arg6[%parallel_loop3A_101, %parallel_loop3A_209] : memref<800x32xf32, #tpu.memory_space<vmem>>[vector<16xi32>, vector<16xi32>], vector<16xf32>,
        %parallel_loop3A_211 = arith.constant 3200 : i32
        %parallel_loop3A_212 = vector.broadcast %parallel_loop3A_211 : i32 to vector<16xi32>
        %parallel_loop3A_213 = arith.addi %parallel_loop3A_111, %parallel_loop3A_212 : vector<16xi32>
        tpu.vector_store_idx %arg8[%parallel_loop3A_213], %parallel_loop3A_210 : memref<25600xf32, #tpu.memory_space<vmem>>[vector<16xi32>], vector<16xf32>,
        %parallel_loop3A_214 = arith.constant 17 : i32
        %parallel_loop3A_215 = vector.broadcast %parallel_loop3A_214 : i32 to vector<16xi32>
        %parallel_loop3A_216 = tpu.vector_load_idx %arg6[%parallel_loop3A_101, %parallel_loop3A_215] : memref<800x32xf32, #tpu.memory_space<vmem>>[vector<16xi32>, vector<16xi32>], vector<16xf32>,
        %parallel_loop3A_217 = arith.constant 3400 : i32
        %parallel_loop3A_218 = vector.broadcast %parallel_loop3A_217 : i32 to vector<16xi32>
        %parallel_loop3A_219 = arith.addi %parallel_loop3A_111, %parallel_loop3A_218 : vector<16xi32>
        tpu.vector_store_idx %arg8[%parallel_loop3A_219], %parallel_loop3A_216 : memref<25600xf32, #tpu.memory_space<vmem>>[vector<16xi32>], vector<16xf32>,
        %parallel_loop3A_220 = arith.constant 18 : i32
        %parallel_loop3A_221 = vector.broadcast %parallel_loop3A_220 : i32 to vector<16xi32>
        %parallel_loop3A_222 = tpu.vector_load_idx %arg6[%parallel_loop3A_101, %parallel_loop3A_221] : memref<800x32xf32, #tpu.memory_space<vmem>>[vector<16xi32>, vector<16xi32>], vector<16xf32>,
        %parallel_loop3A_223 = arith.constant 3600 : i32
        %parallel_loop3A_224 = vector.broadcast %parallel_loop3A_223 : i32 to vector<16xi32>
        %parallel_loop3A_225 = arith.addi %parallel_loop3A_111, %parallel_loop3A_224 : vector<16xi32>
        tpu.vector_store_idx %arg8[%parallel_loop3A_225], %parallel_loop3A_222 : memref<25600xf32, #tpu.memory_space<vmem>>[vector<16xi32>], vector<16xf32>,
        %parallel_loop3A_226 = arith.constant 19 : i32
        %parallel_loop3A_227 = vector.broadcast %parallel_loop3A_226 : i32 to vector<16xi32>
        %parallel_loop3A_228 = tpu.vector_load_idx %arg6[%parallel_loop3A_101, %parallel_loop3A_227] : memref<800x32xf32, #tpu.memory_space<vmem>>[vector<16xi32>, vector<16xi32>], vector<16xf32>,
        %parallel_loop3A_229 = arith.constant 3800 : i32
        %parallel_loop3A_230 = vector.broadcast %parallel_loop3A_229 : i32 to vector<16xi32>
        %parallel_loop3A_231 = arith.addi %parallel_loop3A_111, %parallel_loop3A_230 : vector<16xi32>
        tpu.vector_store_idx %arg8[%parallel_loop3A_231], %parallel_loop3A_228 : memref<25600xf32, #tpu.memory_space<vmem>>[vector<16xi32>], vector<16xf32>,
        %parallel_loop3A_232 = arith.constant 20 : i32
        %parallel_loop3A_233 = vector.broadcast %parallel_loop3A_232 : i32 to vector<16xi32>
        %parallel_loop3A_234 = tpu.vector_load_idx %arg6[%parallel_loop3A_101, %parallel_loop3A_233] : memref<800x32xf32, #tpu.memory_space<vmem>>[vector<16xi32>, vector<16xi32>], vector<16xf32>,
        %parallel_loop3A_235 = arith.constant 4000 : i32
        %parallel_loop3A_236 = vector.broadcast %parallel_loop3A_235 : i32 to vector<16xi32>
        %parallel_loop3A_237 = arith.addi %parallel_loop3A_111, %parallel_loop3A_236 : vector<16xi32>
        tpu.vector_store_idx %arg8[%parallel_loop3A_237], %parallel_loop3A_234 : memref<25600xf32, #tpu.memory_space<vmem>>[vector<16xi32>], vector<16xf32>,
        %parallel_loop3A_238 = arith.constant 21 : i32
        %parallel_loop3A_239 = vector.broadcast %parallel_loop3A_238 : i32 to vector<16xi32>
        %parallel_loop3A_240 = tpu.vector_load_idx %arg6[%parallel_loop3A_101, %parallel_loop3A_239] : memref<800x32xf32, #tpu.memory_space<vmem>>[vector<16xi32>, vector<16xi32>], vector<16xf32>,
        %parallel_loop3A_241 = arith.constant 4200 : i32
        %parallel_loop3A_242 = vector.broadcast %parallel_loop3A_241 : i32 to vector<16xi32>
        %parallel_loop3A_243 = arith.addi %parallel_loop3A_111, %parallel_loop3A_242 : vector<16xi32>
        tpu.vector_store_idx %arg8[%parallel_loop3A_243], %parallel_loop3A_240 : memref<25600xf32, #tpu.memory_space<vmem>>[vector<16xi32>], vector<16xf32>,
        %parallel_loop3A_244 = arith.constant 22 : i32
        %parallel_loop3A_245 = vector.broadcast %parallel_loop3A_244 : i32 to vector<16xi32>
        %parallel_loop3A_246 = tpu.vector_load_idx %arg6[%parallel_loop3A_101, %parallel_loop3A_245] : memref<800x32xf32, #tpu.memory_space<vmem>>[vector<16xi32>, vector<16xi32>], vector<16xf32>,
        %parallel_loop3A_247 = arith.constant 4400 : i32
        %parallel_loop3A_248 = vector.broadcast %parallel_loop3A_247 : i32 to vector<16xi32>
        %parallel_loop3A_249 = arith.addi %parallel_loop3A_111, %parallel_loop3A_248 : vector<16xi32>
        tpu.vector_store_idx %arg8[%parallel_loop3A_249], %parallel_loop3A_246 : memref<25600xf32, #tpu.memory_space<vmem>>[vector<16xi32>], vector<16xf32>,
        %parallel_loop3A_250 = arith.constant 23 : i32
        %parallel_loop3A_251 = vector.broadcast %parallel_loop3A_250 : i32 to vector<16xi32>
        %parallel_loop3A_252 = tpu.vector_load_idx %arg6[%parallel_loop3A_101, %parallel_loop3A_251] : memref<800x32xf32, #tpu.memory_space<vmem>>[vector<16xi32>, vector<16xi32>], vector<16xf32>,
        %parallel_loop3A_253 = arith.constant 4600 : i32
        %parallel_loop3A_254 = vector.broadcast %parallel_loop3A_253 : i32 to vector<16xi32>
        %parallel_loop3A_255 = arith.addi %parallel_loop3A_111, %parallel_loop3A_254 : vector<16xi32>
        tpu.vector_store_idx %arg8[%parallel_loop3A_255], %parallel_loop3A_252 : memref<25600xf32, #tpu.memory_space<vmem>>[vector<16xi32>], vector<16xf32>,
        %parallel_loop3A_256 = arith.constant 24 : i32
        %parallel_loop3A_257 = vector.broadcast %parallel_loop3A_256 : i32 to vector<16xi32>
        %parallel_loop3A_258 = tpu.vector_load_idx %arg6[%parallel_loop3A_101, %parallel_loop3A_257] : memref<800x32xf32, #tpu.memory_space<vmem>>[vector<16xi32>, vector<16xi32>], vector<16xf32>,
        %parallel_loop3A_259 = arith.constant 4800 : i32
        %parallel_loop3A_260 = vector.broadcast %parallel_loop3A_259 : i32 to vector<16xi32>
        %parallel_loop3A_261 = arith.addi %parallel_loop3A_111, %parallel_loop3A_260 : vector<16xi32>
        tpu.vector_store_idx %arg8[%parallel_loop3A_261], %parallel_loop3A_258 : memref<25600xf32, #tpu.memory_space<vmem>>[vector<16xi32>], vector<16xf32>,
        %parallel_loop3A_262 = arith.constant 25 : i32
        %parallel_loop3A_263 = vector.broadcast %parallel_loop3A_262 : i32 to vector<16xi32>
        %parallel_loop3A_264 = tpu.vector_load_idx %arg6[%parallel_loop3A_101, %parallel_loop3A_263] : memref<800x32xf32, #tpu.memory_space<vmem>>[vector<16xi32>, vector<16xi32>], vector<16xf32>,
        %parallel_loop3A_265 = arith.constant 5000 : i32
        %parallel_loop3A_266 = vector.broadcast %parallel_loop3A_265 : i32 to vector<16xi32>
        %parallel_loop3A_267 = arith.addi %parallel_loop3A_111, %parallel_loop3A_266 : vector<16xi32>
        tpu.vector_store_idx %arg8[%parallel_loop3A_267], %parallel_loop3A_264 : memref<25600xf32, #tpu.memory_space<vmem>>[vector<16xi32>], vector<16xf32>,
        %parallel_loop3A_268 = arith.constant 26 : i32
        %parallel_loop3A_269 = vector.broadcast %parallel_loop3A_268 : i32 to vector<16xi32>
        %parallel_loop3A_270 = tpu.vector_load_idx %arg6[%parallel_loop3A_101, %parallel_loop3A_269] : memref<800x32xf32, #tpu.memory_space<vmem>>[vector<16xi32>, vector<16xi32>], vector<16xf32>,
        %parallel_loop3A_271 = arith.constant 5200 : i32
        %parallel_loop3A_272 = vector.broadcast %parallel_loop3A_271 : i32 to vector<16xi32>
        %parallel_loop3A_273 = arith.addi %parallel_loop3A_111, %parallel_loop3A_272 : vector<16xi32>
        tpu.vector_store_idx %arg8[%parallel_loop3A_273], %parallel_loop3A_270 : memref<25600xf32, #tpu.memory_space<vmem>>[vector<16xi32>], vector<16xf32>,
        %parallel_loop3A_274 = arith.constant 27 : i32
        %parallel_loop3A_275 = vector.broadcast %parallel_loop3A_274 : i32 to vector<16xi32>
        %parallel_loop3A_276 = tpu.vector_load_idx %arg6[%parallel_loop3A_101, %parallel_loop3A_275] : memref<800x32xf32, #tpu.memory_space<vmem>>[vector<16xi32>, vector<16xi32>], vector<16xf32>,
        %parallel_loop3A_277 = arith.constant 5400 : i32
        %parallel_loop3A_278 = vector.broadcast %parallel_loop3A_277 : i32 to vector<16xi32>
        %parallel_loop3A_279 = arith.addi %parallel_loop3A_111, %parallel_loop3A_278 : vector<16xi32>
        tpu.vector_store_idx %arg8[%parallel_loop3A_279], %parallel_loop3A_276 : memref<25600xf32, #tpu.memory_space<vmem>>[vector<16xi32>], vector<16xf32>,
        %parallel_loop3A_280 = arith.constant 28 : i32
        %parallel_loop3A_281 = vector.broadcast %parallel_loop3A_280 : i32 to vector<16xi32>
        %parallel_loop3A_282 = tpu.vector_load_idx %arg6[%parallel_loop3A_101, %parallel_loop3A_281] : memref<800x32xf32, #tpu.memory_space<vmem>>[vector<16xi32>, vector<16xi32>], vector<16xf32>,
        %parallel_loop3A_283 = arith.constant 5600 : i32
        %parallel_loop3A_284 = vector.broadcast %parallel_loop3A_283 : i32 to vector<16xi32>
        %parallel_loop3A_285 = arith.addi %parallel_loop3A_111, %parallel_loop3A_284 : vector<16xi32>
        tpu.vector_store_idx %arg8[%parallel_loop3A_285], %parallel_loop3A_282 : memref<25600xf32, #tpu.memory_space<vmem>>[vector<16xi32>], vector<16xf32>,
        %parallel_loop3A_286 = arith.constant 29 : i32
        %parallel_loop3A_287 = vector.broadcast %parallel_loop3A_286 : i32 to vector<16xi32>
        %parallel_loop3A_288 = tpu.vector_load_idx %arg6[%parallel_loop3A_101, %parallel_loop3A_287] : memref<800x32xf32, #tpu.memory_space<vmem>>[vector<16xi32>, vector<16xi32>], vector<16xf32>,
        %parallel_loop3A_289 = arith.constant 5800 : i32
        %parallel_loop3A_290 = vector.broadcast %parallel_loop3A_289 : i32 to vector<16xi32>
        %parallel_loop3A_291 = arith.addi %parallel_loop3A_111, %parallel_loop3A_290 : vector<16xi32>
        tpu.vector_store_idx %arg8[%parallel_loop3A_291], %parallel_loop3A_288 : memref<25600xf32, #tpu.memory_space<vmem>>[vector<16xi32>], vector<16xf32>,
        %parallel_loop3A_292 = arith.constant 30 : i32
        %parallel_loop3A_293 = vector.broadcast %parallel_loop3A_292 : i32 to vector<16xi32>
        %parallel_loop3A_294 = tpu.vector_load_idx %arg6[%parallel_loop3A_101, %parallel_loop3A_293] : memref<800x32xf32, #tpu.memory_space<vmem>>[vector<16xi32>, vector<16xi32>], vector<16xf32>,
        %parallel_loop3A_295 = arith.constant 6000 : i32
        %parallel_loop3A_296 = vector.broadcast %parallel_loop3A_295 : i32 to vector<16xi32>
        %parallel_loop3A_297 = arith.addi %parallel_loop3A_111, %parallel_loop3A_296 : vector<16xi32>
        tpu.vector_store_idx %arg8[%parallel_loop3A_297], %parallel_loop3A_294 : memref<25600xf32, #tpu.memory_space<vmem>>[vector<16xi32>], vector<16xf32>,
        %parallel_loop3A_298 = arith.constant 31 : i32
        %parallel_loop3A_299 = vector.broadcast %parallel_loop3A_298 : i32 to vector<16xi32>
        %parallel_loop3A_300 = tpu.vector_load_idx %arg6[%parallel_loop3A_101, %parallel_loop3A_299] : memref<800x32xf32, #tpu.memory_space<vmem>>[vector<16xi32>, vector<16xi32>], vector<16xf32>,
        %parallel_loop3A_301 = arith.constant 6200 : i32
        %parallel_loop3A_302 = vector.broadcast %parallel_loop3A_301 : i32 to vector<16xi32>
        %parallel_loop3A_303 = arith.addi %parallel_loop3A_111, %parallel_loop3A_302 : vector<16xi32>
        tpu.vector_store_idx %arg8[%parallel_loop3A_303], %parallel_loop3A_300 : memref<25600xf32, #tpu.memory_space<vmem>>[vector<16xi32>], vector<16xf32>,
      } {sc.loop_unroll_factor = 2 : i64, sc.parallel_access}
      %mul3A_55 = arith.constant 32 : i32
      %mul3A_56 = arith.muli %add3A, %mul3A_55 : i32
      %add3A_57 = arith.addi %mul3A_56, %mul3A_35 : i32
      %mul3A_58 = arith.constant 800 : i32
      %mul3A_59 = arith.muli %add3A_57, %mul3A_58 : i32
      %mul3A_60 = arith.constant 32 : i32
      %mul3A_61 = arith.muli %mul3A_59, %mul3A_60 : i32
      %dma_start3A_62 = tpu.memref_slice %arg4[%mul3A_61] : memref<26214400xf32, #tpu.memory_space<hbm>> -> memref<25600xf32, #tpu.memory_space<hbm>>
      %dma_start3A_63 = tpu.memref_slice %arg4[%mul3A_61] : memref<26214400xf32, #tpu.memory_space<hbm>> -> memref<25600xf32, #tpu.memory_space<hbm>>
      tpu.enqueue_dma source(%arg8 : memref<25600xf32, #tpu.memory_space<vmem>>) target(%dma_start3A_63 : memref<25600xf32, #tpu.memory_space<hbm>>) target_semaphore(%arg12 : memref<!tpu.dma_semaphore, #tpu.memory_space<semaphore_mem>>)
      %add3A_64 = arith.constant 2 : i32
      %add3A_65 = arith.addi %mul3A_35, %add3A_64 : i32
      %lt3A = arith.constant 32 : i32
      %lt3A_66 = arith.cmpi slt, %add3A_65, %lt3A : i32
      %convert_element_type3A_67 = arith.extui %lt3A_66 : i1 to i32
      %cond3A_68 = arith.constant 0 : i32
      %cond3A_69 = arith.cmpi ne, %convert_element_type3A_67, %cond3A_68 : i32
      scf.if %cond3A_69 {
        %add3A_97 = arith.constant 2 : i32
        %add3A_98 = arith.addi %mul3A_35, %add3A_97 : i32
        %mul3A_99 = arith.constant 800 : i32
        %mul3A_100 = arith.muli %add3A_98, %mul3A_99 : i32
        %dma_start3A_101 = tpu.memref_slice %arg5[%mul3A_100] : memref<25600xi32, #tpu.memory_space<vmem>> -> memref<800xi32, #tpu.memory_space<vmem>>
        %dma_start3A_102 = arith.constant 0 : i32
        %dma_start3A_103 = arith.constant 0 : i32
        %dma_start3A_104 = tpu.memref_slice %arg2[%dma_start3A_102, %dma_start3A_103] : memref<1007616x32xf32, #tpu.memory_space<hbm>> -> memref<1007616x32xf32, #tpu.memory_space<hbm>>
        tpu.enqueue_indirect_dma source(%dma_start3A_104 : memref<1007616x32xf32, #tpu.memory_space<hbm>>) target(%arg6 : memref<800x32xf32, #tpu.memory_space<vmem>>) offsets(%dma_start3A_101 : memref<800xi32, #tpu.memory_space<vmem>>) semaphore(%arg10 : memref<!tpu.dma_semaphore, #tpu.memory_space<semaphore_mem>>)
      } else {
      }
      %add3A_70 = arith.constant 1 : i32
      %add3A_71 = arith.addi %mul3A_35, %add3A_70 : i32
      %mul3A_72 = arith.constant 800 : i32
      %mul3A_73 = arith.muli %add3A_71, %mul3A_72 : i32
      %dma_wait3A_74 = tpu.memref_slice %arg5[%mul3A_73] : memref<25600xi32, #tpu.memory_space<vmem>> -> memref<800xi32, #tpu.memory_space<vmem>>
      %dma_wait3A_75 = arith.constant 0 : i32
      %dma_wait3A_76 = arith.constant 0 : i32
      %dma_wait3A_77 = tpu.memref_slice %arg2[%dma_wait3A_75, %dma_wait3A_76] : memref<1007616x32xf32, #tpu.memory_space<hbm>> -> memref<1007616x32xf32, #tpu.memory_space<hbm>>
      tpu.wait_indirect_dma semaphore(%arg11 : memref<!tpu.dma_semaphore, #tpu.memory_space<semaphore_mem>>) src(%dma_wait3A_77 : memref<1007616x32xf32, #tpu.memory_space<hbm>>) dst(%arg7 : memref<800x32xf32, #tpu.memory_space<vmem>>)
      %gt3A_78 = arith.constant 0 : i32
      %gt3A_79 = arith.cmpi sgt, %scan3A_33, %gt3A_78 : i32
      %convert_element_type3A_80 = arith.extui %gt3A_79 : i1 to i32
      %cond3A_81 = arith.constant 0 : i32
      %cond3A_82 = arith.cmpi ne, %convert_element_type3A_80, %cond3A_81 : i32
      scf.if %cond3A_82 {
        %sub3A = arith.constant 1 : i32
        %sub3A_97 = arith.subi %mul3A_35, %sub3A : i32
        %mul3A_98 = arith.constant 32 : i32
        %mul3A_99 = arith.muli %add3A, %mul3A_98 : i32
        %add3A_100 = arith.addi %mul3A_99, %sub3A_97 : i32
        %mul3A_101 = arith.constant 800 : i32
        %mul3A_102 = arith.muli %add3A_100, %mul3A_101 : i32
        %mul3A_103 = arith.constant 32 : i32
        %mul3A_104 = arith.muli %mul3A_102, %mul3A_103 : i32
        %dma_wait3A_105 = tpu.memref_slice %arg4[%mul3A_104] : memref<26214400xf32, #tpu.memory_space<hbm>> -> memref<25600xf32, #tpu.memory_space<hbm>>
        %dma_wait3A_106 = tpu.memref_slice %arg4[%mul3A_104] : memref<26214400xf32, #tpu.memory_space<hbm>> -> memref<25600xf32, #tpu.memory_space<hbm>>
        tpu.wait_dma2 semaphore(%arg13 : memref<!tpu.dma_semaphore, #tpu.memory_space<semaphore_mem>>) src(%arg9 : memref<25600xf32, #tpu.memory_space<vmem>>) dst(%dma_wait3A_106 : memref<25600xf32, #tpu.memory_space<hbm>>)
      } else {
      }
      %parallel_loop3A_83 = arith.constant 0 : i32
      %parallel_loop3A_84 = arith.constant 50 : i32
      %parallel_loop3A_85 = arith.constant 1 : i32
      scf.for %parallel_loop3A_97 = %parallel_loop3A_83 to %parallel_loop3A_84 step %parallel_loop3A_85  : i32 {
        %parallel_loop3A_98 = arith.constant 16 : i32
        %parallel_loop3A_99 = arith.muli %parallel_loop3A_97, %parallel_loop3A_98 : i32
        %parallel_loop3A_100 = vector.broadcast %parallel_loop3A_99 : i32 to vector<16xi32>
        %parallel_loop3A_101 = arith.addi %parallel_loop3A_100, %iota3A : vector<16xi32>
        %parallel_loop3A_102 = arith.constant 41 : i32
        %parallel_loop3A_103 = vector.broadcast %parallel_loop3A_102 : i32 to vector<16xi32>
        %parallel_loop3A_104 = arith.muli %parallel_loop3A_101, %parallel_loop3A_103 : vector<16xi32>
        %parallel_loop3A_105 = arith.constant 13 : i32
        %parallel_loop3A_106 = vector.broadcast %parallel_loop3A_105 : i32 to vector<16xi32>
        %parallel_loop3A_107 = arith.shrsi %parallel_loop3A_104, %parallel_loop3A_106 : vector<16xi32>
        %parallel_loop3A_108 = arith.constant 6200 : i32
        %parallel_loop3A_109 = vector.broadcast %parallel_loop3A_108 : i32 to vector<16xi32>
        %parallel_loop3A_110 = arith.muli %parallel_loop3A_107, %parallel_loop3A_109 : vector<16xi32>
        %parallel_loop3A_111 = arith.addi %parallel_loop3A_101, %parallel_loop3A_110 : vector<16xi32>
        %parallel_loop3A_112 = arith.constant 0 : i32
        %parallel_loop3A_113 = vector.broadcast %parallel_loop3A_112 : i32 to vector<16xi32>
        %parallel_loop3A_114 = tpu.vector_load_idx %arg7[%parallel_loop3A_101, %parallel_loop3A_113] : memref<800x32xf32, #tpu.memory_space<vmem>>[vector<16xi32>, vector<16xi32>], vector<16xf32>,
        %parallel_loop3A_115 = arith.constant 0 : i32
        %parallel_loop3A_116 = vector.broadcast %parallel_loop3A_115 : i32 to vector<16xi32>
        %parallel_loop3A_117 = arith.addi %parallel_loop3A_111, %parallel_loop3A_116 : vector<16xi32>
        tpu.vector_store_idx %arg9[%parallel_loop3A_117], %parallel_loop3A_114 : memref<25600xf32, #tpu.memory_space<vmem>>[vector<16xi32>], vector<16xf32>,
        %parallel_loop3A_118 = arith.constant 1 : i32
        %parallel_loop3A_119 = vector.broadcast %parallel_loop3A_118 : i32 to vector<16xi32>
        %parallel_loop3A_120 = tpu.vector_load_idx %arg7[%parallel_loop3A_101, %parallel_loop3A_119] : memref<800x32xf32, #tpu.memory_space<vmem>>[vector<16xi32>, vector<16xi32>], vector<16xf32>,
        %parallel_loop3A_121 = arith.constant 200 : i32
        %parallel_loop3A_122 = vector.broadcast %parallel_loop3A_121 : i32 to vector<16xi32>
        %parallel_loop3A_123 = arith.addi %parallel_loop3A_111, %parallel_loop3A_122 : vector<16xi32>
        tpu.vector_store_idx %arg9[%parallel_loop3A_123], %parallel_loop3A_120 : memref<25600xf32, #tpu.memory_space<vmem>>[vector<16xi32>], vector<16xf32>,
        %parallel_loop3A_124 = arith.constant 2 : i32
        %parallel_loop3A_125 = vector.broadcast %parallel_loop3A_124 : i32 to vector<16xi32>
        %parallel_loop3A_126 = tpu.vector_load_idx %arg7[%parallel_loop3A_101, %parallel_loop3A_125] : memref<800x32xf32, #tpu.memory_space<vmem>>[vector<16xi32>, vector<16xi32>], vector<16xf32>,
        %parallel_loop3A_127 = arith.constant 400 : i32
        %parallel_loop3A_128 = vector.broadcast %parallel_loop3A_127 : i32 to vector<16xi32>
        %parallel_loop3A_129 = arith.addi %parallel_loop3A_111, %parallel_loop3A_128 : vector<16xi32>
        tpu.vector_store_idx %arg9[%parallel_loop3A_129], %parallel_loop3A_126 : memref<25600xf32, #tpu.memory_space<vmem>>[vector<16xi32>], vector<16xf32>,
        %parallel_loop3A_130 = arith.constant 3 : i32
        %parallel_loop3A_131 = vector.broadcast %parallel_loop3A_130 : i32 to vector<16xi32>
        %parallel_loop3A_132 = tpu.vector_load_idx %arg7[%parallel_loop3A_101, %parallel_loop3A_131] : memref<800x32xf32, #tpu.memory_space<vmem>>[vector<16xi32>, vector<16xi32>], vector<16xf32>,
        %parallel_loop3A_133 = arith.constant 600 : i32
        %parallel_loop3A_134 = vector.broadcast %parallel_loop3A_133 : i32 to vector<16xi32>
        %parallel_loop3A_135 = arith.addi %parallel_loop3A_111, %parallel_loop3A_134 : vector<16xi32>
        tpu.vector_store_idx %arg9[%parallel_loop3A_135], %parallel_loop3A_132 : memref<25600xf32, #tpu.memory_space<vmem>>[vector<16xi32>], vector<16xf32>,
        %parallel_loop3A_136 = arith.constant 4 : i32
        %parallel_loop3A_137 = vector.broadcast %parallel_loop3A_136 : i32 to vector<16xi32>
        %parallel_loop3A_138 = tpu.vector_load_idx %arg7[%parallel_loop3A_101, %parallel_loop3A_137] : memref<800x32xf32, #tpu.memory_space<vmem>>[vector<16xi32>, vector<16xi32>], vector<16xf32>,
        %parallel_loop3A_139 = arith.constant 800 : i32
        %parallel_loop3A_140 = vector.broadcast %parallel_loop3A_139 : i32 to vector<16xi32>
        %parallel_loop3A_141 = arith.addi %parallel_loop3A_111, %parallel_loop3A_140 : vector<16xi32>
        tpu.vector_store_idx %arg9[%parallel_loop3A_141], %parallel_loop3A_138 : memref<25600xf32, #tpu.memory_space<vmem>>[vector<16xi32>], vector<16xf32>,
        %parallel_loop3A_142 = arith.constant 5 : i32
        %parallel_loop3A_143 = vector.broadcast %parallel_loop3A_142 : i32 to vector<16xi32>
        %parallel_loop3A_144 = tpu.vector_load_idx %arg7[%parallel_loop3A_101, %parallel_loop3A_143] : memref<800x32xf32, #tpu.memory_space<vmem>>[vector<16xi32>, vector<16xi32>], vector<16xf32>,
        %parallel_loop3A_145 = arith.constant 1000 : i32
        %parallel_loop3A_146 = vector.broadcast %parallel_loop3A_145 : i32 to vector<16xi32>
        %parallel_loop3A_147 = arith.addi %parallel_loop3A_111, %parallel_loop3A_146 : vector<16xi32>
        tpu.vector_store_idx %arg9[%parallel_loop3A_147], %parallel_loop3A_144 : memref<25600xf32, #tpu.memory_space<vmem>>[vector<16xi32>], vector<16xf32>,
        %parallel_loop3A_148 = arith.constant 6 : i32
        %parallel_loop3A_149 = vector.broadcast %parallel_loop3A_148 : i32 to vector<16xi32>
        %parallel_loop3A_150 = tpu.vector_load_idx %arg7[%parallel_loop3A_101, %parallel_loop3A_149] : memref<800x32xf32, #tpu.memory_space<vmem>>[vector<16xi32>, vector<16xi32>], vector<16xf32>,
        %parallel_loop3A_151 = arith.constant 1200 : i32
        %parallel_loop3A_152 = vector.broadcast %parallel_loop3A_151 : i32 to vector<16xi32>
        %parallel_loop3A_153 = arith.addi %parallel_loop3A_111, %parallel_loop3A_152 : vector<16xi32>
        tpu.vector_store_idx %arg9[%parallel_loop3A_153], %parallel_loop3A_150 : memref<25600xf32, #tpu.memory_space<vmem>>[vector<16xi32>], vector<16xf32>,
        %parallel_loop3A_154 = arith.constant 7 : i32
        %parallel_loop3A_155 = vector.broadcast %parallel_loop3A_154 : i32 to vector<16xi32>
        %parallel_loop3A_156 = tpu.vector_load_idx %arg7[%parallel_loop3A_101, %parallel_loop3A_155] : memref<800x32xf32, #tpu.memory_space<vmem>>[vector<16xi32>, vector<16xi32>], vector<16xf32>,
        %parallel_loop3A_157 = arith.constant 1400 : i32
        %parallel_loop3A_158 = vector.broadcast %parallel_loop3A_157 : i32 to vector<16xi32>
        %parallel_loop3A_159 = arith.addi %parallel_loop3A_111, %parallel_loop3A_158 : vector<16xi32>
        tpu.vector_store_idx %arg9[%parallel_loop3A_159], %parallel_loop3A_156 : memref<25600xf32, #tpu.memory_space<vmem>>[vector<16xi32>], vector<16xf32>,
        %parallel_loop3A_160 = arith.constant 8 : i32
        %parallel_loop3A_161 = vector.broadcast %parallel_loop3A_160 : i32 to vector<16xi32>
        %parallel_loop3A_162 = tpu.vector_load_idx %arg7[%parallel_loop3A_101, %parallel_loop3A_161] : memref<800x32xf32, #tpu.memory_space<vmem>>[vector<16xi32>, vector<16xi32>], vector<16xf32>,
        %parallel_loop3A_163 = arith.constant 1600 : i32
        %parallel_loop3A_164 = vector.broadcast %parallel_loop3A_163 : i32 to vector<16xi32>
        %parallel_loop3A_165 = arith.addi %parallel_loop3A_111, %parallel_loop3A_164 : vector<16xi32>
        tpu.vector_store_idx %arg9[%parallel_loop3A_165], %parallel_loop3A_162 : memref<25600xf32, #tpu.memory_space<vmem>>[vector<16xi32>], vector<16xf32>,
        %parallel_loop3A_166 = arith.constant 9 : i32
        %parallel_loop3A_167 = vector.broadcast %parallel_loop3A_166 : i32 to vector<16xi32>
        %parallel_loop3A_168 = tpu.vector_load_idx %arg7[%parallel_loop3A_101, %parallel_loop3A_167] : memref<800x32xf32, #tpu.memory_space<vmem>>[vector<16xi32>, vector<16xi32>], vector<16xf32>,
        %parallel_loop3A_169 = arith.constant 1800 : i32
        %parallel_loop3A_170 = vector.broadcast %parallel_loop3A_169 : i32 to vector<16xi32>
        %parallel_loop3A_171 = arith.addi %parallel_loop3A_111, %parallel_loop3A_170 : vector<16xi32>
        tpu.vector_store_idx %arg9[%parallel_loop3A_171], %parallel_loop3A_168 : memref<25600xf32, #tpu.memory_space<vmem>>[vector<16xi32>], vector<16xf32>,
        %parallel_loop3A_172 = arith.constant 10 : i32
        %parallel_loop3A_173 = vector.broadcast %parallel_loop3A_172 : i32 to vector<16xi32>
        %parallel_loop3A_174 = tpu.vector_load_idx %arg7[%parallel_loop3A_101, %parallel_loop3A_173] : memref<800x32xf32, #tpu.memory_space<vmem>>[vector<16xi32>, vector<16xi32>], vector<16xf32>,
        %parallel_loop3A_175 = arith.constant 2000 : i32
        %parallel_loop3A_176 = vector.broadcast %parallel_loop3A_175 : i32 to vector<16xi32>
        %parallel_loop3A_177 = arith.addi %parallel_loop3A_111, %parallel_loop3A_176 : vector<16xi32>
        tpu.vector_store_idx %arg9[%parallel_loop3A_177], %parallel_loop3A_174 : memref<25600xf32, #tpu.memory_space<vmem>>[vector<16xi32>], vector<16xf32>,
        %parallel_loop3A_178 = arith.constant 11 : i32
        %parallel_loop3A_179 = vector.broadcast %parallel_loop3A_178 : i32 to vector<16xi32>
        %parallel_loop3A_180 = tpu.vector_load_idx %arg7[%parallel_loop3A_101, %parallel_loop3A_179] : memref<800x32xf32, #tpu.memory_space<vmem>>[vector<16xi32>, vector<16xi32>], vector<16xf32>,
        %parallel_loop3A_181 = arith.constant 2200 : i32
        %parallel_loop3A_182 = vector.broadcast %parallel_loop3A_181 : i32 to vector<16xi32>
        %parallel_loop3A_183 = arith.addi %parallel_loop3A_111, %parallel_loop3A_182 : vector<16xi32>
        tpu.vector_store_idx %arg9[%parallel_loop3A_183], %parallel_loop3A_180 : memref<25600xf32, #tpu.memory_space<vmem>>[vector<16xi32>], vector<16xf32>,
        %parallel_loop3A_184 = arith.constant 12 : i32
        %parallel_loop3A_185 = vector.broadcast %parallel_loop3A_184 : i32 to vector<16xi32>
        %parallel_loop3A_186 = tpu.vector_load_idx %arg7[%parallel_loop3A_101, %parallel_loop3A_185] : memref<800x32xf32, #tpu.memory_space<vmem>>[vector<16xi32>, vector<16xi32>], vector<16xf32>,
        %parallel_loop3A_187 = arith.constant 2400 : i32
        %parallel_loop3A_188 = vector.broadcast %parallel_loop3A_187 : i32 to vector<16xi32>
        %parallel_loop3A_189 = arith.addi %parallel_loop3A_111, %parallel_loop3A_188 : vector<16xi32>
        tpu.vector_store_idx %arg9[%parallel_loop3A_189], %parallel_loop3A_186 : memref<25600xf32, #tpu.memory_space<vmem>>[vector<16xi32>], vector<16xf32>,
        %parallel_loop3A_190 = arith.constant 13 : i32
        %parallel_loop3A_191 = vector.broadcast %parallel_loop3A_190 : i32 to vector<16xi32>
        %parallel_loop3A_192 = tpu.vector_load_idx %arg7[%parallel_loop3A_101, %parallel_loop3A_191] : memref<800x32xf32, #tpu.memory_space<vmem>>[vector<16xi32>, vector<16xi32>], vector<16xf32>,
        %parallel_loop3A_193 = arith.constant 2600 : i32
        %parallel_loop3A_194 = vector.broadcast %parallel_loop3A_193 : i32 to vector<16xi32>
        %parallel_loop3A_195 = arith.addi %parallel_loop3A_111, %parallel_loop3A_194 : vector<16xi32>
        tpu.vector_store_idx %arg9[%parallel_loop3A_195], %parallel_loop3A_192 : memref<25600xf32, #tpu.memory_space<vmem>>[vector<16xi32>], vector<16xf32>,
        %parallel_loop3A_196 = arith.constant 14 : i32
        %parallel_loop3A_197 = vector.broadcast %parallel_loop3A_196 : i32 to vector<16xi32>
        %parallel_loop3A_198 = tpu.vector_load_idx %arg7[%parallel_loop3A_101, %parallel_loop3A_197] : memref<800x32xf32, #tpu.memory_space<vmem>>[vector<16xi32>, vector<16xi32>], vector<16xf32>,
        %parallel_loop3A_199 = arith.constant 2800 : i32
        %parallel_loop3A_200 = vector.broadcast %parallel_loop3A_199 : i32 to vector<16xi32>
        %parallel_loop3A_201 = arith.addi %parallel_loop3A_111, %parallel_loop3A_200 : vector<16xi32>
        tpu.vector_store_idx %arg9[%parallel_loop3A_201], %parallel_loop3A_198 : memref<25600xf32, #tpu.memory_space<vmem>>[vector<16xi32>], vector<16xf32>,
        %parallel_loop3A_202 = arith.constant 15 : i32
        %parallel_loop3A_203 = vector.broadcast %parallel_loop3A_202 : i32 to vector<16xi32>
        %parallel_loop3A_204 = tpu.vector_load_idx %arg7[%parallel_loop3A_101, %parallel_loop3A_203] : memref<800x32xf32, #tpu.memory_space<vmem>>[vector<16xi32>, vector<16xi32>], vector<16xf32>,
        %parallel_loop3A_205 = arith.constant 3000 : i32
        %parallel_loop3A_206 = vector.broadcast %parallel_loop3A_205 : i32 to vector<16xi32>
        %parallel_loop3A_207 = arith.addi %parallel_loop3A_111, %parallel_loop3A_206 : vector<16xi32>
        tpu.vector_store_idx %arg9[%parallel_loop3A_207], %parallel_loop3A_204 : memref<25600xf32, #tpu.memory_space<vmem>>[vector<16xi32>], vector<16xf32>,
        %parallel_loop3A_208 = arith.constant 16 : i32
        %parallel_loop3A_209 = vector.broadcast %parallel_loop3A_208 : i32 to vector<16xi32>
        %parallel_loop3A_210 = tpu.vector_load_idx %arg7[%parallel_loop3A_101, %parallel_loop3A_209] : memref<800x32xf32, #tpu.memory_space<vmem>>[vector<16xi32>, vector<16xi32>], vector<16xf32>,
        %parallel_loop3A_211 = arith.constant 3200 : i32
        %parallel_loop3A_212 = vector.broadcast %parallel_loop3A_211 : i32 to vector<16xi32>
        %parallel_loop3A_213 = arith.addi %parallel_loop3A_111, %parallel_loop3A_212 : vector<16xi32>
        tpu.vector_store_idx %arg9[%parallel_loop3A_213], %parallel_loop3A_210 : memref<25600xf32, #tpu.memory_space<vmem>>[vector<16xi32>], vector<16xf32>,
        %parallel_loop3A_214 = arith.constant 17 : i32
        %parallel_loop3A_215 = vector.broadcast %parallel_loop3A_214 : i32 to vector<16xi32>
        %parallel_loop3A_216 = tpu.vector_load_idx %arg7[%parallel_loop3A_101, %parallel_loop3A_215] : memref<800x32xf32, #tpu.memory_space<vmem>>[vector<16xi32>, vector<16xi32>], vector<16xf32>,
        %parallel_loop3A_217 = arith.constant 3400 : i32
        %parallel_loop3A_218 = vector.broadcast %parallel_loop3A_217 : i32 to vector<16xi32>
        %parallel_loop3A_219 = arith.addi %parallel_loop3A_111, %parallel_loop3A_218 : vector<16xi32>
        tpu.vector_store_idx %arg9[%parallel_loop3A_219], %parallel_loop3A_216 : memref<25600xf32, #tpu.memory_space<vmem>>[vector<16xi32>], vector<16xf32>,
        %parallel_loop3A_220 = arith.constant 18 : i32
        %parallel_loop3A_221 = vector.broadcast %parallel_loop3A_220 : i32 to vector<16xi32>
        %parallel_loop3A_222 = tpu.vector_load_idx %arg7[%parallel_loop3A_101, %parallel_loop3A_221] : memref<800x32xf32, #tpu.memory_space<vmem>>[vector<16xi32>, vector<16xi32>], vector<16xf32>,
        %parallel_loop3A_223 = arith.constant 3600 : i32
        %parallel_loop3A_224 = vector.broadcast %parallel_loop3A_223 : i32 to vector<16xi32>
        %parallel_loop3A_225 = arith.addi %parallel_loop3A_111, %parallel_loop3A_224 : vector<16xi32>
        tpu.vector_store_idx %arg9[%parallel_loop3A_225], %parallel_loop3A_222 : memref<25600xf32, #tpu.memory_space<vmem>>[vector<16xi32>], vector<16xf32>,
        %parallel_loop3A_226 = arith.constant 19 : i32
        %parallel_loop3A_227 = vector.broadcast %parallel_loop3A_226 : i32 to vector<16xi32>
        %parallel_loop3A_228 = tpu.vector_load_idx %arg7[%parallel_loop3A_101, %parallel_loop3A_227] : memref<800x32xf32, #tpu.memory_space<vmem>>[vector<16xi32>, vector<16xi32>], vector<16xf32>,
        %parallel_loop3A_229 = arith.constant 3800 : i32
        %parallel_loop3A_230 = vector.broadcast %parallel_loop3A_229 : i32 to vector<16xi32>
        %parallel_loop3A_231 = arith.addi %parallel_loop3A_111, %parallel_loop3A_230 : vector<16xi32>
        tpu.vector_store_idx %arg9[%parallel_loop3A_231], %parallel_loop3A_228 : memref<25600xf32, #tpu.memory_space<vmem>>[vector<16xi32>], vector<16xf32>,
        %parallel_loop3A_232 = arith.constant 20 : i32
        %parallel_loop3A_233 = vector.broadcast %parallel_loop3A_232 : i32 to vector<16xi32>
        %parallel_loop3A_234 = tpu.vector_load_idx %arg7[%parallel_loop3A_101, %parallel_loop3A_233] : memref<800x32xf32, #tpu.memory_space<vmem>>[vector<16xi32>, vector<16xi32>], vector<16xf32>,
        %parallel_loop3A_235 = arith.constant 4000 : i32
        %parallel_loop3A_236 = vector.broadcast %parallel_loop3A_235 : i32 to vector<16xi32>
        %parallel_loop3A_237 = arith.addi %parallel_loop3A_111, %parallel_loop3A_236 : vector<16xi32>
        tpu.vector_store_idx %arg9[%parallel_loop3A_237], %parallel_loop3A_234 : memref<25600xf32, #tpu.memory_space<vmem>>[vector<16xi32>], vector<16xf32>,
        %parallel_loop3A_238 = arith.constant 21 : i32
        %parallel_loop3A_239 = vector.broadcast %parallel_loop3A_238 : i32 to vector<16xi32>
        %parallel_loop3A_240 = tpu.vector_load_idx %arg7[%parallel_loop3A_101, %parallel_loop3A_239] : memref<800x32xf32, #tpu.memory_space<vmem>>[vector<16xi32>, vector<16xi32>], vector<16xf32>,
        %parallel_loop3A_241 = arith.constant 4200 : i32
        %parallel_loop3A_242 = vector.broadcast %parallel_loop3A_241 : i32 to vector<16xi32>
        %parallel_loop3A_243 = arith.addi %parallel_loop3A_111, %parallel_loop3A_242 : vector<16xi32>
        tpu.vector_store_idx %arg9[%parallel_loop3A_243], %parallel_loop3A_240 : memref<25600xf32, #tpu.memory_space<vmem>>[vector<16xi32>], vector<16xf32>,
        %parallel_loop3A_244 = arith.constant 22 : i32
        %parallel_loop3A_245 = vector.broadcast %parallel_loop3A_244 : i32 to vector<16xi32>
        %parallel_loop3A_246 = tpu.vector_load_idx %arg7[%parallel_loop3A_101, %parallel_loop3A_245] : memref<800x32xf32, #tpu.memory_space<vmem>>[vector<16xi32>, vector<16xi32>], vector<16xf32>,
        %parallel_loop3A_247 = arith.constant 4400 : i32
        %parallel_loop3A_248 = vector.broadcast %parallel_loop3A_247 : i32 to vector<16xi32>
        %parallel_loop3A_249 = arith.addi %parallel_loop3A_111, %parallel_loop3A_248 : vector<16xi32>
        tpu.vector_store_idx %arg9[%parallel_loop3A_249], %parallel_loop3A_246 : memref<25600xf32, #tpu.memory_space<vmem>>[vector<16xi32>], vector<16xf32>,
        %parallel_loop3A_250 = arith.constant 23 : i32
        %parallel_loop3A_251 = vector.broadcast %parallel_loop3A_250 : i32 to vector<16xi32>
        %parallel_loop3A_252 = tpu.vector_load_idx %arg7[%parallel_loop3A_101, %parallel_loop3A_251] : memref<800x32xf32, #tpu.memory_space<vmem>>[vector<16xi32>, vector<16xi32>], vector<16xf32>,
        %parallel_loop3A_253 = arith.constant 4600 : i32
        %parallel_loop3A_254 = vector.broadcast %parallel_loop3A_253 : i32 to vector<16xi32>
        %parallel_loop3A_255 = arith.addi %parallel_loop3A_111, %parallel_loop3A_254 : vector<16xi32>
        tpu.vector_store_idx %arg9[%parallel_loop3A_255], %parallel_loop3A_252 : memref<25600xf32, #tpu.memory_space<vmem>>[vector<16xi32>], vector<16xf32>,
        %parallel_loop3A_256 = arith.constant 24 : i32
        %parallel_loop3A_257 = vector.broadcast %parallel_loop3A_256 : i32 to vector<16xi32>
        %parallel_loop3A_258 = tpu.vector_load_idx %arg7[%parallel_loop3A_101, %parallel_loop3A_257] : memref<800x32xf32, #tpu.memory_space<vmem>>[vector<16xi32>, vector<16xi32>], vector<16xf32>,
        %parallel_loop3A_259 = arith.constant 4800 : i32
        %parallel_loop3A_260 = vector.broadcast %parallel_loop3A_259 : i32 to vector<16xi32>
        %parallel_loop3A_261 = arith.addi %parallel_loop3A_111, %parallel_loop3A_260 : vector<16xi32>
        tpu.vector_store_idx %arg9[%parallel_loop3A_261], %parallel_loop3A_258 : memref<25600xf32, #tpu.memory_space<vmem>>[vector<16xi32>], vector<16xf32>,
        %parallel_loop3A_262 = arith.constant 25 : i32
        %parallel_loop3A_263 = vector.broadcast %parallel_loop3A_262 : i32 to vector<16xi32>
        %parallel_loop3A_264 = tpu.vector_load_idx %arg7[%parallel_loop3A_101, %parallel_loop3A_263] : memref<800x32xf32, #tpu.memory_space<vmem>>[vector<16xi32>, vector<16xi32>], vector<16xf32>,
        %parallel_loop3A_265 = arith.constant 5000 : i32
        %parallel_loop3A_266 = vector.broadcast %parallel_loop3A_265 : i32 to vector<16xi32>
        %parallel_loop3A_267 = arith.addi %parallel_loop3A_111, %parallel_loop3A_266 : vector<16xi32>
        tpu.vector_store_idx %arg9[%parallel_loop3A_267], %parallel_loop3A_264 : memref<25600xf32, #tpu.memory_space<vmem>>[vector<16xi32>], vector<16xf32>,
        %parallel_loop3A_268 = arith.constant 26 : i32
        %parallel_loop3A_269 = vector.broadcast %parallel_loop3A_268 : i32 to vector<16xi32>
        %parallel_loop3A_270 = tpu.vector_load_idx %arg7[%parallel_loop3A_101, %parallel_loop3A_269] : memref<800x32xf32, #tpu.memory_space<vmem>>[vector<16xi32>, vector<16xi32>], vector<16xf32>,
        %parallel_loop3A_271 = arith.constant 5200 : i32
        %parallel_loop3A_272 = vector.broadcast %parallel_loop3A_271 : i32 to vector<16xi32>
        %parallel_loop3A_273 = arith.addi %parallel_loop3A_111, %parallel_loop3A_272 : vector<16xi32>
        tpu.vector_store_idx %arg9[%parallel_loop3A_273], %parallel_loop3A_270 : memref<25600xf32, #tpu.memory_space<vmem>>[vector<16xi32>], vector<16xf32>,
        %parallel_loop3A_274 = arith.constant 27 : i32
        %parallel_loop3A_275 = vector.broadcast %parallel_loop3A_274 : i32 to vector<16xi32>
        %parallel_loop3A_276 = tpu.vector_load_idx %arg7[%parallel_loop3A_101, %parallel_loop3A_275] : memref<800x32xf32, #tpu.memory_space<vmem>>[vector<16xi32>, vector<16xi32>], vector<16xf32>,
        %parallel_loop3A_277 = arith.constant 5400 : i32
        %parallel_loop3A_278 = vector.broadcast %parallel_loop3A_277 : i32 to vector<16xi32>
        %parallel_loop3A_279 = arith.addi %parallel_loop3A_111, %parallel_loop3A_278 : vector<16xi32>
        tpu.vector_store_idx %arg9[%parallel_loop3A_279], %parallel_loop3A_276 : memref<25600xf32, #tpu.memory_space<vmem>>[vector<16xi32>], vector<16xf32>,
        %parallel_loop3A_280 = arith.constant 28 : i32
        %parallel_loop3A_281 = vector.broadcast %parallel_loop3A_280 : i32 to vector<16xi32>
        %parallel_loop3A_282 = tpu.vector_load_idx %arg7[%parallel_loop3A_101, %parallel_loop3A_281] : memref<800x32xf32, #tpu.memory_space<vmem>>[vector<16xi32>, vector<16xi32>], vector<16xf32>,
        %parallel_loop3A_283 = arith.constant 5600 : i32
        %parallel_loop3A_284 = vector.broadcast %parallel_loop3A_283 : i32 to vector<16xi32>
        %parallel_loop3A_285 = arith.addi %parallel_loop3A_111, %parallel_loop3A_284 : vector<16xi32>
        tpu.vector_store_idx %arg9[%parallel_loop3A_285], %parallel_loop3A_282 : memref<25600xf32, #tpu.memory_space<vmem>>[vector<16xi32>], vector<16xf32>,
        %parallel_loop3A_286 = arith.constant 29 : i32
        %parallel_loop3A_287 = vector.broadcast %parallel_loop3A_286 : i32 to vector<16xi32>
        %parallel_loop3A_288 = tpu.vector_load_idx %arg7[%parallel_loop3A_101, %parallel_loop3A_287] : memref<800x32xf32, #tpu.memory_space<vmem>>[vector<16xi32>, vector<16xi32>], vector<16xf32>,
        %parallel_loop3A_289 = arith.constant 5800 : i32
        %parallel_loop3A_290 = vector.broadcast %parallel_loop3A_289 : i32 to vector<16xi32>
        %parallel_loop3A_291 = arith.addi %parallel_loop3A_111, %parallel_loop3A_290 : vector<16xi32>
        tpu.vector_store_idx %arg9[%parallel_loop3A_291], %parallel_loop3A_288 : memref<25600xf32, #tpu.memory_space<vmem>>[vector<16xi32>], vector<16xf32>,
        %parallel_loop3A_292 = arith.constant 30 : i32
        %parallel_loop3A_293 = vector.broadcast %parallel_loop3A_292 : i32 to vector<16xi32>
        %parallel_loop3A_294 = tpu.vector_load_idx %arg7[%parallel_loop3A_101, %parallel_loop3A_293] : memref<800x32xf32, #tpu.memory_space<vmem>>[vector<16xi32>, vector<16xi32>], vector<16xf32>,
        %parallel_loop3A_295 = arith.constant 6000 : i32
        %parallel_loop3A_296 = vector.broadcast %parallel_loop3A_295 : i32 to vector<16xi32>
        %parallel_loop3A_297 = arith.addi %parallel_loop3A_111, %parallel_loop3A_296 : vector<16xi32>
        tpu.vector_store_idx %arg9[%parallel_loop3A_297], %parallel_loop3A_294 : memref<25600xf32, #tpu.memory_space<vmem>>[vector<16xi32>], vector<16xf32>,
        %parallel_loop3A_298 = arith.constant 31 : i32
        %parallel_loop3A_299 = vector.broadcast %parallel_loop3A_298 : i32 to vector<16xi32>
        %parallel_loop3A_300 = tpu.vector_load_idx %arg7[%parallel_loop3A_101, %parallel_loop3A_299] : memref<800x32xf32, #tpu.memory_space<vmem>>[vector<16xi32>, vector<16xi32>], vector<16xf32>,
        %parallel_loop3A_301 = arith.constant 6200 : i32
        %parallel_loop3A_302 = vector.broadcast %parallel_loop3A_301 : i32 to vector<16xi32>
        %parallel_loop3A_303 = arith.addi %parallel_loop3A_111, %parallel_loop3A_302 : vector<16xi32>
        tpu.vector_store_idx %arg9[%parallel_loop3A_303], %parallel_loop3A_300 : memref<25600xf32, #tpu.memory_space<vmem>>[vector<16xi32>], vector<16xf32>,
      } {sc.loop_unroll_factor = 2 : i64, sc.parallel_access}
      %add3A_86 = arith.constant 1 : i32
      %add3A_87 = arith.addi %mul3A_35, %add3A_86 : i32
      %mul3A_88 = arith.constant 32 : i32
      %mul3A_89 = arith.muli %add3A, %mul3A_88 : i32
      %add3A_90 = arith.addi %mul3A_89, %add3A_87 : i32
      %mul3A_91 = arith.constant 800 : i32
      %mul3A_92 = arith.muli %add3A_90, %mul3A_91 : i32
      %mul3A_93 = arith.constant 32 : i32
      %mul3A_94 = arith.muli %mul3A_92, %mul3A_93 : i32
      %dma_start3A_95 = tpu.memref_slice %arg4[%mul3A_94] : memref<26214400xf32, #tpu.memory_space<hbm>> -> memref<25600xf32, #tpu.memory_space<hbm>>
      %dma_start3A_96 = tpu.memref_slice %arg4[%mul3A_94] : memref<26214400xf32, #tpu.memory_space<hbm>> -> memref<25600xf32, #tpu.memory_space<hbm>>
      tpu.enqueue_dma source(%arg9 : memref<25600xf32, #tpu.memory_space<vmem>>) target(%dma_start3A_96 : memref<25600xf32, #tpu.memory_space<hbm>>) target_semaphore(%arg13 : memref<!tpu.dma_semaphore, #tpu.memory_space<semaphore_mem>>)
    }
    %scan3A_13 = arith.constant 16 : i32
    %mul3A_14 = arith.constant 32 : i32
    %mul3A_15 = arith.muli %add3A, %mul3A_14 : i32
    %add3A_16 = arith.constant 30 : i32
    %add3A_17 = arith.addi %mul3A_15, %add3A_16 : i32
    %mul3A_18 = arith.constant 800 : i32
    %mul3A_19 = arith.muli %add3A_17, %mul3A_18 : i32
    %mul3A_20 = arith.constant 32 : i32
    %mul3A_21 = arith.muli %mul3A_19, %mul3A_20 : i32
    %dma_wait3A = tpu.memref_slice %arg4[%mul3A_21] : memref<26214400xf32, #tpu.memory_space<hbm>> -> memref<25600xf32, #tpu.memory_space<hbm>>
    %dma_wait3A_22 = tpu.memref_slice %arg4[%mul3A_21] : memref<26214400xf32, #tpu.memory_space<hbm>> -> memref<25600xf32, #tpu.memory_space<hbm>>
    tpu.wait_dma2 semaphore(%arg12 : memref<!tpu.dma_semaphore, #tpu.memory_space<semaphore_mem>>) src(%arg8 : memref<25600xf32, #tpu.memory_space<vmem>>) dst(%dma_wait3A_22 : memref<25600xf32, #tpu.memory_space<hbm>>)
    %mul3A_23 = arith.constant 32 : i32
    %mul3A_24 = arith.muli %add3A, %mul3A_23 : i32
    %add3A_25 = arith.constant 31 : i32
    %add3A_26 = arith.addi %mul3A_24, %add3A_25 : i32
    %mul3A_27 = arith.constant 800 : i32
    %mul3A_28 = arith.muli %add3A_26, %mul3A_27 : i32
    %mul3A_29 = arith.constant 32 : i32
    %mul3A_30 = arith.muli %mul3A_28, %mul3A_29 : i32
    %dma_wait3A_31 = tpu.memref_slice %arg4[%mul3A_30] : memref<26214400xf32, #tpu.memory_space<hbm>> -> memref<25600xf32, #tpu.memory_space<hbm>>
    %dma_wait3A_32 = tpu.memref_slice %arg4[%mul3A_30] : memref<26214400xf32, #tpu.memory_space<hbm>> -> memref<25600xf32, #tpu.memory_space<hbm>>
    tpu.wait_dma2 semaphore(%arg13 : memref<!tpu.dma_semaphore, #tpu.memory_space<semaphore_mem>>) src(%arg9 : memref<25600xf32, #tpu.memory_space<vmem>>) dst(%dma_wait3A_32 : memref<25600xf32, #tpu.memory_space<hbm>>)
    return
  }
}

module attributes {stable_mosaic.version = 14 : i64} {
  func.func @body(%arg0: i32, %arg1: memref<32x8192xf32, #tpu.memory_space<vmem>>, %arg2: memref<2048x128xf32, #tpu.memory_space<vmem>>) attributes {dimension_semantics = [#tpu.dimension_semantics<arbitrary>], iteration_bounds = array<i64: 123>, scalar_prefetch = 0 : i64, scratch_operands = 0 : i64, tpu.core_type = #tpu.core_type<tc>, window_params = [{transform_indices = @transform_0, window_bounds = array<i64: 32, 8192>}, {transform_indices = @transform_1, window_bounds = array<i64: 2048, 128>}]} {
    %get3A = arith.constant 0 : index
    %get3A_0 = arith.constant 0 : index
    %get3A_1 = vector.load %arg1[%get3A, %get3A_0] : memref<32x8192xf32, #tpu.memory_space<vmem>>, vector<32x2048xf32>
    %transpose3A = tpu.transpose %get3A_1, [1, 0] : vector<32x2048xf32> -> vector<2048x32xf32>
    %swap3A = arith.constant 0 : index
    %swap3A_2 = arith.constant 0 : index
    %swap3A_3 = vector.load %arg2[%swap3A, %swap3A_2] : memref<2048x128xf32, #tpu.memory_space<vmem>>, vector<2048x32xf32>
    tpu.vector_store %arg2[%swap3A, %swap3A_2], %transpose3A {strides = array<i32>} : memref<2048x128xf32, #tpu.memory_space<vmem>>, vector<2048x32xf32>,
    %get3A_4 = arith.constant 0 : index
    %get3A_5 = arith.constant 2048 : index
    %get3A_6 = vector.load %arg1[%get3A_4, %get3A_5] : memref<32x8192xf32, #tpu.memory_space<vmem>>, vector<32x2048xf32>
    %transpose3A_7 = tpu.transpose %get3A_6, [1, 0] : vector<32x2048xf32> -> vector<2048x32xf32>
    %swap3A_8 = arith.constant 0 : index
    %swap3A_9 = arith.constant 32 : index
    %swap3A_10 = vector.load %arg2[%swap3A_8, %swap3A_9] : memref<2048x128xf32, #tpu.memory_space<vmem>>, vector<2048x32xf32>
    tpu.vector_store %arg2[%swap3A_8, %swap3A_9], %transpose3A_7 {strides = array<i32>} : memref<2048x128xf32, #tpu.memory_space<vmem>>, vector<2048x32xf32>,
    %get3A_11 = arith.constant 0 : index
    %get3A_12 = arith.constant 4096 : index
    %get3A_13 = vector.load %arg1[%get3A_11, %get3A_12] : memref<32x8192xf32, #tpu.memory_space<vmem>>, vector<32x2048xf32>
    %transpose3A_14 = tpu.transpose %get3A_13, [1, 0] : vector<32x2048xf32> -> vector<2048x32xf32>
    %swap3A_15 = arith.constant 0 : index
    %swap3A_16 = arith.constant 64 : index
    %swap3A_17 = vector.load %arg2[%swap3A_15, %swap3A_16] : memref<2048x128xf32, #tpu.memory_space<vmem>>, vector<2048x32xf32>
    tpu.vector_store %arg2[%swap3A_15, %swap3A_16], %transpose3A_14 {strides = array<i32>} : memref<2048x128xf32, #tpu.memory_space<vmem>>, vector<2048x32xf32>,
    %get3A_18 = arith.constant 0 : index
    %get3A_19 = arith.constant 6144 : index
    %get3A_20 = vector.load %arg1[%get3A_18, %get3A_19] : memref<32x8192xf32, #tpu.memory_space<vmem>>, vector<32x2048xf32>
    %transpose3A_21 = tpu.transpose %get3A_20, [1, 0] : vector<32x2048xf32> -> vector<2048x32xf32>
    %swap3A_22 = arith.constant 0 : index
    %swap3A_23 = arith.constant 96 : index
    %swap3A_24 = vector.load %arg2[%swap3A_22, %swap3A_23] : memref<2048x128xf32, #tpu.memory_space<vmem>>, vector<2048x32xf32>
    tpu.vector_store %arg2[%swap3A_22, %swap3A_23], %transpose3A_21 {strides = array<i32>} : memref<2048x128xf32, #tpu.memory_space<vmem>>, vector<2048x32xf32>,
    return
  }
  func.func @transform_0(%arg0: i32) -> (i32, i32) {
    %c0_i32 = arith.constant 0 : i32
    %c0_i32_0 = arith.constant 0 : i32
    return %c0_i32, %arg0 : i32, i32
  }
  func.func @transform_1(%arg0: i32) -> (i32, i32) {
    %c0_i32 = arith.constant 0 : i32
    %c0_i32_0 = arith.constant 0 : i32
    return %arg0, %c0_i32 : i32, i32
  }
}

</mosaic_0001>

<sc_bundles>
// kernel: kernel.4.cloned.1.call-start
scs
__scs_entry_jumppad:
0x0: {  	(pc) =	sbr.rel $0x88, $3  }
0x1: {  	(tag) =	ssettag $0x0;
	lr =	simm.s32 $0x1  }
0x2: {  	[smem:$0x3F9F] =	sst lr;
	_ =	strace $0xD0000000  }
0x3: {  	_ = 	snop  }
0x4: {  	_ = 	snop  }
0x5: {  	_ = 	snop  }
0x6: {  	_ = 	snop  }
0x7: {  	_ = 	snop  }
__scs_overlays_trampoline_lowered:
0x8: {  	[smem:$0x3FAE] =	sst s0  }
0x9: {  	[smem:$0x3FAF] =	sst s1  }
0xa: {  	[smem:$0x3FB0] =	sst s2  }
0xb: {  	[smem:$0x3FB1] =	sst s3  }
0xc: {  	[smem:$0x3FB2] =	sst s4  }
0xd: {  	[smem:$0x3FB3] =	sst s5  }
0xe: {  	[smem:$0x3FB4] =	sst s6  }
0xf: {  	[smem:$0x3FB5] =	sst s7  }
0x10: {  	[smem:$0x3FB6] =	sst s8  }
0x11: {  	[smem:$0x3FB7] =	sst s9;
	s0 =	simm.s32 @!p0 $0x0  }
0x12: {  	s1 =	sld [smem:$0x3F9D];
	s0 =	simm.s32 @p0 $0x1  }
0x13: {  	[smem:$0x3FB8] =	sst s0;
	s0 =	simm.s32 @!p1 $0x0  }
0x14: {  	s2 =	sld [smem:$0x3F9C];
	s0 =	simm.s32 @p1 $0x1  }
0x15: {  	[smem:$0x3FB9] =	sst s0;
	s0 =	simm.s32 @!p2 $0x0  }
0x16: {  	s3 =	sld [smem:$0x3FDB];
	s0 =	simm.s32 @p2 $0x1  }
0x17: {  	s4 =	simm.s32 $0x1BF5;
	[smem:$0x3FBB] =	sst s0  }
0x18: {  	s0 =	sld [smem:$0x3F9E];
	_ =	swait.ge [sflag:s4], $0x0  }
0x19: {  	s7 =	sld [smem:$0x3F9F]  }
0x1a: {  	s8 =	sadd.s32 $0xFFFFE003, lr  }
0x1b: {  	s9 =	sadd.s32 $0xFFFFFEF7, lr;
	s5 =	simm.s32 $0xFFFFFFFF;
	p2 =	slt.u32 s8, $0xFFFFF086  }
0x1c: {  	p1 =	slt.u32 s9, $0xF7A;
	s5 =	simm.s32 @!p2 $0x0  }
0x1d: {  	s5 =	simm.s32 @p1 $0x1;
	p0 =	seq.s32 s7, s2  }
0x1e: {  	s7 =	smul.u32 @!p0 $0xF7A, s2;
	p2 =	seq.s32 @!p0 s5, $0x0  }
0x1f: {  	s9 =	smul.u32 $0xF7A, s1;
	s8 =	simm.s32 @!p0 $0x1BF5;
	p2 =	por !p2, p0  }
0x20: {  	[sflag:s8] =	ssyncset.s32 @!p0 $0xFFFFF086;
	s6 =	sadd.s32 @!p0 s3, s7;
	s7 =	simm.s32 @!p0 $0x108  }
0x21: {  	s3 =	sadd.s32 s3, s9;
	s6 =	sadd.s32 @!p0 $0x88, s6;
	s7 =	simm.s32 @p2 $0x1082  }
0x22: {  	[simem:s7], [sflag:s8] =	dma.local @!p0 [hbm:s6], $0xF7A  }
0x23: {  	s9 =	sor.u32 $0xD0000000, s2;
	s6 =	simm.s32 $0x108;
	_ =	swait.ge @!p0 [sflag:s8], $0x0  }
0x24: {  	s3 =	sadd.s32 $0x88, s3;
	s6 =	simm.s32 @!p1 $0x1082;
	[sflag:s4] =	ssyncset.s32 $0xFFFFF086  }
0x25: {  	[simem:s6], [sflag:s4] =	dma.local [hbm:s3], $0xF7A  }
0x26: {  	[smem:$0x3F9F] =	sst s1;
	(tag) =	ssettag s2;
	_ =	strace s9  }
0x27: {  	s1 =	sld [smem:$0x3FAF]  }
0x28: {  	s2 =	sld [smem:$0x3FB0]  }
0x29: {  	s4 =	sld [smem:$0x3FB2]  }
0x2a: {  	p0 =	seq.s32 s5, $0x0;
	s5 =	sld [smem:$0x3FB3]  }
0x2b: {  	s6 =	sld [smem:$0x3FB4]  }
0x2c: {  	s7 =	sld [smem:$0x3FB5]  }
0x2d: {  	s3 =	simm.s32 $0x108;
	s8 =	sld [smem:$0x3FB6]  }
0x2e: {  	s3 =	simm.s32 @!p0 $0x1082;
	s9 =	sld [smem:$0x3FB7]  }
0x2f: {  	lr =	sadd.s32 s0, s3;
	s0 =	sld [smem:$0x3FAE]  }
0x30: {  	s3 =	sld [smem:$0x3FB1]  }
0x31: {  	[smem:$0x3FBA] =	sst s10  }
0x32: {  	s10 =	sld [smem:$0x3FB8];
	_ =	sdelay $0x3  }
0x33: {  	p0 =	seq.s32 s10, $0x1;
	s10 =	sld [smem:$0x3FBA];
	_ =	sdelay $0x3  }
0x34: {  	[smem:$0x3FBA] =	sst s10  }
0x35: {  	s10 =	sld [smem:$0x3FB9];
	_ =	sdelay $0x3  }
0x36: {  	p1 =	seq.s32 s10, $0x1;
	s10 =	sld [smem:$0x3FBA];
	_ =	sdelay $0x3  }
0x37: {  	[smem:$0x3FBA] =	sst s10  }
0x38: {  	s10 =	sld [smem:$0x3FBB]  }
0x39: {  	_ = 	snop;
	(pc) =	sbr.ind lr, $3  }
0x3a: {  	_ = 	snop  }
0x3b: {  	_ = 	snop  }
0x3c: {  	p2 =	seq.s32 s10, $0x1;
	s10 =	sld [smem:$0x3FBA]  }
0x3d: {  	_ =	shalt  }
0x3e: {  	_ =	shalt  }
0x3f: {  	_ =	shalt  }
0x40: {  	_ =	shalt  }
0x41: {  	_ =	shalt  }
0x42: {  	_ =	shalt  }
0x43: {  	_ =	shalt  }
0x44: {  	_ =	shalt  }
0x45: {  	_ =	shalt  }
0x46: {  	_ =	shalt  }
0x47: {  	_ =	shalt  }
0x48: {  	_ =	shalt  }
0x49: {  	_ =	shalt  }
0x4a: {  	_ =	shalt  }
0x4b: {  	_ =	shalt  }
0x4c: {  	_ =	shalt  }
0x4d: {  	_ =	shalt  }
0x4e: {  	_ =	shalt  }
0x4f: {  	_ =	shalt  }
0x50: {  	_ =	shalt  }
0x51: {  	_ =	shalt  }
0x52: {  	_ =	shalt  }
0x53: {  	_ =	shalt  }
0x54: {  	_ =	shalt  }
0x55: {  	_ =	shalt  }
0x56: {  	_ =	shalt  }
0x57: {  	_ =	shalt  }
0x58: {  	_ =	shalt  }
0x59: {  	_ =	shalt  }
0x5a: {  	_ =	shalt  }
0x5b: {  	_ =	shalt  }
0x5c: {  	_ =	shalt  }
0x5d: {  	_ =	shalt  }
0x5e: {  	_ =	shalt  }
0x5f: {  	_ =	shalt  }
0x60: {  	_ =	shalt  }
0x61: {  	_ =	shalt  }
0x62: {  	_ =	shalt  }
0x63: {  	_ =	shalt  }
0x64: {  	_ =	shalt  }
0x65: {  	_ =	shalt  }
0x66: {  	_ =	shalt  }
0x67: {  	_ =	shalt  }
0x68: {  	_ =	shalt  }
0x69: {  	_ =	shalt  }
0x6a: {  	_ =	shalt  }
0x6b: {  	_ =	shalt  }
0x6c: {  	_ =	shalt  }
0x6d: {  	_ =	shalt  }
0x6e: {  	_ =	shalt  }
0x6f: {  	_ =	shalt  }
0x70: {  	_ =	shalt  }
0x71: {  	_ =	shalt  }
0x72: {  	_ =	shalt  }
0x73: {  	_ =	shalt  }
0x74: {  	_ =	shalt  }
0x75: {  	_ =	shalt  }
0x76: {  	_ =	shalt  }
0x77: {  	_ =	shalt  }
0x78: {  	_ =	shalt  }
0x79: {  	_ =	shalt  }
0x7a: {  	_ =	shalt  }
0x7b: {  	_ =	shalt  }
0x7c: {  	_ =	shalt  }
0x7d: {  	_ =	shalt  }
0x7e: {  	_ =	shalt  }
0x7f: {  	_ =	shalt  }
0x80: {  	_ =	shalt  }
0x81: {  	_ =	shalt  }
0x82: {  	_ =	shalt  }
0x83: {  	_ =	shalt  }
0x84: {  	_ =	shalt  }
0x85: {  	_ =	shalt  }
0x86: {  	_ =	shalt  }
0x87: {  	_ =	shalt  }
.Lfunc_end0:
.L_simem_size_0:
called_computation.1_lowered:
.L_overlay_start_0:
0x88: {  	s2 =	sld [smem:$0x3FD9]  }
0x89: {  	s3 =	sld [smem:$0x3FFE];
	_ =	sdelay $0x1  }
0x8a: {  	s1 =	srdreg.scid  }
0x8b: {  	s0 =	sand.u32 $0x1, s1  }
0x8c: {  	s17 =	sshll.u32 s0, $0xA;
	s2 =	sadd.s32 s3, s2  }
0x8d: {  	s2 =	sadd.s32 s2, s17  }
0x8e: {  	[smem:$0x3FC6] =	sst s2  }
0x8f: {  	_ = 	snop  }
0x90: {  	s2 =	sld [smem:$0x3FD0];
	(tm) =	ssettm $0x1  }
0x91: {  	s18 =	sld [smem:$0x3FFB];
	_ =	sdelay $0x3  }
0x92: {  	_ =	strace s18  }
0x93: {  	s3 =	sld [smem:$0x3FFC];
	_ =	sdelay $0x3  }
0x94: {  	_ =	strace s3  }
0x95: {  	s3 =	sld [smem:$0x3FFD];
	_ =	sdelay $0x3  }
0x96: {  	_ =	strace s3  }
0x97: {  	_ =	strace $0x8FFFFFFF  }
0x98: {  	s19 =	sld [smem:$0x3FDB];
	_ =	sdelay $0x1  }
0x99: {  	s4 =	simm.s32 $_scs_section_size  }
0x9a: {  	s5 =	simm.s32 $_size__tile_overlayer_lowered;
	s6 =	simm.s32 $_tile_overlayer_lowered  }
0x9b: {  	s22 =	simm.s32 $0x1BFF;
	s21 =	sshll.u32 s6, $0x1;
	s3 =	sadd.s32 s4, s19  }
0x9c: {  	s7 =	simm.s32 $0x0;
	s20 =	sshll.u32 s5, $0x1;
	s5 =	sadd.s32 s21, s3  }
0x9d: {  	[timem:s7], [sflag:s22] =	dma.local [hbm:s5], s20  }
0x9e: {  	_ =	swait.ge [sflag:s22], s20  }
0x9f: {  	s4 =	ssub.s32 $0x0, s20;
	[sflag:s22] =	ssyncset.done $0x0  }
0xa0: {  	[sflag:s22] =	ssyncadd.s32 s4;
	_ =	sdelay $0x1  }
0xa1: {  	s23 =	simm.s32 $0x1B8B  }
0xa2: {  	_ =	swait.ge [sflag:s23], $0x1  }
0xa3: {  	[sflag:s23] =	ssyncset.done $0x0  }
0xa4: {  	s25 =	simm.s32 $0x1B8E;
	s24 =	sld [smem:$0x3FFE];
	[sflag:s23] =	ssyncadd.s32 $0xFFFFFFFF  }
0xa5: {  	s26 =	simm.s32 $execute0_lowered;
	[smem:$0x3FD2] =	sst s25  }
0xa6: {  	s5 =	sshll.u32 s26, $0x1;
	_ =	strace $0x80000046;
	[dreg:$0x1] =	wrdreg $0xFFFFFFFF  }
0xa7: {  	s28 =	simm.s32 $_size_execute0_lowered;
	s3 =	sadd.s32 s3, s5;
	[dreg:$0x0] =	wrdreg $0x0  }
0xa8: {  	s5 =	sshll.u32 s28, $0x1;
	[dreg:$0x2] =	wrdreg s3  }
0xa9: {  	[dreg:$0x3] =	wrdreg s5  }
0xaa: {  	[dreg:$0x4] =	wrdreg $0xC0  }
0xab: {  	_ =	task [dreg:s7], $0x5FFFF  }
0xac: {  	[dreg:$0x1] =	wrdreg $0xFFFFFFFF  }
0xad: {  	[dreg:$0x0] =	wrdreg $0x60  }
0xae: {  	[dreg:$0x2] =	wrdreg s24  }
0xaf: {  	[dreg:$0x3] =	wrdreg s2  }
0xb0: {  	[dreg:$0x4] =	wrdreg $0x9  }
0xb1: {  	_ =	task.clear_ibuf [dreg:s7], $0x5FFFF;
	_ =	strace $0x90000046  }
0xb2: {  	s29 =	simm.s32 $0x9;
	_ =	strace $0x80000048  }
0xb3: {  	_ =	swait.ge [sflag:s29], $0x1  }
0xb4: {  	[sflag:s29] =	ssyncadd.s32 $0xFFFFFFFF  }
0xb5: {  	_ =	strace $0x90000048  }
0xb6: {  	_ =	sfence  }
0xb7: {  	s30 =	sld [smem:$0x0];
	_ =	sdelay $0x2  }
0xb8: {  	s31 =	sshll.u32 s1, $0xD;
	s1 =	sshrl.u32 s1, $0x2  }
0xb9: {  	s3 =	sand.u32 $0x4000, s31;
	s1 =	sadd.s32 s1, s30  }
0xba: {  	s0 =	sor.u32 s3, s0;
	s1 =	sshll.u32 s1, $0x11  }
0xbb: {  	s0 =	sor.u32 s1, s0  }
0xbc: {  	s0 =	sadd.s32 $0x8F2B, s0  }
0xbd: {  	[sflag:s0] =	ssyncadd.remote.s32 $0x1  }
0xbe: {  	_ =	sfence.sel $0xFFFF  }
0xbf: {  	[dreg:$0x0] =	wrdreg $0xFFFFFFFF;
	(pc) =	sbr.abs _section_cstart, $3  }
0xc0: {  	[dreg:$0x1] =	wrdreg $0xFFFFFFFF  }
0xc1: {  	_ =	task.clear_ibuf [dreg:s7], $0x2FFFF;
	_ =	strace $0x9FFFFFFF  }
0xc2: {  	(tm) =	ssettm $0x7FFFFFFF  }
0xc3: {  	_ =	shalt  }
tec
execute0_lowered:
.L_overlay_start_1:
0x0: {  	(tag) =	ssettag $0x1  }
0x1: {  	s5 =	rddreg [dreg:$0x0]  }
0x2: {  	v15 =	vlaneseq.u32;
	s2 =	rddreg [dreg:$0x1];
	s3 =	simm.s32 $0x0  }
0x3: {  	s1 =	srdreg.scid;
	v4 =	vand.u32 $0x7, v15;
	[smem:$0x7FF] =	sst s3  }
0x4: {  	s4 =	sand.u32 $0x1, s1;
	s1 =	rddreg [dreg:$0x2];
	v13 =	vor.u32 $0x1838, v15;
	_ =	strace $0x80000047;
	[tilespmem:$0x1FEC0] =	vst v4  }
0x5: {  	v0 =	vor.u32 $0x1518, v4;
	[tilespmem:$0x1FF10] =	vst v13  }
0x6: {  	v20 =	vor.u32 $0x320, v4;
	[tilespmem:$0x1FE00] =	vst v0  }
0x7: {  	v23 =	vor.u32 $0x4B0, v4;
	[tilespmem:$0x1FE10] =	vst v20  }
0x8: {  	v62 =	vor.u32 $0x578, v4;
	[tilespmem:$0x1FE20] =	vst v23  }
0x9: {  	v32 =	vor.u32 $0x640, v4;
	[tilespmem:$0x1FE30] =	vst v62  }
0xa: {  	v39 =	vor.u32 $0x708, v4;
	[tilespmem:$0x1FE40] =	vst v32  }
0xb: {  	v21 =	vor.u32 $0x7D0, v4;
	[tilespmem:$0x1FE50] =	vst v39  }
0xc: {  	v22 =	vor.u32 $0x898, v4;
	[tilespmem:$0x1FE60] =	vst v21  }
0xd: {  	v8 =	vor.u32 $0x960, v4;
	[tilespmem:$0x1FE70] =	vst v22  }
0xe: {  	v48 =	vor.u32 $0xA28, v4;
	[tilespmem:$0x1FE80] =	vst v8  }
0xf: {  	v6 =	vor.u32 $0xC8, v4;
	[tilespmem:$0x1FE90] =	vst v48  }
0x10: {  	v5 =	vor.u32 $0x258, v4;
	[tilespmem:$0x1FEA0] =	vst v6  }
0x11: {  	v24 =	vor.u32 $0x190, v4;
	[tilespmem:$0x1FEB0] =	vst v5  }
0x12: {  	v9 =	vor.u32 $0x3E8, v4;
	[tilespmem:$0x1FED0] =	vst v24  }
0x13: {  	v16 =	vor.u32 $0x1770, v4;
	[tilespmem:$0x1FEE0] =	vst v9  }
0x14: {  	v14 =	vor.u32 $0x16A8, v4;
	[tilespmem:$0x1FEF0] =	vst v16  }
0x15: {  	v59 =	vor.u32 $0x12C0, v4;
	[tilespmem:$0x1FF00] =	vst v14  }
0x16: {  	v60 =	vor.u32 $0x1388, v4;
	[tilespmem:$0x1FF20] =	vst v59  }
0x17: {  	v28 =	vor.u32 $0xE10, v4;
	[tilespmem:$0x1FF30] =	vst v60  }
0x18: {  	v63 =	vor.u32 $0x11F8, v4;
	[tilespmem:$0x1FF40] =	vst v28  }
0x19: {  	v11 =	vor.u32 $0xED8, v4;
	[tilespmem:$0x1FF50] =	vst v63  }
0x1a: {  	v30 =	vor.u32 $0xFA0, v4;
	[tilespmem:$0x1FF60] =	vst v11  }
0x1b: {  	v61 =	vor.u32 $0x1068, v4;
	[tilespmem:$0x1FF70] =	vst v30  }
0x1c: {  	s0 =	stileid.u32;
	s9 =	simm.s32 $0x320;
	v10 =	vor.u32 $0x1130, v4;
	[tilespmem:$0x1FF80] =	vst v61  }
0x1d: {  	s10 =	simm.s32 $0x6400;
	s11 =	simm.s32 $0xC800;
	s12 =	simm.s32 $0x1;
	v12 =	vor.u32 $0x15E0, v4;
	[tilespmem:$0x1FF90] =	vst v10  }
0x1e: {  	s13 =	simm.s32 $0x12C00;
	s14 =	simm.s32 $0x2;
	s6 =	sshll.u32 s0, $0x1;
	v3 =	vor.u32 $0x1450, v4;
	[tilespmem:$0x1FFA0] =	vst v12  }
0x1f: {  	s15 =	simm.s32 $0x4;
	s16 =	simm.s32 $0x19000;
	s6 =	sor.u32 s4, s6;
	v50 =	vor.u32 $0xAF0, v4;
	[tilespmem:$0x1FFB0] =	vst v3  }
0x20: {  	s17 =	simm.s32 $0x3;
	s8 =	ssub.s32 $0x2, s4;
	v7 =	vor.u32 $0xBB8, v4;
	s7 =	smul.u32 $0xC80, s6;
	[tilespmem:$0x1FFC0] =	vst v50  }
0x21: {  	s18 =	simm.s32 $0x0;
	s4 =	sadd.s32 $0x19800, s5;
	v25 =	vor.u32 $0xC80, v4;
	s31 =	sshrl.u32 s8, $0x1;
	[tilespmem:$0x1FFD0] =	vst v7  }
0x22: {  	v26 =	vor.u32 $0xD48, v4;
	s6 =	sshll.u32 s6, $0x5;
	[tilespmem:$0x1FFE0] =	vst v25;
	s5 =	sadd.s32 s7, s5;
	s7 =	ssub.s32 s8, s31  }
0x23: {  	[tilespmem:$0x1FFF0] =	vst v26;
	s8 =	simm.s32 $0x5;
	s5 =	sadd.s32 $0x800, s5;
	s7 =	smax.u32 s7, $0x1  }
.LBB2_1:
0x24: {  	[tilespmem:s3], [sflag:$0x5] =	stream.linear.gather [hbm4b:s5+s3], $0x6400, $0x38;
	[tilespmem:$0x1F400] =	vst v63  }
0x25: {  	_ =	swait.ge [sflag:s8], $0x6400  }
0x26: {  	[sflag:s8] =	ssyncset.done $0x0  }
0x27: {  	s19 =	simm.s32 $0x0;
	[sflag:s8] =	ssyncadd.s32 $0xFFFF9C00  }
0x28: {  	v0 =	vld [tilespmem:s19+$0x0];
	_ =	sdelay $0x2  }
0x29: {  	s20 =	simm.s32 $0x40  }
.LBB2_2:
0x2a: {  	p0 =	sne.s32 s20, $0x18FC0  }
.Ltmp0:
0x2b: {  	s21 =	sshra.s32 s20, $0x2;
	s20 =	sadd.s32 $0x40, s20;
	v1 =	vshll.u32 v0, $0x2;
	(pc) =	sbr.rel @p0 .LBB2_2-.Ltmp0, $4  }
0x2c: {  	v2 =	vand.u32 $0xFFFFE000, v0;
	v33 =	vshrl.u32 v0, $0xB;
	v1 =	vand.u32 $0x1FFC, v1;
	v0 =	vld [tilespmem:s21+$0x0]  }
0x2d: {  	v1 =	vor.u32 v2, v1;
	v2 =	vand.u32 $0x3, v33  }
0x2e: {  	v1 =	vor.u32 v2, v1  }
0x2f: {  	[tilespmem:s19+$0x0] =	vst v1;
	s19 =	smov.u32 s21  }
0x30: {  	_ = 	snop  }
0x31: {  	v1 =	vshll.u32 v0, $0x2  }
0x32: {  	v2 =	vand.u32 $0xFFFFE000, v0;
	v0 =	vshrl.u32 v0, $0xB;
	v1 =	vand.u32 $0x1FFC, v1  }
0x33: {  	v0 =	vand.u32 $0x3, v0;
	v1 =	vor.u32 v2, v1  }
0x34: {  	v0 =	vor.u32 v0, v1  }
0x35: {  	[tilespmem:s19+$0x0] =	vst v0;
	s19 =	simm.s32 $0x0  }
0x36: {  	[tilespmem:s10], [sflag:$0x1] =	stream.indirect.gather [hbm4b:s4+s9], $0x20, s19, s9, $0xb8;
	[tilespmem:$0x1F400] =	vst v63  }
.LBB2_4:
0x37: {  	s20 =	sshllo.u32 s19, $0x1  }
0x38: {  	s21 =	smul.u32 $0xC80, s20  }
0x39: {  	s22 =	simm.s32 $0x0  }
0x3a: {  	v0 =	vor.u32 s22, v15;
	s21 =	sshra.s32 s21, $0x2  }
0x3b: {  	v1 =	vmul.u32 $0x29, v0;
	[tilespmem:s11], [sflag:$0x2] =	stream.indirect.gather [hbm4b:s4+s9], $0x20, s21, s9, $0xb8;
	[tilespmem:$0x1F400] =	vst v63  }
0x3c: {  	_ =	swait.ge [sflag:s12], $0x6400  }
0x3d: {  	p0 =	seq.s32 s19, $0x0;
	v43 =	vshll.u32 v0, $0x5;
	v1 =	vshrl.u32 v1, $0xD;
	[sflag:s12] =	ssyncset.done $0x0  }
0x3e: {  	s21 =	simm.s32 @!p0 $0x3;
	v1 =	vmul.u32 $0x1838, v1;
	[sflag:s12] =	ssyncadd.s32 $0xFFFF9C00  }
0x3f: {  	_ =	swait.ge @!p0 [sflag:s21], $0x6400  }
0x40: {  	v0 =	vadd.s32 v0, v1;
	[sflag:s21] =	ssyncset.done @!p0 $0x0  }
0x41: {  	v44 =	vand.u32 $0xFFFFFFF8, v0;
	[sflag:s21] =	ssyncadd.s32 @!p0 $0xFFFF9C00  }
0x42: {  	v1 =	vor.u32 v4, v44;
	v0 =	vld.idx.msk [tilespmem:v43+s10+$0x0], $0xffff  }
0x43: {  	v2 =	vor.u32 $0x1, v43;
	_ =	sdelay $0x3  }
0x44: {  	[tilespmem:v1+s13+$0x0] =	vst.idx.msk $0xffff, v0  }
0x45: {  	v1 =	vadd.s32 v6, v44;
	v0 =	vld.idx.msk [tilespmem:v2+s10+$0x0], $0xffff  }
0x46: {  	v2 =	vor.u32 $0x2, v43;
	_ =	sdelay $0x3  }
0x47: {  	[tilespmem:v1+s13+$0x0] =	vst.idx.msk $0xffff, v0  }
0x48: {  	v1 =	vadd.s32 v24, v44;
	v0 =	vld.idx.msk [tilespmem:v2+s10+$0x0], $0xffff  }
0x49: {  	v2 =	vor.u32 $0x3, v43;
	_ =	sdelay $0x2  }
0x4a: {  	s24 =	simm.s32 $0x10  }
0x4b: {  	v33 =	vor.u32 s24, v15;
	[tilespmem:v1+s13+$0x0] =	vst.idx.msk $0xffff, v0  }
0x4c: {  	v0 =	vmul.u32 $0x29, v33;
	v1 =	vld.idx.msk [tilespmem:v2+s10+$0x0], $0xffff;
	v2 =	vadd.s32 v5, v44  }
0x4d: {  	v34 =	vor.u32 $0x4, v43  }
0x4e: {  	v46 =	vshll.u32 v33, $0x5;
	v0 =	vshrl.u32 v0, $0xD  }
0x4f: {  	v0 =	vmul.u32 $0x1838, v0;
	_ =	sdelay $0x1  }
0x50: {  	v0 =	vadd.s32 v33, v0;
	[tilespmem:v2+s13+$0x0] =	vst.idx.msk $0xffff, v1  }
0x51: {  	v45 =	vand.u32 $0xFFFFFFF8, v0;
	v1 =	vadd.s32 v20, v44;
	v0 =	vld.idx.msk [tilespmem:v34+s10+$0x0], $0xffff  }
0x52: {  	v53 =	vor.u32 $0x5, v43;
	v2 =	vld.idx.msk [tilespmem:v46+s10+$0x0], $0xffff;
	v54 =	vor.u32 v4, v45  }
0x53: {  	v35 =	vor.u32 $0x1, v46;
	_ =	sdelay $0x2  }
0x54: {  	[tilespmem:v1+s13+$0x0] =	vst.idx.msk $0xffff, v0  }
0x55: {  	[tilespmem:v54+s13+$0x0] =	vst.idx.msk $0xffff, v2;
	v1 =	vadd.s32 v9, v44;
	v0 =	vld.idx.msk [tilespmem:v53+s10+$0x0], $0xffff  }
0x56: {  	v55 =	vor.u32 $0x6, v43;
	v56 =	vadd.s32 v6, v45;
	v2 =	vld.idx.msk [tilespmem:v35+s10+$0x0], $0xffff  }
0x57: {  	v57 =	vor.u32 $0x2, v46;
	_ =	sdelay $0x2  }
0x58: {  	[tilespmem:v1+s13+$0x0] =	vst.idx.msk $0xffff, v0  }
0x59: {  	[tilespmem:v56+s13+$0x0] =	vst.idx.msk $0xffff, v2;
	v1 =	vadd.s32 v23, v44;
	v0 =	vld.idx.msk [tilespmem:v55+s10+$0x0], $0xffff  }
0x5a: {  	v58 =	vor.u32 $0x7, v43;
	v16 =	vadd.s32 v24, v45;
	v2 =	vld.idx.msk [tilespmem:v57+s10+$0x0], $0xffff  }
0x5b: {  	v17 =	vor.u32 $0x3, v46;
	_ =	sdelay $0x2  }
0x5c: {  	[tilespmem:v1+s13+$0x0] =	vst.idx.msk $0xffff, v0  }
0x5d: {  	[tilespmem:v16+s13+$0x0] =	vst.idx.msk $0xffff, v2;
	v1 =	vadd.s32 v62, v44;
	v0 =	vld.idx.msk [tilespmem:v58+s10+$0x0], $0xffff  }
0x5e: {  	v18 =	vor.u32 $0x8, v43;
	v19 =	vadd.s32 v5, v45;
	v2 =	vld.idx.msk [tilespmem:v17+s10+$0x0], $0xffff  }
0x5f: {  	v27 =	vor.u32 $0x4, v46;
	_ =	sdelay $0x2  }
0x60: {  	s25 =	simm.s32 $0x20;
	[tilespmem:v1+s13+$0x0] =	vst.idx.msk $0xffff, v0  }
0x61: {  	v0 =	vadd.s32 v32, v44;
	[tilespmem:v19+s13+$0x0] =	vst.idx.msk $0xffff, v2;
	v2 =	vor.u32 s25, v15;
	v1 =	vld.idx.msk [tilespmem:v18+s10+$0x0], $0xffff  }
0x62: {  	v29 =	vor.u32 $0x9, v43;
	v36 =	vadd.s32 v20, v45;
	v35 =	vld.idx.msk [tilespmem:v27+s10+$0x0], $0xffff;
	v37 =	vmul.u32 $0x29, v2  }
0x63: {  	v38 =	vor.u32 $0x5, v46  }
0x64: {  	v34 =	vshll.u32 v2, $0x5;
	v37 =	vshrl.u32 v37, $0xD  }
0x65: {  	v37 =	vmul.u32 $0x1838, v37  }
0x66: {  	[tilespmem:v0+s13+$0x0] =	vst.idx.msk $0xffff, v1  }
0x67: {  	[tilespmem:v36+s13+$0x0] =	vst.idx.msk $0xffff, v35;
	v1 =	vadd.s32 v2, v37;
	v2 =	vadd.s32 v39, v44;
	v0 =	vld.idx.msk [tilespmem:v29+s10+$0x0], $0xffff  }
0x68: {  	v31 =	vor.u32 $0xA, v43;
	v36 =	vld.idx.msk [tilespmem:v38+s10+$0x0], $0xffff;
	v33 =	vand.u32 $0xFFFFFFF8, v1;
	v1 =	vadd.s32 v9, v45  }
0x69: {  	v47 =	vor.u32 $0x6, v46;
	v49 =	vld.idx.msk [tilespmem:v34+s10+$0x0], $0xffff;
	v51 =	vor.u32 v4, v33  }
0x6a: {  	v40 =	vor.u32 $0x1, v34;
	_ =	sdelay $0x1  }
0x6b: {  	[tilespmem:v2+s13+$0x0] =	vst.idx.msk $0xffff, v0  }
0x6c: {  	[tilespmem:v1+s13+$0x0] =	vst.idx.msk $0xffff, v36;
	v1 =	vadd.s32 v21, v44;
	v0 =	vld.idx.msk [tilespmem:v31+s10+$0x0], $0xffff  }
0x6d: {  	v52 =	vor.u32 $0xB, v43;
	v53 =	vadd.s32 v23, v45;
	[tilespmem:v51+s13+$0x0] =	vst.idx.msk $0xffff, v49;
	v2 =	vld.idx.msk [tilespmem:v47+s10+$0x0], $0xffff  }
0x6e: {  	v56 =	vor.u32 $0x7, v46;
	v55 =	vadd.s32 v6, v33;
	v54 =	vld.idx.msk [tilespmem:v40+s10+$0x0], $0xffff  }
0x6f: {  	v57 =	vor.u32 $0x2, v34;
	_ =	sdelay $0x1  }
0x70: {  	[tilespmem:v1+s13+$0x0] =	vst.idx.msk $0xffff, v0  }
0x71: {  	[tilespmem:v53+s13+$0x0] =	vst.idx.msk $0xffff, v2;
	v1 =	vadd.s32 v22, v44;
	v0 =	vld.idx.msk [tilespmem:v52+s10+$0x0], $0xffff  }
0x72: {  	v16 =	vadd.s32 v62, v45;
	v58 =	vor.u32 $0xC, v43;
	[tilespmem:v55+s13+$0x0] =	vst.idx.msk $0xffff, v54;
	v2 =	vld.idx.msk [tilespmem:v56+s10+$0x0], $0xffff  }
0x73: {  	v19 =	vor.u32 $0x8, v46;
	v17 =	vadd.s32 v24, v33;
	v37 =	vld.idx.msk [tilespmem:v57+s10+$0x0], $0xffff  }
0x74: {  	v27 =	vor.u32 $0x3, v34;
	_ =	sdelay $0x1  }
0x75: {  	[tilespmem:v1+s13+$0x0] =	vst.idx.msk $0xffff, v0  }
0x76: {  	s26 =	simm.s32 $0x30;
	[tilespmem:v16+s13+$0x0] =	vst.idx.msk $0xffff, v2;
	v2 =	vadd.s32 v8, v44;
	v1 =	vld.idx.msk [tilespmem:v58+s10+$0x0], $0xffff  }
0x77: {  	v49 =	vor.u32 $0xD, v43;
	v51 =	vadd.s32 v32, v45;
	v0 =	vor.u32 s26, v15;
	[tilespmem:v17+s13+$0x0] =	vst.idx.msk $0xffff, v37;
	v31 =	vld.idx.msk [tilespmem:v19+s10+$0x0], $0xffff  }
0x78: {  	v42 =	vor.u32 $0x9, v46;
	v41 =	vadd.s32 v5, v33;
	v29 =	vmul.u32 $0x29, v0;
	v40 =	vld.idx.msk [tilespmem:v27+s10+$0x0], $0xffff  }
0x79: {  	v47 =	vor.u32 $0x4, v34  }
0x7a: {  	v36 =	vshll.u32 v0, $0x5;
	v35 =	vshrl.u32 v29, $0xD  }
0x7b: {  	v18 =	vmov v39;
	v35 =	vmul.u32 $0x1838, v35;
	[tilespmem:v2+s13+$0x0] =	vst.idx.msk $0xffff, v1  }
0x7c: {  	v53 =	vadd.s32 v18, v45;
	[tilespmem:v51+s13+$0x0] =	vst.idx.msk $0xffff, v31;
	v2 =	vadd.s32 v48, v44;
	v1 =	vld.idx.msk [tilespmem:v49+s10+$0x0], $0xffff  }
0x7d: {  	v52 =	vor.u32 $0xE, v43;
	v0 =	vadd.s32 v0, v35;
	[tilespmem:v41+s13+$0x0] =	vst.idx.msk $0xffff, v40;
	v37 =	vld.idx.msk [tilespmem:v42+s10+$0x0], $0xffff  }
0x7e: {  	v54 =	vadd.s32 v20, v33;
	v55 =	vor.u32 $0xA, v46;
	v35 =	vand.u32 $0xFFFFFFF8, v0;
	v0 =	vld.idx.msk [tilespmem:v47+s10+$0x0], $0xffff  }
0x7f: {  	v57 =	vor.u32 $0x5, v34;
	v56 =	vld.idx.msk [tilespmem:v36+s10+$0x0], $0xffff;
	v58 =	vor.u32 v4, v35  }
0x80: {  	v49 =	vor.u32 $0x1, v36  }
0x81: {  	[tilespmem:v2+s13+$0x0] =	vst.idx.msk $0xffff, v1  }
0x82: {  	[tilespmem:v53+s13+$0x0] =	vst.idx.msk $0xffff, v37;
	v2 =	vadd.s32 v50, v44;
	v1 =	vld.idx.msk [tilespmem:v52+s10+$0x0], $0xffff  }
0x83: {  	v16 =	vor.u32 $0xF, v43;
	v17 =	vadd.s32 v21, v45;
	[tilespmem:v54+s13+$0x0] =	vst.idx.msk $0xffff, v0;
	v0 =	vld.idx.msk [tilespmem:v55+s10+$0x0], $0xffff  }
0x84: {  	v31 =	vadd.s32 v9, v33;
	[tilespmem:v58+s13+$0x0] =	vst.idx.msk $0xffff, v56;
	v52 =	vor.u32 $0xB, v46;
	v19 =	vld.idx.msk [tilespmem:v57+s10+$0x0], $0xffff  }
0x85: {  	v53 =	vor.u32 $0x6, v34;
	v54 =	vadd.s32 v6, v35;
	v42 =	vld.idx.msk [tilespmem:v49+s10+$0x0], $0xffff  }
0x86: {  	v55 =	vor.u32 $0x2, v36  }
0x87: {  	[tilespmem:v2+s13+$0x0] =	vst.idx.msk $0xffff, v1  }
0x88: {  	[tilespmem:v17+s13+$0x0] =	vst.idx.msk $0xffff, v0;
	v0 =	vadd.s32 v7, v44;
	v1 =	vld.idx.msk [tilespmem:v16+s10+$0x0], $0xffff  }
0x89: {  	v56 =	vor.u32 $0x10, v43;
	v57 =	vadd.s32 v22, v45;
	[tilespmem:v31+s13+$0x0] =	vst.idx.msk $0xffff, v19;
	v2 =	vld.idx.msk [tilespmem:v52+s10+$0x0], $0xffff  }
0x8a: {  	v58 =	vadd.s32 v23, v33;
	[tilespmem:v54+s13+$0x0] =	vst.idx.msk $0xffff, v42;
	v16 =	vor.u32 $0xC, v46;
	v39 =	vld.idx.msk [tilespmem:v53+s10+$0x0], $0xffff  }
0x8b: {  	v17 =	vor.u32 $0x7, v34;
	v19 =	vadd.s32 v24, v35;
	v42 =	vld.idx.msk [tilespmem:v55+s10+$0x0], $0xffff  }
0x8c: {  	v29 =	vor.u32 $0x3, v36  }
0x8d: {  	[tilespmem:v0+s13+$0x0] =	vst.idx.msk $0xffff, v1  }
0x8e: {  	[tilespmem:v57+s13+$0x0] =	vst.idx.msk $0xffff, v2;
	v1 =	vadd.s32 v25, v44;
	v0 =	vld.idx.msk [tilespmem:v56+s10+$0x0], $0xffff  }
0x8f: {  	v31 =	vor.u32 $0x11, v43;
	v52 =	vadd.s32 v8, v45;
	[tilespmem:v58+s13+$0x0] =	vst.idx.msk $0xffff, v39;
	v2 =	vld.idx.msk [tilespmem:v16+s10+$0x0], $0xffff  }
0x90: {  	v54 =	vor.u32 $0xD, v46;
	v53 =	vadd.s32 v62, v33;
	[tilespmem:v19+s13+$0x0] =	vst.idx.msk $0xffff, v42;
	v39 =	vld.idx.msk [tilespmem:v17+s10+$0x0], $0xffff  }
0x91: {  	v55 =	vor.u32 $0x8, v34;
	v56 =	vadd.s32 v5, v35;
	v42 =	vld.idx.msk [tilespmem:v29+s10+$0x0], $0xffff  }
0x92: {  	v57 =	vor.u32 $0x4, v36  }
0x93: {  	[tilespmem:v1+s13+$0x0] =	vst.idx.msk $0xffff, v0  }
0x94: {  	v14 =	vmov v48;
	[tilespmem:v52+s13+$0x0] =	vst.idx.msk $0xffff, v2;
	v1 =	vadd.s32 v26, v44;
	v0 =	vld.idx.msk [tilespmem:v31+s10+$0x0], $0xffff  }
0x95: {  	s28 =	simm.s32 $0x40;
	v37 =	vor.u32 $0x12, v43;
	v58 =	vadd.s32 v14, v45;
	[tilespmem:v53+s13+$0x0] =	vst.idx.msk $0xffff, v39;
	v2 =	vld.idx.msk [tilespmem:v54+s10+$0x0], $0xffff  }
0x96: {  	v16 =	vor.u32 $0xE, v46;
	v19 =	vor.u32 s28, v15;
	v17 =	vadd.s32 v32, v33;
	[tilespmem:v56+s13+$0x0] =	vst.idx.msk $0xffff, v42;
	v47 =	vld.idx.msk [tilespmem:v55+s10+$0x0], $0xffff  }
0x97: {  	v51 =	vmul.u32 $0x29, v19;
	v56 =	vor.u32 $0x9, v34;
	v49 =	vld.idx.msk [tilespmem:v57+s10+$0x0], $0xffff;
	v57 =	vadd.s32 v20, v35  }
0x98: {  	v52 =	vor.u32 $0x5, v36  }
0x99: {  	v38 =	vshll.u32 v19, $0x5;
	[tilespmem:v1+s13+$0x0] =	vst.idx.msk $0xffff, v0;
	v0 =	vshrl.u32 v51, $0xD  }
0x9a: {  	v29 =	vmov v50;
	[tilespmem:v58+s13+$0x0] =	vst.idx.msk $0xffff, v2;
	v2 =	vadd.s32 v28, v44;
	v1 =	vld.idx.msk [tilespmem:v37+s10+$0x0], $0xffff;
	v0 =	vmul.u32 $0x1838, v0  }
0x9b: {  	v39 =	vor.u32 $0xF, v46;
	v58 =	vor.u32 $0x13, v43;
	[tilespmem:v17+s13+$0x0] =	vst.idx.msk $0xffff, v47;
	v40 =	vld.idx.msk [tilespmem:v16+s10+$0x0], $0xffff;
	v16 =	vadd.s32 v29, v45  }
0x9c: {  	[tilespmem:v57+s13+$0x0] =	vst.idx.msk $0xffff, v49;
	v17 =	vadd.s32 v18, v33;
	v47 =	vld.idx.msk [tilespmem:v56+s10+$0x0], $0xffff;
	v0 =	vadd.s32 v19, v0  }
0x9d: {  	v49 =	vld.idx.msk [tilespmem:v52+s10+$0x0], $0xffff;
	v19 =	vor.u32 $0xA, v34;
	v37 =	vand.u32 $0xFFFFFFF8, v0;
	v0 =	vadd.s32 v9, v35  }
0x9e: {  	v31 =	vor.u32 $0x6, v36;
	v57 =	vld.idx.msk [tilespmem:v38+s10+$0x0], $0xffff;
	v53 =	vor.u32 v4, v37  }
0x9f: {  	v54 =	vor.u32 $0x1, v38;
	[tilespmem:v2+s13+$0x0] =	vst.idx.msk $0xffff, v1  }
0xa0: {  	[tilespmem:v16+s13+$0x0] =	vst.idx.msk $0xffff, v40;
	v2 =	vadd.s32 v11, v44;
	v1 =	vld.idx.msk [tilespmem:v58+s10+$0x0], $0xffff  }
0xa1: {  	v41 =	vadd.s32 v7, v45;
	v40 =	vor.u32 $0x14, v43;
	[tilespmem:v17+s13+$0x0] =	vst.idx.msk $0xffff, v47;
	v39 =	vld.idx.msk [tilespmem:v39+s10+$0x0], $0xffff  }
0xa2: {  	v58 =	vor.u32 $0x10, v46;
	v42 =	vld.idx.msk [tilespmem:v19+s10+$0x0], $0xffff;
	[tilespmem:v0+s13+$0x0] =	vst.idx.msk $0xffff, v49;
	v0 =	vadd.s32 v21, v33  }
0xa3: {  	v16 =	vor.u32 $0xB, v34;
	v17 =	vadd.s32 v23, v35;
	[tilespmem:v53+s13+$0x0] =	vst.idx.msk $0xffff, v57;
	v48 =	vld.idx.msk [tilespmem:v31+s10+$0x0], $0xffff  }
0xa4: {  	v19 =	vadd.s32 v6, v37;
	v31 =	vor.u32 $0x7, v36;
	v51 =	vld.idx.msk [tilespmem:v54+s10+$0x0], $0xffff  }
0xa5: {  	v57 =	vor.u32 $0x2, v38;
	[tilespmem:v2+s13+$0x0] =	vst.idx.msk $0xffff, v1  }
0xa6: {  	[tilespmem:v41+s13+$0x0] =	vst.idx.msk $0xffff, v39;
	v2 =	vadd.s32 v30, v44;
	v1 =	vld.idx.msk [tilespmem:v40+s10+$0x0], $0xffff  }
0xa7: {  	v39 =	vor.u32 $0x15, v43;
	[tilespmem:v0+s13+$0x0] =	vst.idx.msk $0xffff, v42;
	v0 =	vld.idx.msk [tilespmem:v58+s10+$0x0], $0xffff;
	v58 =	vadd.s32 v25, v45  }
0xa8: {  	v41 =	vld.idx.msk [tilespmem:v16+s10+$0x0], $0xffff;
	[tilespmem:v17+s13+$0x0] =	vst.idx.msk $0xffff, v48;
	v16 =	vadd.s32 v22, v33;
	v17 =	vor.u32 $0x11, v46  }
0xa9: {  	v50 =	vadd.s32 v62, v35;
	v49 =	vor.u32 $0xC, v34;
	[tilespmem:v19+s13+$0x0] =	vst.idx.msk $0xffff, v51;
	v48 =	vld.idx.msk [tilespmem:v31+s10+$0x0], $0xffff  }
0xaa: {  	v19 =	vadd.s32 v24, v37;
	v31 =	vor.u32 $0x8, v36;
	v51 =	vld.idx.msk [tilespmem:v57+s10+$0x0], $0xffff  }
0xab: {  	s29 =	simm.s32 $0x50;
	v57 =	vor.u32 $0x3, v38;
	[tilespmem:v2+s13+$0x0] =	vst.idx.msk $0xffff, v1  }
0xac: {  	v1 =	vor.u32 s29, v15;
	v2 =	vld.idx.msk [tilespmem:v39+s10+$0x0], $0xffff;
	[tilespmem:v58+s13+$0x0] =	vst.idx.msk $0xffff, v0;
	v0 =	vadd.s32 v61, v44  }
0xad: {  	v58 =	vmul.u32 $0x29, v1;
	[tilespmem:v16+s13+$0x0] =	vst.idx.msk $0xffff, v41;
	v40 =	vld.idx.msk [tilespmem:v17+s10+$0x0], $0xffff;
	v16 =	vor.u32 $0x16, v43;
	v17 =	vadd.s32 v26, v45  }
0xae: {  	v47 =	vld.idx.msk [tilespmem:v49+s10+$0x0], $0xffff;
	[tilespmem:v50+s13+$0x0] =	vst.idx.msk $0xffff, v48;
	v48 =	vadd.s32 v8, v33;
	v49 =	vor.u32 $0x12, v46  }
0xaf: {  	v39 =	vshrl.u32 v58, $0xD;
	[tilespmem:v19+s13+$0x0] =	vst.idx.msk $0xffff, v51;
	v50 =	vld.idx.msk [tilespmem:v31+s10+$0x0], $0xffff;
	v51 =	vor.u32 $0xD, v34;
	v31 =	vadd.s32 v32, v35  }
0xb0: {  	v56 =	vor.u32 $0x9, v36;
	v55 =	vadd.s32 v5, v37;
	v19 =	vmul.u32 $0x1838, v39;
	v54 =	vld.idx.msk [tilespmem:v57+s10+$0x0], $0xffff  }
0xb1: {  	v39 =	vshll.u32 v1, $0x5;
	v57 =	vor.u32 $0x4, v38;
	[tilespmem:v0+s13+$0x0] =	vst.idx.msk $0xffff, v2  }
0xb2: {  	v0 =	vadd.s32 v1, v19;
	v2 =	vadd.s32 v10, v44;
	v1 =	vld.idx.msk [tilespmem:v16+s10+$0x0], $0xffff;
	[tilespmem:v17+s13+$0x0] =	vst.idx.msk $0xffff, v40  }
0xb3: {  	v42 =	vor.u32 $0x17, v43;
	[tilespmem:v48+s13+$0x0] =	vst.idx.msk $0xffff, v47;
	v41 =	vld.idx.msk [tilespmem:v49+s10+$0x0], $0xffff;
	v47 =	vadd.s32 v28, v45  }
0xb4: {  	v49 =	vadd.s32 v14, v33;
	v48 =	vld.idx.msk [tilespmem:v51+s10+$0x0], $0xffff;
	[tilespmem:v31+s13+$0x0] =	vst.idx.msk $0xffff, v50;
	v31 =	vor.u32 $0x13, v46  }
0xb5: {  	v52 =	vor.u32 $0xE, v34;
	v53 =	vadd.s32 v18, v35;
	[tilespmem:v55+s13+$0x0] =	vst.idx.msk $0xffff, v54;
	v51 =	vld.idx.msk [tilespmem:v56+s10+$0x0], $0xffff  }
0xb6: {  	v40 =	vand.u32 $0xFFFFFFF8, v0;
	v17 =	vor.u32 $0xA, v36;
	v54 =	vadd.s32 v20, v37;
	v0 =	vld.idx.msk [tilespmem:v57+s10+$0x0], $0xffff  }
0xb7: {  	v19 =	vmov v28;
	v28 =	vor.u32 $0x5, v38;
	v58 =	vor.u32 v4, v40;
	v56 =	vld.idx.msk [tilespmem:v39+s10+$0x0], $0xffff;
	[tilespmem:v2+s13+$0x0] =	vst.idx.msk $0xffff, v1  }
0xb8: {  	v1 =	vor.u32 $0x1, v39;
	v2 =	vld.idx.msk [tilespmem:v42+s10+$0x0], $0xffff;
	[tilespmem:v47+s13+$0x0] =	vst.idx.msk $0xffff, v41;
	v41 =	vadd.s32 v63, v44  }
0xb9: {  	v47 =	vor.u32 $0x18, v43;
	[tilespmem:v49+s13+$0x0] =	vst.idx.msk $0xffff, v48;
	v42 =	vld.idx.msk [tilespmem:v31+s10+$0x0], $0xffff;
	v31 =	vadd.s32 v11, v45  }
0xba: {  	v50 =	vadd.s32 v29, v33;
	v49 =	vld.idx.msk [tilespmem:v52+s10+$0x0], $0xffff;
	[tilespmem:v53+s13+$0x0] =	vst.idx.msk $0xffff, v51;
	v51 =	vor.u32 $0x14, v46  }
0xbb: {  	v52 =	vor.u32 $0xF, v34;
	[tilespmem:v54+s13+$0x0] =	vst.idx.msk $0xffff, v0;
	v0 =	vld.idx.msk [tilespmem:v17+s10+$0x0], $0xffff;
	v17 =	vadd.s32 v21, v35  }
0xbc: {  	v55 =	vadd.s32 v9, v37;
	[tilespmem:v58+s13+$0x0] =	vst.idx.msk $0xffff, v56;
	v56 =	vor.u32 $0xB, v36;
	v54 =	vld.idx.msk [tilespmem:v28+s10+$0x0], $0xffff  }
0xbd: {  	v57 =	vor.u32 $0x6, v38;
	v1 =	vld.idx.msk [tilespmem:v1+s10+$0x0], $0xffff;
	v28 =	vadd.s32 v6, v40;
	[tilespmem:v41+s13+$0x0] =	vst.idx.msk $0xffff, v2  }
0xbe: {  	v2 =	vor.u32 $0x2, v39;
	v41 =	vld.idx.msk [tilespmem:v47+s10+$0x0], $0xffff;
	[tilespmem:v31+s13+$0x0] =	vst.idx.msk $0xffff, v42;
	v31 =	vadd.s32 v59, v44  }
0xbf: {  	v48 =	vor.u32 $0x19, v43;
	[tilespmem:v50+s13+$0x0] =	vst.idx.msk $0xffff, v49;
	v47 =	vld.idx.msk [tilespmem:v51+s10+$0x0], $0xffff;
	v49 =	vadd.s32 v30, v45  }
0xc0: {  	v50 =	vld.idx.msk [tilespmem:v52+s10+$0x0], $0xffff;
	[tilespmem:v17+s13+$0x0] =	vst.idx.msk $0xffff, v0;
	v0 =	vadd.s32 v7, v33;
	v17 =	vor.u32 $0x15, v46  }
0xc1: {  	v53 =	vor.u32 $0x10, v34;
	[tilespmem:v55+s13+$0x0] =	vst.idx.msk $0xffff, v54;
	v52 =	vld.idx.msk [tilespmem:v56+s10+$0x0], $0xffff;
	v54 =	vadd.s32 v22, v35  }
0xc2: {  	[tilespmem:v28+s13+$0x0] =	vst.idx.msk $0xffff, v1;
	v1 =	vadd.s32 v23, v37;
	v56 =	vor.u32 $0xC, v36;
	v55 =	vld.idx.msk [tilespmem:v57+s10+$0x0], $0xffff  }
0xc3: {  	v28 =	vadd.s32 v24, v40;
	v2 =	vld.idx.msk [tilespmem:v2+s10+$0x0], $0xffff;
	v57 =	vor.u32 $0x7, v38;
	[tilespmem:v31+s13+$0x0] =	vst.idx.msk $0xffff, v41  }
0xc4: {  	v27 =	vmov v7;
	v7 =	vadd.s32 v60, v44;
	v31 =	vor.u32 $0x3, v39;
	v42 =	vld.idx.msk [tilespmem:v48+s10+$0x0], $0xffff;
	[tilespmem:v49+s13+$0x0] =	vst.idx.msk $0xffff, v47  }
0xc5: {  	[tilespmem:v0+s13+$0x0] =	vst.idx.msk $0xffff, v50;
	v0 =	vld.idx.msk [tilespmem:v17+s10+$0x0], $0xffff;
	v17 =	vadd.s32 v61, v45  }
0xc6: {  	v51 =	vadd.s32 v25, v33;
	v48 =	vor.u32 $0x1A, v43;
	v50 =	vld.idx.msk [tilespmem:v53+s10+$0x0], $0xffff;
	[tilespmem:v54+s13+$0x0] =	vst.idx.msk $0xffff, v52  }
0xc7: {  	v52 =	vor.u32 $0x16, v46;
	v54 =	vadd.s32 v8, v35;
	[tilespmem:v1+s13+$0x0] =	vst.idx.msk $0xffff, v55;
	v1 =	vld.idx.msk [tilespmem:v56+s10+$0x0], $0xffff  }
0xc8: {  	v53 =	vor.u32 $0x11, v34;
	[tilespmem:v28+s13+$0x0] =	vst.idx.msk $0xffff, v2;
	v2 =	vadd.s32 v62, v37;
	v55 =	vld.idx.msk [tilespmem:v57+s10+$0x0], $0xffff  }
0xc9: {  	v56 =	vor.u32 $0xD, v36;
	v41 =	vld.idx.msk [tilespmem:v31+s10+$0x0], $0xffff;
	v31 =	vadd.s32 v5, v40;
	[tilespmem:v7+s13+$0x0] =	vst.idx.msk $0xffff, v42  }
0xca: {  	[tilespmem:v17+s13+$0x0] =	vst.idx.msk $0xffff, v0  }
0xcb: {  	v28 =	vor.u32 $0x8, v38;
	v47 =	vld.idx.msk [tilespmem:v48+s10+$0x0], $0xffff;
	[tilespmem:v51+s13+$0x0] =	vst.idx.msk $0xffff, v50  }
0xcc: {  	v7 =	vor.u32 $0x4, v39;
	v0 =	vadd.s32 v3, v44;
	v48 =	vld.idx.msk [tilespmem:v52+s10+$0x0], $0xffff;
	[tilespmem:v54+s13+$0x0] =	vst.idx.msk $0xffff, v1  }
0xcd: {  	v16 =	vmov v10;
	v58 =	vor.u32 $0x9, v38;
	v50 =	vadd.s32 v10, v45;
	v51 =	vld.idx.msk [tilespmem:v53+s10+$0x0], $0xffff;
	[tilespmem:v2+s13+$0x0] =	vst.idx.msk $0xffff, v55  }
0xce: {  	v49 =	vor.u32 $0x1B, v43;
	v52 =	vor.u32 $0x17, v46;
	v1 =	vadd.s32 v26, v33;
	v2 =	vld.idx.msk [tilespmem:v56+s10+$0x0], $0xffff;
	[tilespmem:v31+s13+$0x0] =	vst.idx.msk $0xffff, v41  }
0xcf: {  	v17 =	vmovc v3;
	v10 =	vmovc v4;
	v4 =	vmov v24;
	v24 =	vadd.s32 v20, v40;
	v54 =	vadd.s32 v14, v35;
	v3 =	vld [tilespmem:$0x1FE00]  }
0xd0: {  	s30 =	simm.s32 $0x60;
	v53 =	vor.u32 $0x12, v34;
	v14 =	vmovc v19;
	v19 =	vmovc v32;
	v55 =	vor.u32 $0xE, v36;
	v56 =	vadd.s32 v32, v37;
	v57 =	vld.idx.msk [tilespmem:v28+s10+$0x0], $0xffff  }
0xd1: {  	v41 =	vmovc v63;
	v63 =	vmov v26;
	v42 =	vld.idx.msk [tilespmem:v7+s10+$0x0], $0xffff;
	v7 =	vmov v59;
	v59 =	vor.u32 s30, v15;
	[tilespmem:v0+s13+$0x0] =	vst.idx.msk $0xffff, v47  }
0xd2: {  	v26 =	vmovc v25;
	v25 =	vmovc v12;
	v12 =	vmov v16;
	v32 =	vmov v41;
	v16 =	vmul.u32 $0x29, v59;
	[tilespmem:v50+s13+$0x0] =	vst.idx.msk $0xffff, v48  }
0xd3: {  	v13 =	vmov v11;
	v0 =	vor.u32 $0x5, v39;
	v50 =	vadd.s32 v32, v45;
	[tilespmem:v1+s13+$0x0] =	vst.idx.msk $0xffff, v51;
	v1 =	vld.idx.msk [tilespmem:v52+s10+$0x0], $0xffff  }
0xd4: {  	v41 =	vshll.u32 v59, $0x5;
	v49 =	vld.idx.msk [tilespmem:v49+s10+$0x0], $0xffff;
	v47 =	vshrl.u32 v16, $0xD;
	[tilespmem:v54+s13+$0x0] =	vst.idx.msk $0xffff, v2;
	v48 =	vadd.s32 v3, v44  }
0xd5: {  	v2 =	vor.u32 $0x18, v46;
	v47 =	vmul.u32 $0x1838, v47;
	[tilespmem:v56+s13+$0x0] =	vst.idx.msk $0xffff, v57;
	v54 =	vld.idx.msk [tilespmem:v55+s10+$0x0], $0xffff;
	v57 =	vadd.s32 v29, v35  }
0xd6: {  	v11 =	vmovc v5;
	v5 =	vmovc v13;
	v51 =	vor.u32 $0x1C, v43;
	v52 =	vld.idx.msk [tilespmem:v53+s10+$0x0], $0xffff;
	v53 =	vadd.s32 v14, v33;
	v55 =	vor.u32 $0x13, v34  }
0xd7: {  	[tilespmem:v24+s13+$0x0] =	vst.idx.msk $0xffff, v42;
	v56 =	vld.idx.msk [tilespmem:v58+s10+$0x0], $0xffff;
	v24 =	vadd.s32 v59, v47;
	v47 =	vadd.s32 v18, v37  }
0xd8: {  	v13 =	vmov v61;
	v61 =	vadd.s32 v9, v40;
	v0 =	vld.idx.msk [tilespmem:v0+s10+$0x0], $0xffff;
	v42 =	vand.u32 $0xFFFFFFF8, v24;
	[tilespmem:v50+s13+$0x0] =	vst.idx.msk $0xffff, v1  }
0xd9: {  	v28 =	vmov v60;
	v60 =	vld.idx.msk [tilespmem:v41+s10+$0x0], $0xffff;
	[tilespmem:v48+s13+$0x0] =	vst.idx.msk $0xffff, v49;
	v49 =	vor.u32 v10, v42  }
0xda: {  	v2 =	vld.idx.msk [tilespmem:v2+s10+$0x0], $0xffff;
	[tilespmem:v57+s13+$0x0] =	vst.idx.msk $0xffff, v54;
	v54 =	vadd.s32 v7, v45  }
0xdb: {  	v16 =	vmov v18;
	v58 =	vor.u32 $0xF, v36;
	v18 =	vadd.s32 v25, v44;
	[tilespmem:v53+s13+$0x0] =	vst.idx.msk $0xffff, v52;
	v51 =	vld.idx.msk [tilespmem:v51+s10+$0x0], $0xffff  }
0xdc: {  	v59 =	vor.u32 $0xA, v38;
	v52 =	vld.idx.msk [tilespmem:v55+s10+$0x0], $0xffff;
	[tilespmem:v47+s13+$0x0] =	vst.idx.msk $0xffff, v56;
	v47 =	vadd.s32 v5, v33  }
0xdd: {  	[tilespmem:v61+s13+$0x0] =	vst.idx.msk $0xffff, v0  }
0xde: {  	v48 =	vor.u32 $0x6, v39;
	[tilespmem:v49+s13+$0x0] =	vst.idx.msk $0xffff, v60  }
0xdf: {  	v1 =	vor.u32 $0x1, v41;
	[tilespmem:v54+s13+$0x0] =	vst.idx.msk $0xffff, v2  }
0xe0: {  	v55 =	vld.idx.msk [tilespmem:v58+s10+$0x0], $0xffff;
	v56 =	vor.u32 $0x19, v46;
	v58 =	vadd.s32 v27, v35;
	[tilespmem:v18+s13+$0x0] =	vst.idx.msk $0xffff, v51  }
0xe1: {  	v0 =	vor.u32 $0x14, v34;
	v57 =	vld.idx.msk [tilespmem:v59+s10+$0x0], $0xffff;
	v49 =	vadd.s32 v21, v37;
	[tilespmem:v47+s13+$0x0] =	vst.idx.msk $0xffff, v52  }
0xe2: {  	v31 =	vmov v6;
	v50 =	vadd.s32 v6, v42;
	v53 =	vor.u32 $0x1D, v43;
	v6 =	vld [tilespmem:$0x1FF00]  }
0xe3: {  	v61 =	vadd.s32 v23, v40;
	v48 =	vld.idx.msk [tilespmem:v48+s10+$0x0], $0xffff  }
0xe4: {  	v1 =	vld.idx.msk [tilespmem:v1+s10+$0x0], $0xffff  }
0xe5: {  	v59 =	vor.u32 $0x10, v36;
	v52 =	vld.idx.msk [tilespmem:v56+s10+$0x0], $0xffff;
	[tilespmem:v58+s13+$0x0] =	vst.idx.msk $0xffff, v55;
	v55 =	vadd.s32 v28, v45  }
0xe6: {  	v60 =	vor.u32 $0xB, v38;
	v0 =	vld.idx.msk [tilespmem:v0+s10+$0x0], $0xffff;
	[tilespmem:v49+s13+$0x0] =	vst.idx.msk $0xffff, v57;
	v49 =	vadd.s32 v30, v33  }
0xe7: {  	v18 =	vor.u32 $0x7, v39;
	v53 =	vld.idx.msk [tilespmem:v53+s10+$0x0], $0xffff;
	v47 =	vadd.s32 v6, v44  }
0xe8: {  	[tilespmem:v61+s13+$0x0] =	vst.idx.msk $0xffff, v48  }
0xe9: {  	v2 =	vor.u32 $0x2, v41;
	[tilespmem:v50+s13+$0x0] =	vst.idx.msk $0xffff, v1  }
0xea: {  	v56 =	vld.idx.msk [tilespmem:v59+s10+$0x0], $0xffff;
	v57 =	vor.u32 $0x1A, v46;
	[tilespmem:v55+s13+$0x0] =	vst.idx.msk $0xffff, v52  }
0xeb: {  	v59 =	vadd.s32 v26, v35;
	v48 =	vor.u32 $0x15, v34;
	v58 =	vld.idx.msk [tilespmem:v60+s10+$0x0], $0xffff;
	[tilespmem:v49+s13+$0x0] =	vst.idx.msk $0xffff, v0  }
0xec: {  	v1 =	vadd.s32 v22, v37;
	v50 =	vld.idx.msk [tilespmem:v18+s10+$0x0], $0xffff;
	v18 =	vor.u32 $0x11, v36;
	[tilespmem:v47+s13+$0x0] =	vst.idx.msk $0xffff, v53  }
0xed: {  	v54 =	vor.u32 $0x1E, v43;
	v0 =	vld [tilespmem:$0x1FEF0]  }
0xee: {  	v61 =	vadd.s32 v62, v40;
	v60 =	vor.u32 $0xC, v38;
	v2 =	vld.idx.msk [tilespmem:v2+s10+$0x0], $0xffff  }
0xef: {  	s31 =	simm.s32 $0x70;
	v49 =	vld.idx.msk [tilespmem:v57+s10+$0x0], $0xffff;
	v47 =	vadd.s32 v4, v42;
	v53 =	vor.u32 $0x8, v39  }
0xf0: {  	v55 =	vadd.s32 v17, v45;
	v48 =	vld.idx.msk [tilespmem:v48+s10+$0x0], $0xffff;
	[tilespmem:v59+s13+$0x0] =	vst.idx.msk $0xffff, v56;
	v56 =	vor.u32 s31, v15  }
0xf1: {  	v4 =	vor.u32 $0x3, v41;
	[tilespmem:v1+s13+$0x0] =	vst.idx.msk $0xffff, v58;
	v1 =	vadd.s32 v13, v33;
	v51 =	vld.idx.msk [tilespmem:v18+s10+$0x0], $0xffff;
	v18 =	vmul.u32 $0x29, v56  }
0xf2: {  	v24 =	vmov v17;
	v57 =	vor.u32 $0x1B, v46;
	v54 =	vld.idx.msk [tilespmem:v54+s10+$0x0], $0xffff;
	v0 =	vadd.s32 v0, v44  }
0xf3: {  	v43 =	vor.u32 $0x1F, v43;
	v17 =	vmovc v23;
	v23 =	vmov v8;
	[tilespmem:v61+s13+$0x0] =	vst.idx.msk $0xffff, v50;
	v50 =	vor.u32 $0x16, v34;
	v59 =	vld.idx.msk [tilespmem:v60+s10+$0x0], $0xffff  }
0xf4: {  	v15 =	vmov v20;
	v20 =	vmov v21;
	v60 =	vadd.s32 v63, v35;
	[tilespmem:v47+s13+$0x0] =	vst.idx.msk $0xffff, v2;
	v47 =	vld.idx.msk [tilespmem:v53+s10+$0x0], $0xffff  }
0xf5: {  	v21 =	vmovc v22;
	v58 =	vshrl.u32 v18, $0xD;
	v2 =	vadd.s32 v8, v37;
	v18 =	vmov v19;
	v22 =	vld [tilespmem:$0x1FE90];
	[tilespmem:v55+s13+$0x0] =	vst.idx.msk $0xffff, v49  }
0xf6: {  	v53 =	vor.u32 $0x12, v36;
	v52 =	vld.idx.msk [tilespmem:v4+s10+$0x0], $0xffff;
	v4 =	vmov v62;
	[tilespmem:v1+s13+$0x0] =	vst.idx.msk $0xffff, v48;
	v62 =	vadd.s32 v18, v40  }
0xf7: {  	v61 =	vor.u32 $0xD, v38;
	v8 =	vmov v25;
	v48 =	vld.idx.msk [tilespmem:v57+s10+$0x0], $0xffff;
	[tilespmem:v0+s13+$0x0] =	vst.idx.msk $0xffff, v54;
	v54 =	vadd.s32 v11, v42  }
0xf8: {  	v25 =	vmovc v26;
	v26 =	vmovc v63;
	v19 =	vmov v16;
	v16 =	vmov v11;
	v11 =	vmov v9;
	v9 =	vld [tilespmem:$0x1FF10]  }
0xf9: {  	v50 =	vld.idx.msk [tilespmem:v50+s10+$0x0], $0xffff;
	v0 =	vmul.u32 $0x1838, v58;
	v58 =	vor.u32 $0x9, v39;
	[tilespmem:v60+s13+$0x0] =	vst.idx.msk $0xffff, v51;
	v51 =	vadd.s32 v3, v45  }
0xfa: {  	v49 =	vor.u32 $0x4, v41;
	v55 =	vor.u32 $0x1C, v46;
	v63 =	vld.idx.msk [tilespmem:v43+s10+$0x0], $0xffff;
	[tilespmem:v2+s13+$0x0] =	vst.idx.msk $0xffff, v59;
	v2 =	vadd.s32 v12, v33  }
0xfb: {  	v57 =	vadd.s32 v14, v35;
	v43 =	vshll.u32 v56, $0x5;
	[tilespmem:v62+s13+$0x0] =	vst.idx.msk $0xffff, v47;
	v47 =	vor.u32 $0x17, v34;
	v53 =	vld.idx.msk [tilespmem:v53+s10+$0x0], $0xffff  }
0xfc: {  	v0 =	vadd.s32 v56, v0;
	v56 =	vld.idx.msk [tilespmem:v61+s10+$0x0], $0xffff;
	[tilespmem:v54+s13+$0x0] =	vst.idx.msk $0xffff, v52;
	v52 =	vadd.s32 v22, v37  }
0xfd: {  	v6 =	vadd.s32 v6, v45;
	v1 =	vadd.s32 v9, v44  }
0xfe: {  	v60 =	vadd.s32 v19, v40;
	v54 =	vld.idx.msk [tilespmem:v58+s10+$0x0], $0xffff;
	v58 =	vor.u32 $0x13, v36;
	[tilespmem:v51+s13+$0x0] =	vst.idx.msk $0xffff, v48  }
0xff: {  	v59 =	vor.u32 $0xE, v38;
	v49 =	vld.idx.msk [tilespmem:v49+s10+$0x0], $0xffff;
	v44 =	vand.u32 $0xFFFFFFF8, v0;
	v0 =	vadd.s32 v15, v42;
	[tilespmem:v2+s13+$0x0] =	vst.idx.msk $0xffff, v50  }
0x100: {  	v19 =	vor.u32 $0xA, v39;
	v2 =	vld.idx.msk [tilespmem:v55+s10+$0x0], $0xffff;
	[tilespmem:v57+s13+$0x0] =	vst.idx.msk $0xffff, v53;
	v53 =	vadd.s32 v8, v45  }
0x101: {  	v62 =	vor.u32 $0x5, v41;
	v47 =	vld.idx.msk [tilespmem:v47+s10+$0x0], $0xffff;
	[tilespmem:v52+s13+$0x0] =	vst.idx.msk $0xffff, v56;
	v52 =	vadd.s32 v32, v33  }
0x102: {  	v56 =	vor.u32 $0x1D, v46;
	[tilespmem:v1+s13+$0x0] =	vst.idx.msk $0xffff, v63;
	v1 =	vld.idx.msk [tilespmem:v43+s10+$0x0], $0xffff;
	v63 =	vor.u32 v10, v44  }
0x103: {  	v50 =	vor.u32 $0x1, v43;
	v55 =	vld.idx.msk [tilespmem:v58+s10+$0x0], $0xffff;
	[tilespmem:v60+s13+$0x0] =	vst.idx.msk $0xffff, v54;
	v58 =	vadd.s32 v5, v35  }
0x104: {  	v54 =	vor.u32 $0x18, v34;
	v57 =	vld.idx.msk [tilespmem:v59+s10+$0x0], $0xffff;
	[tilespmem:v0+s13+$0x0] =	vst.idx.msk $0xffff, v49;
	v0 =	vadd.s32 v29, v37  }
0x105: {  	v8 =	vor.u32 $0x14, v36;
	v49 =	vld.idx.msk [tilespmem:v19+s10+$0x0], $0xffff;
	v10 =	vadd.s32 v20, v40;
	[tilespmem:v53+s13+$0x0] =	vst.idx.msk $0xffff, v2  }
0x106: {  	v19 =	vadd.s32 v11, v42;
	v20 =	vor.u32 $0xB, v39;
	v48 =	vld.idx.msk [tilespmem:v62+s10+$0x0], $0xffff;
	[tilespmem:v52+s13+$0x0] =	vst.idx.msk $0xffff, v47  }
0x107: {  	v29 =	vadd.s32 v31, v44;
	v2 =	vor.u32 $0x6, v41;
	v31 =	vld.idx.msk [tilespmem:v56+s10+$0x0], $0xffff;
	[tilespmem:v63+s13+$0x0] =	vst.idx.msk $0xffff, v1  }
0x108: {  	[tilespmem:v58+s13+$0x0] =	vst.idx.msk $0xffff, v55;
	v1 =	vor.u32 $0xF, v38;
	v50 =	vld.idx.msk [tilespmem:v50+s10+$0x0], $0xffff  }
0x109: {  	v54 =	vld.idx.msk [tilespmem:v54+s10+$0x0], $0xffff;
	[tilespmem:v0+s13+$0x0] =	vst.idx.msk $0xffff, v57  }
0x10a: {  	v5 =	vor.u32 $0x2, v43;
	v0 =	vadd.s32 v7, v33;
	v56 =	vld.idx.msk [tilespmem:v8+s10+$0x0], $0xffff;
	[tilespmem:v10+s13+$0x0] =	vst.idx.msk $0xffff, v49  }
0x10b: {  	v51 =	vadd.s32 v30, v35;
	v49 =	vor.u32 $0x19, v34;
	[tilespmem:v19+s13+$0x0] =	vst.idx.msk $0xffff, v48;
	v58 =	vld.idx.msk [tilespmem:v20+s10+$0x0], $0xffff  }
0x10c: {  	v2 =	vld.idx.msk [tilespmem:v2+s10+$0x0], $0xffff;
	[tilespmem:v6+s13+$0x0] =	vst.idx.msk $0xffff, v31  }
0x10d: {  	v10 =	vor.u32 $0x15, v36;
	v20 =	vadd.s32 v21, v40;
	v1 =	vld.idx.msk [tilespmem:v1+s10+$0x0], $0xffff;
	[tilespmem:v29+s13+$0x0] =	vst.idx.msk $0xffff, v50  }
0x10e: {  	v21 =	vadd.s32 v17, v42;
	v3 =	vld [tilespmem:$0x1FED0]  }
0x10f: {  	v48 =	vadd.s32 v27, v37;
	v27 =	vor.u32 $0xC, v39;
	v52 =	vld.idx.msk [tilespmem:v5+s10+$0x0], $0xffff;
	[tilespmem:v0+s13+$0x0] =	vst.idx.msk $0xffff, v54  }
0x110: {  	v19 =	vor.u32 $0x10, v38;
	[tilespmem:v51+s13+$0x0] =	vst.idx.msk $0xffff, v56;
	v49 =	vld.idx.msk [tilespmem:v49+s10+$0x0], $0xffff  }
0x111: {  	v29 =	vor.u32 $0x7, v41;
	v0 =	vld [tilespmem:$0x1FEF0]  }
0x112: {  	v8 =	vor.u32 $0x1E, v46;
	v56 =	vld.idx.msk [tilespmem:v10+s10+$0x0], $0xffff;
	[tilespmem:v20+s13+$0x0] =	vst.idx.msk $0xffff, v58;
	v20 =	vadd.s32 v13, v35  }
0x113: {  	[tilespmem:v21+s13+$0x0] =	vst.idx.msk $0xffff, v2;
	v2 =	vadd.s32 v25, v37;
	v25 =	vor.u32 $0x16, v36;
	v30 =	vadd.s32 v3, v44  }
0x114: {  	v31 =	vor.u32 $0x3, v43;
	v21 =	vld.idx.msk [tilespmem:v27+s10+$0x0], $0xffff;
	[tilespmem:v48+s13+$0x0] =	vst.idx.msk $0xffff, v1;
	v1 =	vadd.s32 v28, v33  }
0x115: {  	v17 =	vld.idx.msk [tilespmem:v19+s10+$0x0], $0xffff;
	v19 =	vor.u32 $0x1A, v34  }
0x116: {  	v61 =	vadd.s32 v26, v37;
	v28 =	vor.u32 $0x11, v38;
	v27 =	vld.idx.msk [tilespmem:v29+s10+$0x0], $0xffff;
	v29 =	vadd.s32 v23, v40  }
0x117: {  	v6 =	vld.idx.msk [tilespmem:v8+s10+$0x0], $0xffff;
	v8 =	vadd.s32 v0, v45;
	v0 =	vor.u32 $0xD, v39;
	[tilespmem:v20+s13+$0x0] =	vst.idx.msk $0xffff, v56  }
0x118: {  	v59 =	vor.u32 $0x17, v36;
	v10 =	vor.u32 $0x1F, v46;
	v57 =	vld.idx.msk [tilespmem:v25+s10+$0x0], $0xffff;
	[tilespmem:v30+s13+$0x0] =	vst.idx.msk $0xffff, v52;
	v30 =	vadd.s32 v4, v42  }
0x119: {  	v62 =	vor.u32 $0x12, v38;
	v46 =	vadd.s32 v16, v44;
	[tilespmem:v1+s13+$0x0] =	vst.idx.msk $0xffff, v49;
	v3 =	vld.idx.msk [tilespmem:v31+s10+$0x0], $0xffff;
	v31 =	vor.u32 $0x8, v41  }
0x11a: {  	v55 =	vadd.s32 v9, v45;
	v51 =	vadd.s32 v24, v33;
	v49 =	vld.idx.msk [tilespmem:v19+s10+$0x0], $0xffff;
	[tilespmem:v2+s13+$0x0] =	vst.idx.msk $0xffff, v17  }
0x11b: {  	v47 =	vor.u32 $0xE, v43;
	v54 =	vadd.s32 v32, v35;
	v13 =	vor.u32 $0xE, v39;
	[tilespmem:v29+s13+$0x0] =	vst.idx.msk $0xffff, v21;
	v60 =	vld.idx.msk [tilespmem:v28+s10+$0x0], $0xffff  }
0x11c: {  	v58 =	vadd.s32 v12, v35;
	v48 =	vadd.s32 v18, v42;
	[tilespmem:v8+s13+$0x0] =	vst.idx.msk $0xffff, v6;
	v63 =	vld.idx.msk [tilespmem:v0+s10+$0x0], $0xffff  }
0x11d: {  	v56 =	vor.u32 $0x18, v36;
	v45 =	vor.u32 $0x1C, v34;
	v2 =	vor.u32 $0x4, v43;
	v53 =	vld.idx.msk [tilespmem:v10+s10+$0x0], $0xffff;
	[tilespmem:v30+s13+$0x0] =	vst.idx.msk $0xffff, v27  }
0x11e: {  	s23 =	simm.s32 $0x90;
	s22 =	simm.s32 $0x6;
	s21 =	sshll.u32 s19, $0x1;
	v52 =	vor.u32 $0x1B, v34;
	v0 =	vadd.s32 v22, v40;
	v1 =	vld.idx.msk [tilespmem:v31+s10+$0x0], $0xffff;
	[tilespmem:v46+s13+$0x0] =	vst.idx.msk $0xffff, v3;
	v46 =	vmov v11  }
.LBB2_5:
0x11f: {  	_ =	sdelay $0x3  }
0x120: {  	v2 =	vld.idx.msk [tilespmem:v2+s10+$0x0], $0xffff  }
0x121: {  	v29 =	vld [tilespmem:$0x1FE00]  }
0x122: {  	v9 =	vld [tilespmem:$0x1FE10]  }
0x123: {  	v32 =	vld [tilespmem:$0x1FF40]  }
0x124: {  	v18 =	vld [tilespmem:$0x1FE50]  }
0x125: {  	v11 =	vld [tilespmem:$0x1FEC0]  }
0x126: {  	v24 =	vld [tilespmem:$0x1FFA0]  }
0x127: {  	v26 =	vld [tilespmem:$0x1FFD0]  }
0x128: {  	v15 =	vld [tilespmem:$0x1FE20];
	v27 =	vadd.s32 v9, v44  }
0x129: {  	v10 =	vld [tilespmem:$0x1FF70];
	[tilespmem:v55+s13+$0x0] =	vst.idx.msk $0xffff, v53  }
0x12a: {  	v20 =	vld [tilespmem:$0x1FE70];
	[tilespmem:v58+s13+$0x0] =	vst.idx.msk $0xffff, v57  }
0x12b: {  	s24 =	sadd.s32 $0xFFFFFFF0, s23;
	v6 =	vlaneseq.u32;
	v59 =	vld.idx.msk [tilespmem:v59+s10+$0x0], $0xffff;
	[tilespmem:v0+s13+$0x0] =	vst.idx.msk $0xffff, v63  }
0x12c: {  	v3 =	vor.u32 $0x9, v41;
	v22 =	vor.u32 s24, v6;
	[tilespmem:v51+s13+$0x0] =	vst.idx.msk $0xffff, v49;
	v30 =	vld.idx.msk [tilespmem:v13+s10+$0x0], $0xffff  }
0x12d: {  	v4 =	vor.u32 $0x5, v43;
	v23 =	vor.u32 s23, v6;
	v51 =	vshll.u32 v22, $0x5;
	[tilespmem:v27+s13+$0x0] =	vst.idx.msk $0xffff, v2;
	v27 =	vld [tilespmem:$0x1FFC0]  }
0x12e: {  	v28 =	vmul.u32 $0x29, v22;
	v7 =	vmul.u32 $0x29, v23;
	v8 =	vld.idx.msk [tilespmem:v52+s10+$0x0], $0xffff;
	[tilespmem:v61+s13+$0x0] =	vst.idx.msk $0xffff, v60;
	v5 =	vadd.s32 v29, v33  }
0x12f: {  	v60 =	vld.idx.msk [tilespmem:v62+s10+$0x0], $0xffff  }
0x130: {  	v50 =	vmovc v44;
	v7 =	vshrl.u32 v7, $0xD;
	[tilespmem:v48+s13+$0x0] =	vst.idx.msk $0xffff, v1;
	v62 =	vld [tilespmem:$0x1FF20];
	v44 =	vshrl.u32 v28, $0xD;
	v1 =	vadd.s32 v32, v37  }
0x131: {  	v61 =	vor.u32 $0x13, v38;
	v7 =	vmul.u32 $0x1838, v7;
	v3 =	vld.idx.msk [tilespmem:v3+s10+$0x0], $0xffff;
	v0 =	vmul.u32 $0x1838, v44  }
0x132: {  	v58 =	vor.u32 $0xF, v39;
	v16 =	vadd.s32 v18, v42;
	v17 =	vld.idx.msk [tilespmem:v51+s10+$0x0], $0xffff;
	v31 =	vadd.s32 v27, v40  }
0x133: {  	v7 =	vadd.s32 v23, v7;
	v0 =	vadd.s32 v22, v0;
	[tilespmem:v5+s13+$0x0] =	vst.idx.msk $0xffff, v8;
	v4 =	vld.idx.msk [tilespmem:v4+s10+$0x0], $0xffff  }
0x134: {  	v63 =	vor.u32 $0xA, v41;
	v44 =	vand.u32 $0xFFFFFFF8, v7;
	v52 =	vand.u32 $0xFFFFFFF8, v0;
	v7 =	vld.idx.msk [tilespmem:v45+s10+$0x0], $0xffff;
	[tilespmem:v54+s13+$0x0] =	vst.idx.msk $0xffff, v59  }
0x135: {  	v19 =	vor.u32 v11, v52;
	[tilespmem:v1+s13+$0x0] =	vst.idx.msk $0xffff, v60;
	v45 =	vld.idx.msk [tilespmem:v56+s10+$0x0], $0xffff  }
0x136: {  	v54 =	vld.idx.msk [tilespmem:v61+s10+$0x0], $0xffff  }
0x137: {  	[tilespmem:v31+s13+$0x0] =	vst.idx.msk $0xffff, v30;
	v30 =	vld [tilespmem:$0x1FF60]  }
0x138: {  	[tilespmem:v16+s13+$0x0] =	vst.idx.msk $0xffff, v3;
	v53 =	vld.idx.msk [tilespmem:v58+s10+$0x0], $0xffff  }
0x139: {  	v0 =	vadd.s32 v46, v50;
	v58 =	vld.idx.msk [tilespmem:v63+s10+$0x0], $0xffff  }
0x13a: {  	v12 =	vmov v47;
	v2 =	vor.u32 $0x6, v43;
	[tilespmem:v19+s13+$0x0] =	vst.idx.msk $0xffff, v17;
	v19 =	vld [tilespmem:$0x1FE60]  }
0x13b: {  	[tilespmem:$0x1FDF0] =	vst v12;
	v12 =	vld [tilespmem:$0x1FEA0];
	v49 =	vshll.u32 v23, $0x5;
	v8 =	vor.u32 $0x1, v51;
	v1 =	vadd.s32 v24, v33  }
0x13c: {  	v6 =	vor.u32 $0x1D, v34;
	v57 =	vor.u32 $0xE, v49;
	v13 =	vld [tilespmem:$0x1FED0];
	v56 =	vadd.s32 v62, v35  }
0x13d: {  	v47 =	vmov v57;
	v57 =	vor.u32 $0x19, v36;
	v61 =	vld [tilespmem:$0x1FF00];
	v3 =	vadd.s32 v30, v37  }
0x13e: {  	v21 =	vadd.s32 v26, v40;
	[tilespmem:v0+s13+$0x0] =	vst.idx.msk $0xffff, v4;
	v0 =	vor.u32 $0x14, v38;
	v63 =	vld [tilespmem:$0x1FF30]  }
0x13f: {  	v25 =	vor.u32 $0x10, v39;
	v2 =	vld.idx.msk [tilespmem:v2+s10+$0x0], $0xffff;
	v23 =	vadd.s32 v19, v42  }
0x140: {  	v28 =	vor.u32 $0xB, v41;
	v8 =	vld.idx.msk [tilespmem:v8+s10+$0x0], $0xffff;
	[tilespmem:v1+s13+$0x0] =	vst.idx.msk $0xffff, v7  }
0x141: {  	v31 =	vadd.s32 v15, v50;
	[tilespmem:v56+s13+$0x0] =	vst.idx.msk $0xffff, v45;
	v6 =	vld.idx.msk [tilespmem:v6+s10+$0x0], $0xffff  }
0x142: {  	v16 =	vor.u32 $0x7, v43;
	[tilespmem:v3+s13+$0x0] =	vst.idx.msk $0xffff, v54;
	v54 =	vld.idx.msk [tilespmem:v57+s10+$0x0], $0xffff  }
0x143: {  	v1 =	vadd.s32 v12, v52;
	[tilespmem:v21+s13+$0x0] =	vst.idx.msk $0xffff, v53;
	v0 =	vld.idx.msk [tilespmem:v0+s10+$0x0], $0xffff  }
0x144: {  	v17 =	vor.u32 $0x2, v51;
	[tilespmem:v23+s13+$0x0] =	vst.idx.msk $0xffff, v58;
	v55 =	vld.idx.msk [tilespmem:v25+s10+$0x0], $0xffff  }
0x145: {  	v3 =	vadd.s32 v61, v33;
	v57 =	vld.idx.msk [tilespmem:v28+s10+$0x0], $0xffff  }
0x146: {  	v4 =	vor.u32 $0x1E, v34;
	v53 =	vadd.s32 v63, v35;
	[tilespmem:v31+s13+$0x0] =	vst.idx.msk $0xffff, v2;
	v28 =	vld [tilespmem:$0x1FFE0]  }
0x147: {  	v5 =	vadd.s32 v10, v37;
	v25 =	vor.u32 $0x1A, v36;
	v7 =	vld.idx.msk [tilespmem:v16+s10+$0x0], $0xffff  }
0x148: {  	[tilespmem:v1+s13+$0x0] =	vst.idx.msk $0xffff, v8;
	v16 =	vld [tilespmem:$0x1FEF0]  }
0x149: {  	v2 =	vor.u32 $0x15, v38;
	v1 =	vadd.s32 v20, v42;
	v45 =	vld.idx.msk [tilespmem:v17+s10+$0x0], $0xffff  }
0x14a: {  	v23 =	vor.u32 $0xC, v41;
	v17 =	vld [tilespmem:$0x1FE30];
	[tilespmem:v3+s13+$0x0] =	vst.idx.msk $0xffff, v6  }
0x14b: {  	[tilespmem:v53+s13+$0x0] =	vst.idx.msk $0xffff, v54;
	v4 =	vld.idx.msk [tilespmem:v4+s10+$0x0], $0xffff;
	v31 =	vadd.s32 v28, v40  }
0x14c: {  	[tilespmem:v5+s13+$0x0] =	vst.idx.msk $0xffff, v0;
	v5 =	vld.idx.msk [tilespmem:v25+s10+$0x0], $0xffff  }
0x14d: {  	v25 =	vld [tilespmem:$0x1FFB0]  }
0x14e: {  	v2 =	vld.idx.msk [tilespmem:v2+s10+$0x0], $0xffff;
	[tilespmem:v1+s13+$0x0] =	vst.idx.msk $0xffff, v57  }
0x14f: {  	v8 =	vor.u32 $0x11, v39;
	v57 =	vld.idx.msk [tilespmem:v23+s10+$0x0], $0xffff  }
0x150: {  	v21 =	vadd.s32 v17, v50;
	[tilespmem:v31+s13+$0x0] =	vst.idx.msk $0xffff, v55;
	v31 =	vld [tilespmem:$0x1FF80]  }
0x151: {  	v3 =	vadd.s32 v13, v52;
	v23 =	vld [tilespmem:$0x1FFF0]  }
0x152: {  	v14 =	vld [tilespmem:$0x1FEB0];
	v53 =	vor.u32 $0x3, v51;
	v0 =	vadd.s32 v16, v33  }
0x153: {  	v22 =	vld [tilespmem:$0x1FE40];
	v54 =	vor.u32 $0x1F, v34  }
0x154: {  	v6 =	vor.u32 $0x8, v43;
	v55 =	vadd.s32 v25, v35;
	v8 =	vld.idx.msk [tilespmem:v8+s10+$0x0], $0xffff  }
0x155: {  	v56 =	vor.u32 $0x1B, v36;
	[tilespmem:v21+s13+$0x0] =	vst.idx.msk $0xffff, v7;
	v21 =	vld [tilespmem:$0x1FE80];
	v1 =	vadd.s32 v31, v37  }
0x156: {  	v60 =	vld [tilespmem:$0x1FF10];
	[tilespmem:v3+s13+$0x0] =	vst.idx.msk $0xffff, v45;
	v58 =	vadd.s32 v23, v40  }
0x157: {  	v34 =	vmov v38;
	v38 =	vmov v41;
	v41 =	vmov v51;
	v51 =	vld.idx.msk [tilespmem:v53+s10+$0x0], $0xffff;
	[tilespmem:v0+s13+$0x0] =	vst.idx.msk $0xffff, v4  }
0x158: {  	v54 =	vld.idx.msk [tilespmem:v54+s10+$0x0], $0xffff  }
0x159: {  	v48 =	vadd.s32 v22, v52;
	v7 =	vor.u32 $0x16, v34;
	v6 =	vld.idx.msk [tilespmem:v6+s10+$0x0], $0xffff;
	[tilespmem:v55+s13+$0x0] =	vst.idx.msk $0xffff, v5  }
0x15a: {  	v45 =	vor.u32 $0x12, v39;
	v3 =	vadd.s32 v21, v42;
	[tilespmem:v1+s13+$0x0] =	vst.idx.msk $0xffff, v2;
	v2 =	vld.idx.msk [tilespmem:v56+s10+$0x0], $0xffff  }
0x15b: {  	v22 =	vadd.s32 v22, v50;
	[tilespmem:v58+s13+$0x0] =	vst.idx.msk $0xffff, v8;
	v8 =	vadd.s32 v29, v35;
	v29 =	vld [tilespmem:$0x1FF90]  }
0x15c: {  	v53 =	vor.u32 $0xD, v38  }
0x15d: {  	v0 =	vadd.s32 v14, v52;
	v4 =	vor.u32 $0x9, v43  }
0x15e: {  	v5 =	vor.u32 $0x4, v41;
	v1 =	vadd.s32 v60, v33;
	v7 =	vld.idx.msk [tilespmem:v7+s10+$0x0], $0xffff  }
0x15f: {  	v33 =	vmov v37;
	[tilespmem:v3+s13+$0x0] =	vst.idx.msk $0xffff, v57;
	v45 =	vld.idx.msk [tilespmem:v45+s10+$0x0], $0xffff  }
0x160: {  	v37 =	vmovc v42;
	v42 =	vmov v52;
	v52 =	vor.u32 $0x1C, v36;
	[tilespmem:v22+s13+$0x0] =	vst.idx.msk $0xffff, v6;
	v22 =	vld [tilespmem:$0x1FE90];
	v3 =	vadd.s32 v29, v33  }
0x161: {  	v32 =	vadd.s32 v32, v40;
	v53 =	vld.idx.msk [tilespmem:v53+s10+$0x0], $0xffff  }
0x162: {  	[tilespmem:v0+s13+$0x0] =	vst.idx.msk $0xffff, v51;
	v4 =	vld.idx.msk [tilespmem:v4+s10+$0x0], $0xffff  }
0x163: {  	v5 =	vld.idx.msk [tilespmem:v5+s10+$0x0], $0xffff;
	[tilespmem:v1+s13+$0x0] =	vst.idx.msk $0xffff, v54  }
0x164: {  	v54 =	vld.idx.msk [tilespmem:v49+s10+$0x0], $0xffff;
	[tilespmem:v8+s13+$0x0] =	vst.idx.msk $0xffff, v2  }
0x165: {  	v6 =	vor.u32 $0x17, v34;
	[tilespmem:v3+s13+$0x0] =	vst.idx.msk $0xffff, v7;
	v3 =	vld.idx.msk [tilespmem:v52+s10+$0x0], $0xffff  }
0x166: {  	v51 =	vor.u32 $0x13, v39;
	v0 =	vadd.s32 v22, v37;
	[tilespmem:v32+s13+$0x0] =	vst.idx.msk $0xffff, v45;
	v32 =	vld [tilespmem:$0x1FF50]  }
0x167: {  	v56 =	vor.u32 $0xE, v38;
	v57 =	vadd.s32 v18, v50  }
0x168: {  	v58 =	vor.u32 $0xA, v43;
	v1 =	vadd.s32 v9, v42  }
0x169: {  	v18 =	vor.u32 v11, v44;
	v2 =	vor.u32 $0x5, v41  }
0x16a: {  	v7 =	vor.u32 $0x1, v49;
	v45 =	vadd.s32 v24, v35;
	v6 =	vld.idx.msk [tilespmem:v6+s10+$0x0], $0xffff  }
0x16b: {  	v52 =	vor.u32 $0x1D, v36;
	[tilespmem:v0+s13+$0x0] =	vst.idx.msk $0xffff, v53;
	v51 =	vld.idx.msk [tilespmem:v51+s10+$0x0], $0xffff;
	v0 =	vadd.s32 v32, v33  }
0x16c: {  	v55 =	vadd.s32 v30, v40;
	[tilespmem:v57+s13+$0x0] =	vst.idx.msk $0xffff, v4;
	v4 =	vor.u32 $0x18, v34;
	v53 =	vld.idx.msk [tilespmem:v56+s10+$0x0], $0xffff  }
0x16d: {  	[tilespmem:v1+s13+$0x0] =	vst.idx.msk $0xffff, v5;
	v1 =	vadd.s32 v27, v37;
	v5 =	vld.idx.msk [tilespmem:v58+s10+$0x0], $0xffff;
	v56 =	vor.u32 $0x14, v39  }
0x16e: {  	v8 =	vor.u32 $0xF, v38;
	[tilespmem:v18+s13+$0x0] =	vst.idx.msk $0xffff, v54;
	v18 =	vadd.s32 v19, v50;
	v2 =	vld.idx.msk [tilespmem:v2+s10+$0x0], $0xffff  }
0x16f: {  	v24 =	vor.u32 $0xB, v43;
	v19 =	vadd.s32 v46, v42;
	v7 =	vld.idx.msk [tilespmem:v7+s10+$0x0], $0xffff;
	[tilespmem:v45+s13+$0x0] =	vst.idx.msk $0xffff, v3  }
0x170: {  	v27 =	vadd.s32 v12, v44;
	v3 =	vor.u32 $0x6, v41;
	[tilespmem:v0+s13+$0x0] =	vst.idx.msk $0xffff, v6;
	v0 =	vld.idx.msk [tilespmem:v52+s10+$0x0], $0xffff  }
0x171: {  	v30 =	vor.u32 $0x2, v49;
	[tilespmem:v55+s13+$0x0] =	vst.idx.msk $0xffff, v51;
	v4 =	vld.idx.msk [tilespmem:v4+s10+$0x0], $0xffff  }
0x172: {  	v61 =	vadd.s32 v61, v35;
	[tilespmem:v1+s13+$0x0] =	vst.idx.msk $0xffff, v53;
	v52 =	vld.idx.msk [tilespmem:v56+s10+$0x0], $0xffff  }
0x173: {  	v1 =	vadd.s32 v62, v33;
	v62 =	vor.u32 $0x1E, v36;
	[tilespmem:v18+s13+$0x0] =	vst.idx.msk $0xffff, v5;
	v8 =	vld.idx.msk [tilespmem:v8+s10+$0x0], $0xffff  }
0x174: {  	v11 =	vor.u32 $0x19, v34;
	v18 =	vadd.s32 v10, v40;
	[tilespmem:v19+s13+$0x0] =	vst.idx.msk $0xffff, v2;
	v55 =	vld.idx.msk [tilespmem:v24+s10+$0x0], $0xffff  }
0x175: {  	v2 =	vadd.s32 v26, v37;
	v19 =	vor.u32 $0x15, v39;
	[tilespmem:v27+s13+$0x0] =	vst.idx.msk $0xffff, v7;
	v3 =	vld.idx.msk [tilespmem:v3+s10+$0x0], $0xffff  }
0x176: {  	v24 =	vor.u32 $0x10, v38;
	v26 =	vadd.s32 v20, v50;
	v6 =	vld.idx.msk [tilespmem:v30+s10+$0x0], $0xffff  }
0x177: {  	v27 =	vadd.s32 v15, v42;
	v30 =	vor.u32 $0xC, v43;
	[tilespmem:v61+s13+$0x0] =	vst.idx.msk $0xffff, v0;
	v61 =	vadd.s32 v13, v44;
	v13 =	vld [tilespmem:$0x1FDF0]  }
0x178: {  	v51 =	vadd.s32 v25, v33;
	v0 =	vor.u32 $0x7, v41;
	[tilespmem:v1+s13+$0x0] =	vst.idx.msk $0xffff, v4;
	v1 =	vld.idx.msk [tilespmem:v62+s10+$0x0], $0xffff  }
0x179: {  	v62 =	vor.u32 $0x3, v49;
	[tilespmem:v18+s13+$0x0] =	vst.idx.msk $0xffff, v52;
	v52 =	vadd.s32 v16, v35;
	v5 =	vld.idx.msk [tilespmem:v11+s10+$0x0], $0xffff  }
0x17a: {  	v16 =	vor.u32 $0x1F, v36;
	[tilespmem:v2+s13+$0x0] =	vst.idx.msk $0xffff, v8;
	v2 =	vadd.s32 v63, v33;
	v8 =	vld.idx.msk [tilespmem:v19+s10+$0x0], $0xffff  }
0x17b: {  	v36 =	vmov v39;
	v18 =	vor.u32 $0x1A, v34;
	[tilespmem:v26+s13+$0x0] =	vst.idx.msk $0xffff, v55;
	v19 =	vadd.s32 v31, v40;
	v7 =	vld.idx.msk [tilespmem:v24+s10+$0x0], $0xffff  }
0x17c: {  	[tilespmem:v27+s13+$0x0] =	vst.idx.msk $0xffff, v3;
	v3 =	vadd.s32 v28, v37;
	v20 =	vld.idx.msk [tilespmem:v30+s10+$0x0], $0xffff;
	v24 =	vor.u32 $0x16, v36  }
0x17d: {  	v39 =	vmov v43;
	v26 =	vor.u32 $0x11, v38;
	v27 =	vadd.s32 v21, v50;
	v0 =	vld.idx.msk [tilespmem:v0+s10+$0x0], $0xffff;
	[tilespmem:v61+s13+$0x0] =	vst.idx.msk $0xffff, v6  }
0x17e: {  	s22 =	sadd.s32 $0x2, s22;
	v28 =	vadd.s32 v17, v42;
	v30 =	vor.u32 $0xD, v39;
	v4 =	vld.idx.msk [tilespmem:v62+s10+$0x0], $0xffff;
	[tilespmem:v52+s13+$0x0] =	vst.idx.msk $0xffff, v1  }
0x17f: {  	p1 =	slt.u32 s22, $0x30;
	v31 =	vadd.s32 v14, v44;
	v1 =	vor.u32 $0x8, v41;
	[tilespmem:v2+s13+$0x0] =	vst.idx.msk $0xffff, v5;
	v53 =	vld.idx.msk [tilespmem:v16+s10+$0x0], $0xffff  }
.Ltmp1:
0x180: {  	v43 =	vmov v49;
	v55 =	vadd.s32 v60, v35;
	[tilespmem:v19+s13+$0x0] =	vst.idx.msk $0xffff, v8;
	v49 =	vld.idx.msk [tilespmem:v18+s10+$0x0], $0xffff;
	(pc) =	sbr.rel @p1 .LBB2_5-.Ltmp1, $4  }
0x181: {  	v45 =	vor.u32 $0x1C, v34;
	v35 =	vmovc v40;
	v40 =	vmov v50;
	v59 =	vor.u32 $0x17, v36;
	[tilespmem:v3+s13+$0x0] =	vst.idx.msk $0xffff, v7;
	v57 =	vld.idx.msk [tilespmem:v24+s10+$0x0], $0xffff  }
0x182: {  	v54 =	vadd.s32 v32, v35;
	v58 =	vadd.s32 v29, v35;
	[tilespmem:v27+s13+$0x0] =	vst.idx.msk $0xffff, v20;
	v60 =	vld.idx.msk [tilespmem:v26+s10+$0x0], $0xffff  }
0x183: {  	v56 =	vor.u32 $0x18, v36;
	v61 =	vadd.s32 v23, v37;
	v52 =	vor.u32 $0x1B, v34;
	v63 =	vld.idx.msk [tilespmem:v30+s10+$0x0], $0xffff;
	[tilespmem:v28+s13+$0x0] =	vst.idx.msk $0xffff, v0  }
0x184: {  	s23 =	sadd.s32 $0x20, s23;
	v62 =	vor.u32 $0x12, v38;
	v2 =	vor.u32 $0x4, v43;
	v0 =	vadd.s32 v22, v40;
	v1 =	vld.idx.msk [tilespmem:v1+s10+$0x0], $0xffff;
	[tilespmem:v31+s13+$0x0] =	vst.idx.msk $0xffff, v4  }
0x185: {  	v3 =	vld [tilespmem:$0x1FE10];
	_ =	sdelay $0x4  }
0x186: {  	v2 =	vld.idx.msk [tilespmem:v2+s10+$0x0], $0xffff;
	v3 =	vadd.s32 v3, v44  }
0x187: {  	v4 =	vor.u32 $0x5, v43  }
0x188: {  	v24 =	vld [tilespmem:$0x1FEB0]  }
0x189: {  	v11 =	vld [tilespmem:$0x1FED0]  }
0x18a: {  	v12 =	vld [tilespmem:$0x1FEA0]  }
0x18b: {  	v23 =	vld [tilespmem:$0x1FEC0];
	[tilespmem:v3+s13+$0x0] =	vst.idx.msk $0xffff, v2  }
0x18c: {  	v50 =	vadd.s32 v46, v44;
	v2 =	vld.idx.msk [tilespmem:v4+s10+$0x0], $0xffff;
	_ =	sdelay $0x4  }
0x18d: {  	[tilespmem:v50+s13+$0x0] =	vst.idx.msk $0xffff, v2  }
0x18e: {  	v32 =	vor.u32 $0x6, v43;
	v3 =	vld [tilespmem:$0x1FE20];
	_ =	sdelay $0x4  }
0x18f: {  	v2 =	vld.idx.msk [tilespmem:v32+s10+$0x0], $0xffff;
	v3 =	vadd.s32 v3, v44;
	_ =	sdelay $0x4  }
0x190: {  	[tilespmem:v3+s13+$0x0] =	vst.idx.msk $0xffff, v2  }
0x191: {  	v16 =	vmov v46;
	v46 =	vor.u32 $0x7, v43;
	v3 =	vld [tilespmem:$0x1FE30];
	_ =	sdelay $0x4  }
0x192: {  	v2 =	vld.idx.msk [tilespmem:v46+s10+$0x0], $0xffff;
	v3 =	vadd.s32 v3, v44;
	_ =	sdelay $0x4  }
0x193: {  	[tilespmem:v3+s13+$0x0] =	vst.idx.msk $0xffff, v2  }
0x194: {  	v50 =	vor.u32 $0x8, v43;
	v46 =	vld [tilespmem:$0x1FE40];
	[tilespmem:v48+s13+$0x0] =	vst.idx.msk $0xffff, v1  }
0x195: {  	v32 =	vor.u32 $0x9, v41;
	v6 =	vld [tilespmem:$0x1FE50];
	_ =	sdelay $0x3  }
0x196: {  	v3 =	vld.idx.msk [tilespmem:v50+s10+$0x0], $0xffff;
	v4 =	vadd.s32 v46, v44  }
0x197: {  	v1 =	vld.idx.msk [tilespmem:v32+s10+$0x0], $0xffff;
	v48 =	vadd.s32 v6, v42;
	_ =	sdelay $0x3  }
0x198: {  	[tilespmem:v4+s13+$0x0] =	vst.idx.msk $0xffff, v3  }
0x199: {  	v5 =	vor.u32 $0x9, v43;
	[tilespmem:v48+s13+$0x0] =	vst.idx.msk $0xffff, v1  }
0x19a: {  	v50 =	vor.u32 $0xA, v41;
	v7 =	vld [tilespmem:$0x1FE60];
	_ =	sdelay $0x3  }
0x19b: {  	v32 =	vadd.s32 v6, v44;
	v4 =	vld.idx.msk [tilespmem:v5+s10+$0x0], $0xffff  }
0x19c: {  	v1 =	vld.idx.msk [tilespmem:v50+s10+$0x0], $0xffff;
	v48 =	vadd.s32 v7, v42;
	_ =	sdelay $0x3  }
0x19d: {  	[tilespmem:v32+s13+$0x0] =	vst.idx.msk $0xffff, v4  }
0x19e: {  	v46 =	vor.u32 $0xA, v43;
	[tilespmem:v48+s13+$0x0] =	vst.idx.msk $0xffff, v1  }
0x19f: {  	v50 =	vor.u32 $0xB, v41;
	v48 =	vld [tilespmem:$0x1FE70];
	_ =	sdelay $0x3  }
0x1a0: {  	v4 =	vld.idx.msk [tilespmem:v46+s10+$0x0], $0xffff;
	v32 =	vadd.s32 v7, v44  }
0x1a1: {  	v46 =	vor.u32 $0xB, v43;
	v1 =	vld.idx.msk [tilespmem:v50+s10+$0x0], $0xffff;
	v50 =	vadd.s32 v48, v42;
	_ =	sdelay $0x3  }
0x1a2: {  	[tilespmem:v32+s13+$0x0] =	vst.idx.msk $0xffff, v4  }
0x1a3: {  	v4 =	vld.idx.msk [tilespmem:v46+s10+$0x0], $0xffff;
	[tilespmem:v50+s13+$0x0] =	vst.idx.msk $0xffff, v1  }
0x1a4: {  	v32 =	vor.u32 $0xC, v41;
	v46 =	vadd.s32 v48, v44;
	v50 =	vld [tilespmem:$0x1FE80]  }
0x1a5: {  	v48 =	vor.u32 $0xC, v43;
	_ =	sdelay $0x3  }
0x1a6: {  	v1 =	vld.idx.msk [tilespmem:v32+s10+$0x0], $0xffff;
	[tilespmem:v46+s13+$0x0] =	vst.idx.msk $0xffff, v4;
	v32 =	vadd.s32 v50, v42  }
0x1a7: {  	v4 =	vld.idx.msk [tilespmem:v48+s10+$0x0], $0xffff;
	v48 =	vadd.s32 v50, v44;
	_ =	sdelay $0x3  }
0x1a8: {  	[tilespmem:v32+s13+$0x0] =	vst.idx.msk $0xffff, v1  }
0x1a9: {  	v46 =	vor.u32 $0xD, v41;
	v32 =	vld [tilespmem:$0x1FE90];
	[tilespmem:v48+s13+$0x0] =	vst.idx.msk $0xffff, v4  }
0x1aa: {  	v50 =	vor.u32 $0xD, v43;
	[tilespmem:v0+s13+$0x0] =	vst.idx.msk $0xffff, v63  }
0x1ab: {  	v25 =	vld [tilespmem:$0x1FFC0];
	_ =	sdelay $0x2  }
0x1ac: {  	v1 =	vld.idx.msk [tilespmem:v46+s10+$0x0], $0xffff;
	v46 =	vadd.s32 v32, v42  }
0x1ad: {  	v4 =	vld.idx.msk [tilespmem:v50+s10+$0x0], $0xffff;
	v50 =	vadd.s32 v32, v44  }
0x1ae: {  	v0 =	vld.idx.msk [tilespmem:v13+s10+$0x0], $0xffff;
	v32 =	vadd.s32 v25, v40;
	_ =	sdelay $0x2  }
0x1af: {  	[tilespmem:v46+s13+$0x0] =	vst.idx.msk $0xffff, v1  }
0x1b0: {  	v48 =	vor.u32 $0xE, v41;
	[tilespmem:v50+s13+$0x0] =	vst.idx.msk $0xffff, v4  }
0x1b1: {  	[tilespmem:v32+s13+$0x0] =	vst.idx.msk $0xffff, v0  }
0x1b2: {  	v46 =	vor.u32 $0xF, v39;
	v26 =	vld [tilespmem:$0x1FFD0];
	_ =	sdelay $0x2  }
0x1b3: {  	v2 =	vld.idx.msk [tilespmem:v48+s10+$0x0], $0xffff;
	v48 =	vadd.s32 v25, v42  }
0x1b4: {  	v63 =	vadd.s32 v25, v44;
	v5 =	vld.idx.msk [tilespmem:v47+s10+$0x0], $0xffff  }
0x1b5: {  	v0 =	vld.idx.msk [tilespmem:v46+s10+$0x0], $0xffff;
	v32 =	vadd.s32 v26, v40;
	_ =	sdelay $0x1  }
0x1b6: {  	v50 =	vor.u32 $0xF, v41  }
0x1b7: {  	v8 =	vor.u32 $0xF, v43;
	[tilespmem:v48+s13+$0x0] =	vst.idx.msk $0xffff, v2  }
0x1b8: {  	[tilespmem:v63+s13+$0x0] =	vst.idx.msk $0xffff, v5  }
0x1b9: {  	[tilespmem:v32+s13+$0x0] =	vst.idx.msk $0xffff, v0  }
0x1ba: {  	v46 =	vor.u32 $0x10, v39;
	v27 =	vld [tilespmem:$0x1FFE0]  }
0x1bb: {  	v3 =	vld.idx.msk [tilespmem:v50+s10+$0x0], $0xffff;
	v47 =	vadd.s32 v26, v42  }
0x1bc: {  	v48 =	vor.u32 $0x10, v41;
	v50 =	vld.idx.msk [tilespmem:v8+s10+$0x0], $0xffff;
	v63 =	vadd.s32 v26, v44  }
0x1bd: {  	v8 =	vor.u32 $0x10, v43;
	_ =	sdelay $0x1  }
0x1be: {  	v0 =	vld.idx.msk [tilespmem:v46+s10+$0x0], $0xffff;
	v32 =	vadd.s32 v27, v40  }
0x1bf: {  	[tilespmem:v47+s13+$0x0] =	vst.idx.msk $0xffff, v3  }
0x1c0: {  	[tilespmem:v63+s13+$0x0] =	vst.idx.msk $0xffff, v50;
	v3 =	vld.idx.msk [tilespmem:v48+s10+$0x0], $0xffff;
	v47 =	vadd.s32 v27, v42  }
0x1c1: {  	v6 =	vld.idx.msk [tilespmem:v8+s10+$0x0], $0xffff;
	v50 =	vadd.s32 v27, v44;
	_ =	sdelay $0x1  }
0x1c2: {  	[tilespmem:v32+s13+$0x0] =	vst.idx.msk $0xffff, v0  }
0x1c3: {  	v46 =	vor.u32 $0x11, v39;
	v28 =	vld [tilespmem:$0x1FFF0]  }
0x1c4: {  	[tilespmem:v47+s13+$0x0] =	vst.idx.msk $0xffff, v3  }
0x1c5: {  	[tilespmem:v50+s13+$0x0] =	vst.idx.msk $0xffff, v6  }
0x1c6: {  	v48 =	vor.u32 $0x11, v41;
	[tilespmem:v61+s13+$0x0] =	vst.idx.msk $0xffff, v60  }
0x1c7: {  	v29 =	vld [tilespmem:$0x1FF40]  }
0x1c8: {  	v8 =	vor.u32 $0x11, v43;
	v0 =	vld.idx.msk [tilespmem:v46+s10+$0x0], $0xffff;
	v63 =	vadd.s32 v28, v40;
	_ =	sdelay $0x2  }
0x1c9: {  	v3 =	vld.idx.msk [tilespmem:v48+s10+$0x0], $0xffff;
	v32 =	vadd.s32 v28, v42  }
0x1ca: {  	v9 =	vld.idx.msk [tilespmem:v62+s10+$0x0], $0xffff;
	v62 =	vadd.s32 v29, v37  }
0x1cb: {  	v6 =	vld.idx.msk [tilespmem:v8+s10+$0x0], $0xffff;
	v50 =	vadd.s32 v28, v44;
	[tilespmem:v63+s13+$0x0] =	vst.idx.msk $0xffff, v0;
	v63 =	vor.u32 $0x13, v38;
	_ =	sdelay $0x2  }
0x1cc: {  	v2 =	vor.u32 $0x12, v39;
	[tilespmem:v32+s13+$0x0] =	vst.idx.msk $0xffff, v3  }
0x1cd: {  	v48 =	vor.u32 $0x12, v41;
	[tilespmem:v62+s13+$0x0] =	vst.idx.msk $0xffff, v9  }
0x1ce: {  	v8 =	vor.u32 $0x12, v43;
	[tilespmem:v50+s13+$0x0] =	vst.idx.msk $0xffff, v6;
	v0 =	vld.idx.msk [tilespmem:v63+s10+$0x0], $0xffff  }
0x1cf: {  	v63 =	vld [tilespmem:$0x1FF60];
	_ =	sdelay $0x1  }
0x1d0: {  	v1 =	vld.idx.msk [tilespmem:v2+s10+$0x0], $0xffff;
	v2 =	vadd.s32 v29, v40  }
0x1d1: {  	v32 =	vadd.s32 v29, v42;
	v4 =	vld.idx.msk [tilespmem:v48+s10+$0x0], $0xffff  }
0x1d2: {  	v7 =	vld.idx.msk [tilespmem:v8+s10+$0x0], $0xffff;
	v8 =	vadd.s32 v29, v44  }
0x1d3: {  	v9 =	vadd.s32 v63, v37;
	_ =	sdelay $0x1  }
0x1d4: {  	[tilespmem:v2+s13+$0x0] =	vst.idx.msk $0xffff, v1  }
0x1d5: {  	[tilespmem:v32+s13+$0x0] =	vst.idx.msk $0xffff, v4  }
0x1d6: {  	v3 =	vor.u32 $0x13, v39;
	[tilespmem:v8+s13+$0x0] =	vst.idx.msk $0xffff, v7  }
0x1d7: {  	v48 =	vor.u32 $0x13, v41;
	[tilespmem:v9+s13+$0x0] =	vst.idx.msk $0xffff, v0  }
0x1d8: {  	v62 =	vor.u32 $0x14, v38;
	v61 =	vld [tilespmem:$0x1FF70]  }
0x1d9: {  	v50 =	vor.u32 $0x13, v43;
	_ =	sdelay $0x1  }
0x1da: {  	v2 =	vld.idx.msk [tilespmem:v3+s10+$0x0], $0xffff;
	v3 =	vadd.s32 v63, v40  }
0x1db: {  	v5 =	vld.idx.msk [tilespmem:v48+s10+$0x0], $0xffff;
	v6 =	vadd.s32 v63, v42  }
0x1dc: {  	v0 =	vld.idx.msk [tilespmem:v62+s10+$0x0], $0xffff;
	v60 =	vadd.s32 v61, v37  }
0x1dd: {  	v8 =	vld.idx.msk [tilespmem:v50+s10+$0x0], $0xffff;
	v48 =	vadd.s32 v63, v44;
	v62 =	vor.u32 $0x15, v38;
	_ =	sdelay $0x1  }
0x1de: {  	[tilespmem:v3+s13+$0x0] =	vst.idx.msk $0xffff, v2  }
0x1df: {  	v4 =	vor.u32 $0x14, v39;
	[tilespmem:v6+s13+$0x0] =	vst.idx.msk $0xffff, v5  }
0x1e0: {  	v32 =	vor.u32 $0x14, v41;
	[tilespmem:v60+s13+$0x0] =	vst.idx.msk $0xffff, v0  }
0x1e1: {  	v50 =	vor.u32 $0x14, v43;
	[tilespmem:v48+s13+$0x0] =	vst.idx.msk $0xffff, v8;
	v0 =	vld.idx.msk [tilespmem:v62+s10+$0x0], $0xffff  }
0x1e2: {  	v62 =	vld [tilespmem:$0x1FF80];
	_ =	sdelay $0x1  }
0x1e3: {  	v3 =	vld.idx.msk [tilespmem:v4+s10+$0x0], $0xffff;
	v4 =	vadd.s32 v61, v40  }
0x1e4: {  	v6 =	vld.idx.msk [tilespmem:v32+s10+$0x0], $0xffff;
	v32 =	vadd.s32 v61, v42  }
0x1e5: {  	v9 =	vld.idx.msk [tilespmem:v50+s10+$0x0], $0xffff;
	v48 =	vadd.s32 v61, v44  }
0x1e6: {  	v1 =	vadd.s32 v62, v37;
	_ =	sdelay $0x1  }
0x1e7: {  	v5 =	vor.u32 $0x15, v39;
	[tilespmem:v4+s13+$0x0] =	vst.idx.msk $0xffff, v3  }
0x1e8: {  	v8 =	vor.u32 $0x15, v41;
	[tilespmem:v32+s13+$0x0] =	vst.idx.msk $0xffff, v6  }
0x1e9: {  	v50 =	vor.u32 $0x15, v43;
	[tilespmem:v48+s13+$0x0] =	vst.idx.msk $0xffff, v9  }
0x1ea: {  	[tilespmem:v1+s13+$0x0] =	vst.idx.msk $0xffff, v0  }
0x1eb: {  	v2 =	vor.u32 $0x16, v38;
	v21 =	vld [tilespmem:$0x1FF90]  }
0x1ec: {  	v3 =	vld.idx.msk [tilespmem:v5+s10+$0x0], $0xffff;
	v60 =	vadd.s32 v62, v40  }
0x1ed: {  	v5 =	vor.u32 $0x16, v39;
	v6 =	vld.idx.msk [tilespmem:v8+s10+$0x0], $0xffff;
	v32 =	vadd.s32 v62, v42  }
0x1ee: {  	v8 =	vor.u32 $0x16, v41;
	v9 =	vld.idx.msk [tilespmem:v50+s10+$0x0], $0xffff;
	v48 =	vadd.s32 v62, v44  }
0x1ef: {  	v50 =	vor.u32 $0x16, v43  }
0x1f0: {  	v0 =	vld.idx.msk [tilespmem:v2+s10+$0x0], $0xffff;
	v1 =	vadd.s32 v21, v37  }
0x1f1: {  	[tilespmem:v60+s13+$0x0] =	vst.idx.msk $0xffff, v3;
	v60 =	vor.u32 $0x17, v38  }
0x1f2: {  	[tilespmem:v32+s13+$0x0] =	vst.idx.msk $0xffff, v6;
	v3 =	vld.idx.msk [tilespmem:v5+s10+$0x0], $0xffff;
	v4 =	vadd.s32 v21, v40  }
0x1f3: {  	[tilespmem:v48+s13+$0x0] =	vst.idx.msk $0xffff, v9;
	v6 =	vld.idx.msk [tilespmem:v8+s10+$0x0], $0xffff;
	v32 =	vadd.s32 v21, v42  }
0x1f4: {  	[tilespmem:v58+s13+$0x0] =	vst.idx.msk $0xffff, v57;
	v9 =	vld.idx.msk [tilespmem:v50+s10+$0x0], $0xffff;
	v46 =	vadd.s32 v21, v44  }
0x1f5: {  	v58 =	vor.u32 $0x17, v43;
	v59 =	vld.idx.msk [tilespmem:v59+s10+$0x0], $0xffff;
	[tilespmem:v1+s13+$0x0] =	vst.idx.msk $0xffff, v0  }
0x1f6: {  	v0 =	vld.idx.msk [tilespmem:v60+s10+$0x0], $0xffff  }
0x1f7: {  	v60 =	vld [tilespmem:$0x1FF50];
	[tilespmem:v4+s13+$0x0] =	vst.idx.msk $0xffff, v3  }
0x1f8: {  	v5 =	vor.u32 $0x17, v39;
	[tilespmem:v32+s13+$0x0] =	vst.idx.msk $0xffff, v6  }
0x1f9: {  	v8 =	vor.u32 $0x17, v41;
	[tilespmem:v46+s13+$0x0] =	vst.idx.msk $0xffff, v9  }
0x1fa: {  	[tilespmem:v54+s13+$0x0] =	vst.idx.msk $0xffff, v59;
	v46 =	vld.idx.msk [tilespmem:v58+s10+$0x0], $0xffff  }
0x1fb: {  	v58 =	vld [tilespmem:$0x1FF20]  }
0x1fc: {  	v1 =	vadd.s32 v60, v37  }
0x1fd: {  	v4 =	vld.idx.msk [tilespmem:v5+s10+$0x0], $0xffff;
	v3 =	vadd.s32 v60, v40  }
0x1fe: {  	v6 =	vld.idx.msk [tilespmem:v8+s10+$0x0], $0xffff;
	v32 =	vadd.s32 v60, v42  }
0x1ff: {  	v2 =	vor.u32 $0x18, v38;
	v9 =	vadd.s32 v60, v44  }
0x200: {  	v54 =	vor.u32 $0x18, v43;
	v48 =	vld.idx.msk [tilespmem:v56+s10+$0x0], $0xffff;
	v50 =	vadd.s32 v58, v35  }
0x201: {  	[tilespmem:v1+s13+$0x0] =	vst.idx.msk $0xffff, v0  }
0x202: {  	v5 =	vor.u32 $0x18, v39;
	[tilespmem:v3+s13+$0x0] =	vst.idx.msk $0xffff, v4  }
0x203: {  	v8 =	vor.u32 $0x18, v41;
	[tilespmem:v32+s13+$0x0] =	vst.idx.msk $0xffff, v6  }
0x204: {  	[tilespmem:v9+s13+$0x0] =	vst.idx.msk $0xffff, v46;
	v1 =	vld.idx.msk [tilespmem:v2+s10+$0x0], $0xffff  }
0x205: {  	v46 =	vld.idx.msk [tilespmem:v54+s10+$0x0], $0xffff;
	[tilespmem:v50+s13+$0x0] =	vst.idx.msk $0xffff, v48  }
0x206: {  	v56 =	vor.u32 $0x19, v36;
	v2 =	vadd.s32 v58, v37;
	v54 =	vld [tilespmem:$0x1FF30]  }
0x207: {  	v3 =	vor.u32 $0x19, v38;
	v4 =	vld.idx.msk [tilespmem:v5+s10+$0x0], $0xffff;
	v5 =	vadd.s32 v58, v40  }
0x208: {  	v57 =	vor.u32 $0x19, v39;
	v7 =	vld.idx.msk [tilespmem:v8+s10+$0x0], $0xffff;
	v8 =	vadd.s32 v58, v42  }
0x209: {  	v59 =	vadd.s32 v58, v44;
	v9 =	vor.u32 $0x19, v41  }
0x20a: {  	v32 =	vor.u32 $0x19, v43  }
0x20b: {  	v0 =	vld.idx.msk [tilespmem:v56+s10+$0x0], $0xffff;
	[tilespmem:v2+s13+$0x0] =	vst.idx.msk $0xffff, v1;
	v50 =	vadd.s32 v54, v35  }
0x20c: {  	[tilespmem:v5+s13+$0x0] =	vst.idx.msk $0xffff, v4;
	v2 =	vld.idx.msk [tilespmem:v3+s10+$0x0], $0xffff;
	v3 =	vadd.s32 v54, v37  }
0x20d: {  	[tilespmem:v8+s13+$0x0] =	vst.idx.msk $0xffff, v7;
	v5 =	vld.idx.msk [tilespmem:v57+s10+$0x0], $0xffff;
	v6 =	vadd.s32 v54, v40  }
0x20e: {  	[tilespmem:v59+s13+$0x0] =	vst.idx.msk $0xffff, v46;
	v8 =	vld.idx.msk [tilespmem:v9+s10+$0x0], $0xffff;
	v9 =	vadd.s32 v54, v42  }
0x20f: {  	[tilespmem:v55+s13+$0x0] =	vst.idx.msk $0xffff, v53;
	v47 =	vld.idx.msk [tilespmem:v32+s10+$0x0], $0xffff;
	v32 =	vadd.s32 v54, v44  }
0x210: {  	v1 =	vor.u32 $0x1A, v36;
	[tilespmem:v50+s13+$0x0] =	vst.idx.msk $0xffff, v0  }
0x211: {  	v22 =	vld [tilespmem:$0x1FFB0];
	[tilespmem:v3+s13+$0x0] =	vst.idx.msk $0xffff, v2  }
0x212: {  	v56 =	vor.u32 $0x1A, v38;
	[tilespmem:v6+s13+$0x0] =	vst.idx.msk $0xffff, v5  }
0x213: {  	v57 =	vor.u32 $0x1A, v39;
	[tilespmem:v9+s13+$0x0] =	vst.idx.msk $0xffff, v8  }
0x214: {  	v59 =	vor.u32 $0x1A, v41;
	[tilespmem:v32+s13+$0x0] =	vst.idx.msk $0xffff, v47  }
0x215: {  	v53 =	vor.u32 $0x1A, v43;
	v1 =	vld.idx.msk [tilespmem:v1+s10+$0x0], $0xffff;
	[tilespmem:v51+s13+$0x0] =	vst.idx.msk $0xffff, v49  }
0x216: {  	v17 =	vld [tilespmem:$0x1FE00];
	v50 =	vadd.s32 v22, v35  }
0x217: {  	v3 =	vld.idx.msk [tilespmem:v56+s10+$0x0], $0xffff;
	v56 =	vadd.s32 v22, v37  }
0x218: {  	v6 =	vld.idx.msk [tilespmem:v57+s10+$0x0], $0xffff;
	v57 =	vadd.s32 v22, v40  }
0x219: {  	v9 =	vld.idx.msk [tilespmem:v59+s10+$0x0], $0xffff;
	v46 =	vadd.s32 v22, v42  }
0x21a: {  	v0 =	vld.idx.msk [tilespmem:v53+s10+$0x0], $0xffff;
	v59 =	vadd.s32 v22, v44  }
0x21b: {  	v55 =	vor.u32 $0x1B, v36;
	v51 =	vld.idx.msk [tilespmem:v52+s10+$0x0], $0xffff;
	v32 =	vadd.s32 v17, v33;
	[tilespmem:v50+s13+$0x0] =	vst.idx.msk $0xffff, v1  }
0x21c: {  	[tilespmem:v56+s13+$0x0] =	vst.idx.msk $0xffff, v3  }
0x21d: {  	v5 =	vor.u32 $0x1B, v38;
	[tilespmem:v57+s13+$0x0] =	vst.idx.msk $0xffff, v6  }
0x21e: {  	v8 =	vor.u32 $0x1B, v39;
	[tilespmem:v46+s13+$0x0] =	vst.idx.msk $0xffff, v9  }
0x21f: {  	v47 =	vor.u32 $0x1B, v41;
	[tilespmem:v59+s13+$0x0] =	vst.idx.msk $0xffff, v0  }
0x220: {  	v52 =	vor.u32 $0x1B, v43;
	v2 =	vld.idx.msk [tilespmem:v55+s10+$0x0], $0xffff;
	[tilespmem:v32+s13+$0x0] =	vst.idx.msk $0xffff, v51  }
0x221: {  	v53 =	vadd.s32 v17, v35;
	v13 =	vld [tilespmem:$0x1FFA0]  }
0x222: {  	v56 =	vadd.s32 v17, v37;
	v5 =	vld.idx.msk [tilespmem:v5+s10+$0x0], $0xffff  }
0x223: {  	v7 =	vld.idx.msk [tilespmem:v8+s10+$0x0], $0xffff;
	v8 =	vadd.s32 v17, v40  }
0x224: {  	v46 =	vadd.s32 v17, v42;
	v47 =	vld.idx.msk [tilespmem:v47+s10+$0x0], $0xffff  }
0x225: {  	v48 =	vadd.s32 v17, v44;
	v1 =	vld.idx.msk [tilespmem:v52+s10+$0x0], $0xffff  }
0x226: {  	v55 =	vor.u32 $0x1C, v36;
	v45 =	vld.idx.msk [tilespmem:v45+s10+$0x0], $0xffff;
	[tilespmem:v53+s13+$0x0] =	vst.idx.msk $0xffff, v2;
	v49 =	vadd.s32 v13, v33  }
0x227: {  	[tilespmem:v56+s13+$0x0] =	vst.idx.msk $0xffff, v5  }
0x228: {  	v57 =	vor.u32 $0x1C, v38;
	[tilespmem:v8+s13+$0x0] =	vst.idx.msk $0xffff, v7  }
0x229: {  	v9 =	vor.u32 $0x1C, v39;
	[tilespmem:v46+s13+$0x0] =	vst.idx.msk $0xffff, v47  }
0x22a: {  	v59 =	vor.u32 $0x1C, v41;
	[tilespmem:v48+s13+$0x0] =	vst.idx.msk $0xffff, v1  }
0x22b: {  	v2 =	vor.u32 $0x1C, v43;
	v3 =	vld.idx.msk [tilespmem:v55+s10+$0x0], $0xffff;
	[tilespmem:v49+s13+$0x0] =	vst.idx.msk $0xffff, v45  }
0x22c: {  	v32 =	vor.u32 $0x1D, v34;
	v51 =	vadd.s32 v13, v35;
	v31 =	vld [tilespmem:$0x1FF00]  }
0x22d: {  	v5 =	vld.idx.msk [tilespmem:v57+s10+$0x0], $0xffff;
	v56 =	vadd.s32 v13, v37  }
0x22e: {  	v8 =	vld.idx.msk [tilespmem:v9+s10+$0x0], $0xffff;
	v9 =	vadd.s32 v13, v40  }
0x22f: {  	v0 =	vld.idx.msk [tilespmem:v59+s10+$0x0], $0xffff;
	v59 =	vadd.s32 v13, v42  }
0x230: {  	v2 =	vld.idx.msk [tilespmem:v2+s10+$0x0], $0xffff;
	v45 =	vadd.s32 v13, v44  }
0x231: {  	v55 =	vor.u32 $0x1D, v36;
	v48 =	vld.idx.msk [tilespmem:v32+s10+$0x0], $0xffff;
	[tilespmem:v51+s13+$0x0] =	vst.idx.msk $0xffff, v3;
	v49 =	vadd.s32 v31, v33  }
0x232: {  	[tilespmem:v56+s13+$0x0] =	vst.idx.msk $0xffff, v5  }
0x233: {  	v57 =	vor.u32 $0x1D, v38;
	[tilespmem:v9+s13+$0x0] =	vst.idx.msk $0xffff, v8  }
0x234: {  	v46 =	vor.u32 $0x1D, v39;
	[tilespmem:v59+s13+$0x0] =	vst.idx.msk $0xffff, v0  }
0x235: {  	v1 =	vor.u32 $0x1D, v41;
	[tilespmem:v45+s13+$0x0] =	vst.idx.msk $0xffff, v2  }
0x236: {  	v3 =	vor.u32 $0x1D, v43;
	v4 =	vld.idx.msk [tilespmem:v55+s10+$0x0], $0xffff;
	[tilespmem:v49+s13+$0x0] =	vst.idx.msk $0xffff, v48  }
0x237: {  	v32 =	vor.u32 $0x1E, v34;
	v55 =	vadd.s32 v31, v35;
	v18 =	vld [tilespmem:$0x1FEF0]  }
0x238: {  	v6 =	vld.idx.msk [tilespmem:v57+s10+$0x0], $0xffff;
	v57 =	vadd.s32 v31, v37  }
0x239: {  	v9 =	vld.idx.msk [tilespmem:v46+s10+$0x0], $0xffff;
	v46 =	vadd.s32 v31, v40  }
0x23a: {  	v1 =	vld.idx.msk [tilespmem:v1+s10+$0x0], $0xffff;
	v47 =	vadd.s32 v31, v42  }
0x23b: {  	v3 =	vld.idx.msk [tilespmem:v3+s10+$0x0], $0xffff;
	v45 =	vadd.s32 v31, v44  }
0x23c: {  	v56 =	vor.u32 $0x1E, v36;
	v48 =	vld.idx.msk [tilespmem:v32+s10+$0x0], $0xffff;
	[tilespmem:v55+s13+$0x0] =	vst.idx.msk $0xffff, v4;
	v52 =	vadd.s32 v18, v33  }
0x23d: {  	[tilespmem:v57+s13+$0x0] =	vst.idx.msk $0xffff, v6  }
0x23e: {  	v8 =	vor.u32 $0x1E, v38;
	[tilespmem:v46+s13+$0x0] =	vst.idx.msk $0xffff, v9  }
0x23f: {  	v59 =	vor.u32 $0x1E, v39;
	[tilespmem:v47+s13+$0x0] =	vst.idx.msk $0xffff, v1  }
0x240: {  	v2 =	vor.u32 $0x1E, v41;
	[tilespmem:v45+s13+$0x0] =	vst.idx.msk $0xffff, v3  }
0x241: {  	v53 =	vor.u32 $0x1E, v43;
	v5 =	vld.idx.msk [tilespmem:v56+s10+$0x0], $0xffff;
	[tilespmem:v52+s13+$0x0] =	vst.idx.msk $0xffff, v48  }
0x242: {  	v55 =	vor.u32 $0x1F, v34;
	v56 =	vadd.s32 v18, v35;
	v19 =	vld [tilespmem:$0x1FF10]  }
0x243: {  	v57 =	vor.u32 $0x1F, v36;
	v7 =	vld.idx.msk [tilespmem:v8+s10+$0x0], $0xffff;
	v8 =	vadd.s32 v18, v37  }
0x244: {  	v9 =	vor.u32 $0x1F, v38;
	v0 =	vld.idx.msk [tilespmem:v59+s10+$0x0], $0xffff;
	v59 =	vadd.s32 v18, v40  }
0x245: {  	v46 =	vor.u32 $0x1F, v39;
	v2 =	vld.idx.msk [tilespmem:v2+s10+$0x0], $0xffff;
	v47 =	vadd.s32 v18, v42  }
0x246: {  	v49 =	vor.u32 $0x1F, v41;
	v4 =	vld.idx.msk [tilespmem:v53+s10+$0x0], $0xffff;
	v51 =	vadd.s32 v18, v44  }
0x247: {  	v53 =	vor.u32 $0x1F, v43;
	v34 =	vld.idx.msk [tilespmem:v55+s10+$0x0], $0xffff;
	[tilespmem:v56+s13+$0x0] =	vst.idx.msk $0xffff, v5;
	v52 =	vadd.s32 v19, v33  }
0x248: {  	[tilespmem:v8+s13+$0x0] =	vst.idx.msk $0xffff, v7;
	v6 =	vld.idx.msk [tilespmem:v57+s10+$0x0], $0xffff;
	v55 =	vadd.s32 v19, v35  }
0x249: {  	[tilespmem:v59+s13+$0x0] =	vst.idx.msk $0xffff, v0;
	v7 =	vld.idx.msk [tilespmem:v9+s10+$0x0], $0xffff;
	v8 =	vadd.s32 v19, v37  }
0x24a: {  	[tilespmem:v47+s13+$0x0] =	vst.idx.msk $0xffff, v2;
	v0 =	vld.idx.msk [tilespmem:v46+s10+$0x0], $0xffff;
	v56 =	vadd.s32 v19, v40  }
0x24b: {  	[tilespmem:v51+s13+$0x0] =	vst.idx.msk $0xffff, v4;
	v2 =	vld.idx.msk [tilespmem:v49+s10+$0x0], $0xffff;
	v57 =	vadd.s32 v19, v42  }
0x24c: {  	v4 =	vld.idx.msk [tilespmem:v53+s10+$0x0], $0xffff;
	v59 =	vadd.s32 v19, v44;
	[tilespmem:v52+s13+$0x0] =	vst.idx.msk $0xffff, v34  }
0x24d: {  	p1 =	sne.s32 s19, $0xF;
	[tilespmem:v55+s13+$0x0] =	vst.idx.msk $0xffff, v6  }
.Ltmp2:
0x24e: {  	s21 =	sadd.s32 s6, s21;
	[tilespmem:v8+s13+$0x0] =	vst.idx.msk $0xffff, v7;
	(pc) =	sbr.rel @p1 .LBB2_8-.Ltmp2, $4  }
0x24f: {  	s21 =	smul.u32 $0xC80, s21;
	[tilespmem:v56+s13+$0x0] =	vst.idx.msk $0xffff, v0  }
0x250: {  	[tilespmem:v57+s13+$0x0] =	vst.idx.msk $0xffff, v2  }
0x251: {  	s21 =	sadd.s32 s2, s21;
	v30 =	vmov v18;
	[tilespmem:v59+s13+$0x0] =	vst.idx.msk $0xffff, v4  }
0x252: {  	v48 =	vmovc v61;
	v61 =	vmovc v22;
	v51 =	vmov v21;
	v53 =	vmov v60;
	v56 =	vmov v26;
	[hbm4b:s21+s3] =	stream.linear.scatter [tilespmem:s13], [sflag:$0x3], $0x6400, $0x38;
	[tilespmem:$0x1F400] =	vst v63  }
.Ltmp3:
0x253: {  	(pc) =	sbr.rel .LBB2_9-.Ltmp3, $4  }
0x254: {  	_ = 	snop  }
0x255: {  	_ =	swait.ge [sflag:s14], $0x6400  }
0x256: {  	[sflag:s14] =	ssyncset.done $0x0  }
0x257: {  	v55 =	vlaneseq.u32;
	v19 =	vmovc v23;
	v21 =	vmovc v12;
	v13 =	vmov v11;
	v59 =	vmov v24;
	[sflag:s14] =	ssyncadd.s32 $0xFFFF9C00  }
.LBB2_8:
0x258: {  	s21 =	smul.u32 $0x1900, s19;
	_ =	sdelay $0x1  }
0x259: {  	s21 =	sshra.s32 s21, $0x2  }
.Ltmp4:
0x25a: {  	s21 =	sadd.s32 $0x640, s21;
	(pc) =	sbr.rel @p0 .LBB2_10-.Ltmp4, $4  }
0x25b: {  	[tilespmem:s10], [sflag:$0x1] =	stream.indirect.gather [hbm4b:s4+s9], $0x20, s21, s9, $0xb8;
	[tilespmem:$0x1F400] =	vst v63  }
0x25c: {  	_ =	swait.ge [sflag:s14], $0x6400  }
0x25d: {  	[sflag:s14] =	ssyncset.done $0x0  }
0x25e: {  	v55 =	vlaneseq.u32;
	v19 =	vmovc v23;
	v21 =	vmovc v12;
	v13 =	vmov v11;
	v59 =	vmov v24;
	[sflag:s14] =	ssyncadd.s32 $0xFFFF9C00  }
.LBB2_9:
0x25f: {  	_ =	swait.ge [sflag:s15], $0x6400  }
0x260: {  	[sflag:s15] =	ssyncset.done $0x0  }
0x261: {  	[sflag:s15] =	ssyncadd.s32 $0xFFFF9C00  }
.LBB2_10:
0x262: {  	s21 =	simm.s32 $0x0  }
0x263: {  	v0 =	vor.u32 s21, v55  }
0x264: {  	v1 =	vmul.u32 $0x29, v0;
	_ =	sdelay $0x1  }
0x265: {  	v43 =	vshll.u32 v0, $0x5;
	v1 =	vshrl.u32 v1, $0xD  }
0x266: {  	v1 =	vmul.u32 $0x1838, v1;
	_ =	sdelay $0x1  }
0x267: {  	v0 =	vadd.s32 v0, v1  }
0x268: {  	v44 =	vand.u32 $0xFFFFFFF8, v0  }
0x269: {  	v0 =	vld.idx.msk [tilespmem:v43+s11+$0x0], $0xffff;
	v1 =	vor.u32 v19, v44  }
0x26a: {  	v2 =	vor.u32 $0x1, v43;
	_ =	sdelay $0x3  }
0x26b: {  	[tilespmem:v1+s16+$0x0] =	vst.idx.msk $0xffff, v0  }
0x26c: {  	v1 =	vadd.s32 v21, v44;
	v0 =	vld.idx.msk [tilespmem:v2+s11+$0x0], $0xffff  }
0x26d: {  	v2 =	vor.u32 $0x2, v43;
	_ =	sdelay $0x3  }
0x26e: {  	[tilespmem:v1+s16+$0x0] =	vst.idx.msk $0xffff, v0  }
0x26f: {  	v1 =	vadd.s32 v13, v44;
	v0 =	vld.idx.msk [tilespmem:v2+s11+$0x0], $0xffff  }
0x270: {  	v2 =	vor.u32 $0x3, v43;
	_ =	sdelay $0x3  }
0x271: {  	[tilespmem:v1+s16+$0x0] =	vst.idx.msk $0xffff, v0  }
0x272: {  	v1 =	vld.idx.msk [tilespmem:v2+s11+$0x0], $0xffff;
	v2 =	vadd.s32 v59, v44  }
0x273: {  	s24 =	simm.s32 $0x10  }
0x274: {  	v3 =	vor.u32 s24, v55  }
0x275: {  	v0 =	vmul.u32 $0x29, v3;
	_ =	sdelay $0x1  }
0x276: {  	v46 =	vshll.u32 v3, $0x5;
	v0 =	vshrl.u32 v0, $0xD;
	[tilespmem:v2+s16+$0x0] =	vst.idx.msk $0xffff, v1  }
0x277: {  	v4 =	vor.u32 $0x4, v43;
	v0 =	vmul.u32 $0x1838, v0;
	v14 =	vld [tilespmem:$0x1FE10];
	_ =	sdelay $0x1  }
0x278: {  	v0 =	vadd.s32 v3, v0  }
0x279: {  	v45 =	vand.u32 $0xFFFFFFF8, v0  }
0x27a: {  	v2 =	vld.idx.msk [tilespmem:v46+s11+$0x0], $0xffff;
	v35 =	vor.u32 v19, v45  }
0x27b: {  	v5 =	vor.u32 $0x1, v46;
	v0 =	vld.idx.msk [tilespmem:v4+s11+$0x0], $0xffff;
	v1 =	vadd.s32 v14, v44  }
0x27c: {  	v3 =	vor.u32 $0x5, v43;
	_ =	sdelay $0x2  }
0x27d: {  	[tilespmem:v35+s16+$0x0] =	vst.idx.msk $0xffff, v2  }
0x27e: {  	v36 =	vadd.s32 v21, v45;
	v2 =	vld.idx.msk [tilespmem:v5+s11+$0x0], $0xffff;
	[tilespmem:v1+s16+$0x0] =	vst.idx.msk $0xffff, v0  }
0x27f: {  	v1 =	vadd.s32 v16, v44;
	v0 =	vld.idx.msk [tilespmem:v3+s11+$0x0], $0xffff;
	_ =	sdelay $0x3  }
0x280: {  	[tilespmem:v36+s16+$0x0] =	vst.idx.msk $0xffff, v2  }
0x281: {  	v37 =	vor.u32 $0x2, v46;
	[tilespmem:v1+s16+$0x0] =	vst.idx.msk $0xffff, v0  }
0x282: {  	v3 =	vor.u32 $0x6, v43;
	v20 =	vld [tilespmem:$0x1FE20];
	_ =	sdelay $0x3  }
0x283: {  	v38 =	vadd.s32 v13, v45;
	v2 =	vld.idx.msk [tilespmem:v37+s11+$0x0], $0xffff  }
0x284: {  	v0 =	vld.idx.msk [tilespmem:v3+s11+$0x0], $0xffff;
	v1 =	vadd.s32 v20, v44;
	_ =	sdelay $0x3  }
0x285: {  	[tilespmem:v38+s16+$0x0] =	vst.idx.msk $0xffff, v2  }
0x286: {  	[tilespmem:v1+s16+$0x0] =	vst.idx.msk $0xffff, v0  }
0x287: {  	v3 =	vor.u32 $0x7, v43;
	v22 =	vld [tilespmem:$0x1FE30];
	_ =	sdelay $0x3  }
0x288: {  	v39 =	vor.u32 $0x3, v46  }
0x289: {  	v0 =	vld.idx.msk [tilespmem:v3+s11+$0x0], $0xffff;
	v1 =	vadd.s32 v22, v44;
	_ =	sdelay $0x3  }
0x28a: {  	v40 =	vadd.s32 v59, v45;
	v2 =	vld.idx.msk [tilespmem:v39+s11+$0x0], $0xffff  }
0x28b: {  	v41 =	vor.u32 $0x4, v46;
	[tilespmem:v1+s16+$0x0] =	vst.idx.msk $0xffff, v0  }
0x28c: {  	v3 =	vor.u32 $0x8, v43;
	v26 =	vld [tilespmem:$0x1FE40];
	_ =	sdelay $0x2  }
0x28d: {  	[tilespmem:v40+s16+$0x0] =	vst.idx.msk $0xffff, v2  }
0x28e: {  	v42 =	vadd.s32 v14, v45;
	v4 =	vld.idx.msk [tilespmem:v41+s11+$0x0], $0xffff  }
0x28f: {  	v1 =	vld.idx.msk [tilespmem:v3+s11+$0x0], $0xffff;
	v0 =	vadd.s32 v26, v44;
	_ =	sdelay $0x1  }
0x290: {  	s25 =	simm.s32 $0x20  }
0x291: {  	v2 =	vor.u32 s25, v55  }
0x292: {  	v6 =	vmul.u32 $0x29, v2;
	[tilespmem:v42+s16+$0x0] =	vst.idx.msk $0xffff, v4  }
0x293: {  	v7 =	vor.u32 $0x5, v46;
	[tilespmem:v0+s16+$0x0] =	vst.idx.msk $0xffff, v1  }
0x294: {  	v3 =	vor.u32 $0x9, v43;
	v6 =	vshrl.u32 v6, $0xD;
	v23 =	vld [tilespmem:$0x1FE50]  }
0x295: {  	v6 =	vmul.u32 $0x1838, v6;
	_ =	sdelay $0x1  }
0x296: {  	v1 =	vadd.s32 v2, v6  }
0x297: {  	v4 =	vld.idx.msk [tilespmem:v7+s11+$0x0], $0xffff;
	v33 =	vand.u32 $0xFFFFFFF8, v1;
	v1 =	vadd.s32 v16, v45  }
0x298: {  	v34 =	vshll.u32 v2, $0x5;
	v0 =	vld.idx.msk [tilespmem:v3+s11+$0x0], $0xffff;
	v2 =	vadd.s32 v23, v44;
	_ =	sdelay $0x3  }
0x299: {  	[tilespmem:v1+s16+$0x0] =	vst.idx.msk $0xffff, v4  }
0x29a: {  	v47 =	vor.u32 $0x6, v46;
	[tilespmem:v2+s16+$0x0] =	vst.idx.msk $0xffff, v0  }
0x29b: {  	v3 =	vor.u32 $0xA, v43;
	v24 =	vld [tilespmem:$0x1FE60];
	_ =	sdelay $0x2  }
0x29c: {  	v49 =	vld.idx.msk [tilespmem:v34+s11+$0x0], $0xffff;
	v50 =	vor.u32 v19, v33  }
0x29d: {  	v52 =	vadd.s32 v20, v45;
	v2 =	vld.idx.msk [tilespmem:v47+s11+$0x0], $0xffff  }
0x29e: {  	v0 =	vld.idx.msk [tilespmem:v3+s11+$0x0], $0xffff;
	v1 =	vadd.s32 v24, v44;
	_ =	sdelay $0x2  }
0x29f: {  	[tilespmem:v50+s16+$0x0] =	vst.idx.msk $0xffff, v49  }
0x2a0: {  	v8 =	vor.u32 $0x1, v34;
	[tilespmem:v52+s16+$0x0] =	vst.idx.msk $0xffff, v2  }
0x2a1: {  	v18 =	vor.u32 $0x7, v46;
	[tilespmem:v1+s16+$0x0] =	vst.idx.msk $0xffff, v0  }
0x2a2: {  	v3 =	vor.u32 $0xB, v43;
	v32 =	vld [tilespmem:$0x1FE70];
	_ =	sdelay $0x2  }
0x2a3: {  	v60 =	vadd.s32 v21, v33;
	v57 =	vld.idx.msk [tilespmem:v8+s11+$0x0], $0xffff  }
0x2a4: {  	v37 =	vadd.s32 v22, v45;
	v2 =	vld.idx.msk [tilespmem:v18+s11+$0x0], $0xffff  }
0x2a5: {  	v0 =	vld.idx.msk [tilespmem:v3+s11+$0x0], $0xffff;
	v1 =	vadd.s32 v32, v44;
	_ =	sdelay $0x2  }
0x2a6: {  	[tilespmem:v60+s16+$0x0] =	vst.idx.msk $0xffff, v57  }
0x2a7: {  	v36 =	vor.u32 $0x2, v34;
	[tilespmem:v37+s16+$0x0] =	vst.idx.msk $0xffff, v2  }
0x2a8: {  	v39 =	vor.u32 $0x8, v46;
	[tilespmem:v1+s16+$0x0] =	vst.idx.msk $0xffff, v0  }
0x2a9: {  	v3 =	vor.u32 $0xC, v43;
	v57 =	vld [tilespmem:$0x1FE80];
	_ =	sdelay $0x2  }
0x2aa: {  	v38 =	vadd.s32 v13, v33;
	v5 =	vld.idx.msk [tilespmem:v36+s11+$0x0], $0xffff  }
0x2ab: {  	v40 =	vor.u32 $0x3, v34;
	v42 =	vadd.s32 v26, v45;
	v4 =	vld.idx.msk [tilespmem:v39+s11+$0x0], $0xffff  }
0x2ac: {  	v1 =	vld.idx.msk [tilespmem:v3+s11+$0x0], $0xffff;
	v2 =	vadd.s32 v57, v44;
	_ =	sdelay $0x1  }
0x2ad: {  	s26 =	simm.s32 $0x30  }
0x2ae: {  	v0 =	vor.u32 s26, v55;
	[tilespmem:v38+s16+$0x0] =	vst.idx.msk $0xffff, v5  }
0x2af: {  	v9 =	vor.u32 $0x9, v46;
	v49 =	vadd.s32 v59, v33;
	v3 =	vmul.u32 $0x29, v0;
	[tilespmem:v42+s16+$0x0] =	vst.idx.msk $0xffff, v4;
	v47 =	vld.idx.msk [tilespmem:v40+s11+$0x0], $0xffff  }
0x2b0: {  	v37 =	vor.u32 $0x4, v34;
	[tilespmem:v2+s16+$0x0] =	vst.idx.msk $0xffff, v1  }
0x2b1: {  	v41 =	vor.u32 $0xD, v43;
	v3 =	vshrl.u32 v3, $0xD;
	v10 =	vld [tilespmem:$0x1FE90]  }
0x2b2: {  	v3 =	vmul.u32 $0x1838, v3  }
0x2b3: {  	v36 =	vshll.u32 v0, $0x5  }
0x2b4: {  	v52 =	vadd.s32 v23, v45;
	v0 =	vadd.s32 v0, v3;
	v3 =	vld.idx.msk [tilespmem:v9+s11+$0x0], $0xffff;
	[tilespmem:v49+s16+$0x0] =	vst.idx.msk $0xffff, v47  }
0x2b5: {  	v60 =	vadd.s32 v14, v33;
	v35 =	vand.u32 $0xFFFFFFF8, v0;
	v0 =	vld.idx.msk [tilespmem:v37+s11+$0x0], $0xffff  }
0x2b6: {  	v18 =	vor.u32 $0xA, v46;
	v1 =	vld.idx.msk [tilespmem:v41+s11+$0x0], $0xffff;
	v2 =	vadd.s32 v10, v44  }
0x2b7: {  	v50 =	vor.u32 $0xE, v43  }
0x2b8: {  	v40 =	vld.idx.msk [tilespmem:v36+s11+$0x0], $0xffff;
	v42 =	vor.u32 v19, v35;
	v41 =	vor.u32 $0x5, v34  }
0x2b9: {  	v38 =	vor.u32 $0x1, v36;
	[tilespmem:v52+s16+$0x0] =	vst.idx.msk $0xffff, v3  }
0x2ba: {  	[tilespmem:v60+s16+$0x0] =	vst.idx.msk $0xffff, v0  }
0x2bb: {  	v47 =	vadd.s32 v24, v45;
	v0 =	vld.idx.msk [tilespmem:v18+s11+$0x0], $0xffff;
	[tilespmem:v2+s16+$0x0] =	vst.idx.msk $0xffff, v1  }
0x2bc: {  	v52 =	vor.u32 $0xB, v46;
	v2 =	vadd.s32 v25, v44;
	v1 =	vld.idx.msk [tilespmem:v50+s11+$0x0], $0xffff  }
0x2bd: {  	v3 =	vor.u32 $0xF, v43;
	[tilespmem:v42+s16+$0x0] =	vst.idx.msk $0xffff, v40;
	v49 =	vld.idx.msk [tilespmem:v41+s11+$0x0], $0xffff;
	v50 =	vadd.s32 v16, v33  }
0x2be: {  	v11 =	vadd.s32 v21, v35;
	v8 =	vld.idx.msk [tilespmem:v38+s11+$0x0], $0xffff;
	v60 =	vor.u32 $0x6, v34  }
0x2bf: {  	v18 =	vor.u32 $0x2, v36  }
0x2c0: {  	[tilespmem:v47+s16+$0x0] =	vst.idx.msk $0xffff, v0  }
0x2c1: {  	v40 =	vadd.s32 v32, v45;
	[tilespmem:v2+s16+$0x0] =	vst.idx.msk $0xffff, v1;
	v2 =	vld.idx.msk [tilespmem:v52+s11+$0x0], $0xffff  }
0x2c2: {  	v42 =	vor.u32 $0xC, v46;
	v0 =	vadd.s32 v56, v44;
	[tilespmem:v50+s16+$0x0] =	vst.idx.msk $0xffff, v49;
	v1 =	vld.idx.msk [tilespmem:v3+s11+$0x0], $0xffff  }
0x2c3: {  	[tilespmem:v11+s16+$0x0] =	vst.idx.msk $0xffff, v8;
	v41 =	vadd.s32 v20, v33;
	v3 =	vor.u32 $0x10, v43;
	v5 =	vld.idx.msk [tilespmem:v60+s11+$0x0], $0xffff  }
0x2c4: {  	v8 =	vld.idx.msk [tilespmem:v18+s11+$0x0], $0xffff;
	v47 =	vor.u32 $0x7, v34;
	v49 =	vadd.s32 v13, v35  }
0x2c5: {  	v50 =	vor.u32 $0x3, v36  }
0x2c6: {  	[tilespmem:v40+s16+$0x0] =	vst.idx.msk $0xffff, v2  }
0x2c7: {  	v52 =	vadd.s32 v57, v45;
	[tilespmem:v0+s16+$0x0] =	vst.idx.msk $0xffff, v1;
	v2 =	vld.idx.msk [tilespmem:v42+s11+$0x0], $0xffff  }
0x2c8: {  	v1 =	vadd.s32 v27, v44;
	[tilespmem:v41+s16+$0x0] =	vst.idx.msk $0xffff, v5;
	v0 =	vld.idx.msk [tilespmem:v3+s11+$0x0], $0xffff  }
0x2c9: {  	v18 =	vor.u32 $0xD, v46;
	v60 =	vadd.s32 v22, v33;
	[tilespmem:v49+s16+$0x0] =	vst.idx.msk $0xffff, v8;
	v5 =	vld.idx.msk [tilespmem:v47+s11+$0x0], $0xffff  }
0x2ca: {  	v8 =	vld.idx.msk [tilespmem:v50+s11+$0x0], $0xffff;
	v41 =	vadd.s32 v59, v35;
	v3 =	vor.u32 $0x11, v43  }
0x2cb: {  	v42 =	vor.u32 $0x4, v36  }
0x2cc: {  	v40 =	vor.u32 $0x8, v34;
	[tilespmem:v52+s16+$0x0] =	vst.idx.msk $0xffff, v2  }
0x2cd: {  	[tilespmem:v1+s16+$0x0] =	vst.idx.msk $0xffff, v0  }
0x2ce: {  	[tilespmem:v60+s16+$0x0] =	vst.idx.msk $0xffff, v5;
	v2 =	vld.idx.msk [tilespmem:v18+s11+$0x0], $0xffff;
	v60 =	vadd.s32 v10, v45  }
0x2cf: {  	[tilespmem:v41+s16+$0x0] =	vst.idx.msk $0xffff, v8;
	v1 =	vadd.s32 v28, v44;
	v0 =	vld.idx.msk [tilespmem:v3+s11+$0x0], $0xffff  }
0x2d0: {  	s28 =	simm.s32 $0x40;
	v39 =	vadd.s32 v14, v35;
	v37 =	vld.idx.msk [tilespmem:v42+s11+$0x0], $0xffff;
	v3 =	vor.u32 $0x12, v43  }
0x2d1: {  	v50 =	vor.u32 s28, v55;
	v47 =	vadd.s32 v26, v33;
	v18 =	vor.u32 $0xE, v46;
	v49 =	vld.idx.msk [tilespmem:v40+s11+$0x0], $0xffff  }
0x2d2: {  	v52 =	vor.u32 $0x9, v34;
	v40 =	vmul.u32 $0x29, v50  }
0x2d3: {  	v41 =	vor.u32 $0x5, v36;
	[tilespmem:v60+s16+$0x0] =	vst.idx.msk $0xffff, v2  }
0x2d4: {  	v38 =	vshll.u32 v50, $0x5;
	[tilespmem:v1+s16+$0x0] =	vst.idx.msk $0xffff, v0;
	v0 =	vshrl.u32 v40, $0xD  }
0x2d5: {  	v2 =	vadd.s32 v29, v44;
	[tilespmem:v39+s16+$0x0] =	vst.idx.msk $0xffff, v37;
	v1 =	vld.idx.msk [tilespmem:v3+s11+$0x0], $0xffff;
	v0 =	vmul.u32 $0x1838, v0  }
0x2d6: {  	v4 =	vor.u32 $0x13, v43;
	v60 =	vadd.s32 v25, v45;
	[tilespmem:v47+s16+$0x0] =	vst.idx.msk $0xffff, v49;
	v5 =	vld.idx.msk [tilespmem:v18+s11+$0x0], $0xffff  }
0x2d7: {  	v18 =	vadd.s32 v23, v33;
	v3 =	vor.u32 $0xF, v46;
	v7 =	vld.idx.msk [tilespmem:v52+s11+$0x0], $0xffff;
	v0 =	vadd.s32 v50, v0  }
0x2d8: {  	v49 =	vor.u32 $0xA, v34;
	v39 =	vld.idx.msk [tilespmem:v41+s11+$0x0], $0xffff;
	v37 =	vand.u32 $0xFFFFFFF8, v0;
	v0 =	vadd.s32 v16, v35  }
0x2d9: {  	v52 =	vld.idx.msk [tilespmem:v38+s11+$0x0], $0xffff;
	v50 =	vor.u32 $0x6, v36;
	v42 =	vor.u32 v19, v37  }
0x2da: {  	v47 =	vor.u32 $0x1, v38;
	[tilespmem:v2+s16+$0x0] =	vst.idx.msk $0xffff, v1  }
0x2db: {  	[tilespmem:v60+s16+$0x0] =	vst.idx.msk $0xffff, v5;
	v2 =	vadd.s32 v63, v44;
	v1 =	vld.idx.msk [tilespmem:v4+s11+$0x0], $0xffff  }
0x2dc: {  	v5 =	vadd.s32 v56, v45;
	[tilespmem:v18+s16+$0x0] =	vst.idx.msk $0xffff, v7;
	v3 =	vld.idx.msk [tilespmem:v3+s11+$0x0], $0xffff;
	v4 =	vor.u32 $0x14, v43  }
0x2dd: {  	v7 =	vor.u32 $0x10, v46;
	v6 =	vld.idx.msk [tilespmem:v49+s11+$0x0], $0xffff;
	[tilespmem:v0+s16+$0x0] =	vst.idx.msk $0xffff, v39;
	v0 =	vadd.s32 v24, v33  }
0x2de: {  	v11 =	vadd.s32 v20, v35;
	v60 =	vor.u32 $0xB, v34;
	[tilespmem:v42+s16+$0x0] =	vst.idx.msk $0xffff, v52;
	v8 =	vld.idx.msk [tilespmem:v50+s11+$0x0], $0xffff  }
0x2df: {  	v49 =	vadd.s32 v21, v37;
	v50 =	vor.u32 $0x7, v36;
	v18 =	vld.idx.msk [tilespmem:v47+s11+$0x0], $0xffff  }
0x2e0: {  	v52 =	vor.u32 $0x2, v38;
	[tilespmem:v2+s16+$0x0] =	vst.idx.msk $0xffff, v1  }
0x2e1: {  	[tilespmem:v5+s16+$0x0] =	vst.idx.msk $0xffff, v3;
	v2 =	vadd.s32 v48, v44;
	v1 =	vld.idx.msk [tilespmem:v4+s11+$0x0], $0xffff  }
0x2e2: {  	v3 =	vor.u32 $0x15, v43;
	v4 =	vadd.s32 v27, v45;
	[tilespmem:v0+s16+$0x0] =	vst.idx.msk $0xffff, v6;
	v0 =	vld.idx.msk [tilespmem:v7+s11+$0x0], $0xffff  }
0x2e3: {  	v6 =	vadd.s32 v32, v33;
	v7 =	vor.u32 $0x11, v46;
	v5 =	vld.idx.msk [tilespmem:v60+s11+$0x0], $0xffff;
	[tilespmem:v11+s16+$0x0] =	vst.idx.msk $0xffff, v8  }
0x2e4: {  	v60 =	vor.u32 $0xC, v34;
	[tilespmem:v49+s16+$0x0] =	vst.idx.msk $0xffff, v18;
	v8 =	vld.idx.msk [tilespmem:v50+s11+$0x0], $0xffff;
	v18 =	vadd.s32 v22, v35  }
0x2e5: {  	v49 =	vadd.s32 v13, v37;
	v50 =	vor.u32 $0x8, v36;
	v40 =	vld.idx.msk [tilespmem:v52+s11+$0x0], $0xffff  }
0x2e6: {  	s29 =	simm.s32 $0x50;
	v52 =	vor.u32 $0x3, v38;
	[tilespmem:v2+s16+$0x0] =	vst.idx.msk $0xffff, v1  }
0x2e7: {  	v1 =	vor.u32 s29, v55;
	v2 =	vld.idx.msk [tilespmem:v3+s11+$0x0], $0xffff;
	[tilespmem:v4+s16+$0x0] =	vst.idx.msk $0xffff, v0;
	v0 =	vadd.s32 v62, v44  }
0x2e8: {  	v3 =	vmul.u32 $0x29, v1;
	[tilespmem:v6+s16+$0x0] =	vst.idx.msk $0xffff, v5;
	v4 =	vld.idx.msk [tilespmem:v7+s11+$0x0], $0xffff;
	v5 =	vor.u32 $0x16, v43;
	v6 =	vadd.s32 v28, v45  }
0x2e9: {  	v9 =	vor.u32 $0x12, v46;
	v7 =	vld.idx.msk [tilespmem:v60+s11+$0x0], $0xffff;
	[tilespmem:v18+s16+$0x0] =	vst.idx.msk $0xffff, v8;
	v8 =	vadd.s32 v57, v33  }
0x2ea: {  	v11 =	vadd.s32 v26, v35;
	v3 =	vshrl.u32 v3, $0xD;
	v60 =	vor.u32 $0xD, v34;
	[tilespmem:v49+s16+$0x0] =	vst.idx.msk $0xffff, v40;
	v40 =	vld.idx.msk [tilespmem:v50+s11+$0x0], $0xffff  }
0x2eb: {  	v3 =	vmul.u32 $0x1838, v3;
	v49 =	vor.u32 $0x9, v36;
	v47 =	vld.idx.msk [tilespmem:v52+s11+$0x0], $0xffff;
	v52 =	vadd.s32 v59, v37  }
0x2ec: {  	v39 =	vshll.u32 v1, $0x5;
	v50 =	vor.u32 $0x4, v38;
	[tilespmem:v0+s16+$0x0] =	vst.idx.msk $0xffff, v2  }
0x2ed: {  	v0 =	vadd.s32 v1, v3;
	v2 =	vadd.s32 v51, v44;
	v1 =	vld.idx.msk [tilespmem:v5+s11+$0x0], $0xffff;
	[tilespmem:v6+s16+$0x0] =	vst.idx.msk $0xffff, v4  }
0x2ee: {  	v4 =	vor.u32 $0x17, v43;
	v5 =	vadd.s32 v29, v45;
	[tilespmem:v8+s16+$0x0] =	vst.idx.msk $0xffff, v7;
	v3 =	vld.idx.msk [tilespmem:v9+s11+$0x0], $0xffff  }
0x2ef: {  	v7 =	vadd.s32 v10, v33;
	v8 =	vor.u32 $0x13, v46;
	v6 =	vld.idx.msk [tilespmem:v60+s11+$0x0], $0xffff;
	[tilespmem:v11+s16+$0x0] =	vst.idx.msk $0xffff, v40  }
0x2f0: {  	v41 =	vor.u32 $0xE, v34;
	v42 =	vadd.s32 v23, v35;
	[tilespmem:v52+s16+$0x0] =	vst.idx.msk $0xffff, v47;
	v9 =	vld.idx.msk [tilespmem:v49+s11+$0x0], $0xffff  }
0x2f1: {  	v18 =	vmovc v48;
	v48 =	vor.u32 $0xA, v36;
	v40 =	vand.u32 $0xFFFFFFF8, v0;
	v47 =	vadd.s32 v14, v37;
	v0 =	vld.idx.msk [tilespmem:v50+s11+$0x0], $0xffff  }
0x2f2: {  	v49 =	vld.idx.msk [tilespmem:v39+s11+$0x0], $0xffff;
	v60 =	vor.u32 v19, v40;
	v50 =	vor.u32 $0x5, v38;
	[tilespmem:v2+s16+$0x0] =	vst.idx.msk $0xffff, v1  }
0x2f3: {  	v1 =	vor.u32 $0x1, v39;
	v2 =	vld.idx.msk [tilespmem:v4+s11+$0x0], $0xffff;
	[tilespmem:v5+s16+$0x0] =	vst.idx.msk $0xffff, v3;
	v3 =	vadd.s32 v53, v44  }
0x2f4: {  	v5 =	vor.u32 $0x18, v43;
	[tilespmem:v7+s16+$0x0] =	vst.idx.msk $0xffff, v6;
	v4 =	vld.idx.msk [tilespmem:v8+s11+$0x0], $0xffff;
	v6 =	vadd.s32 v63, v45  }
0x2f5: {  	v8 =	vadd.s32 v25, v33;
	v7 =	vld.idx.msk [tilespmem:v41+s11+$0x0], $0xffff;
	[tilespmem:v42+s16+$0x0] =	vst.idx.msk $0xffff, v9;
	v9 =	vor.u32 $0x14, v46  }
0x2f6: {  	v41 =	vor.u32 $0xF, v34;
	v42 =	vadd.s32 v24, v35;
	[tilespmem:v47+s16+$0x0] =	vst.idx.msk $0xffff, v0;
	v0 =	vld.idx.msk [tilespmem:v48+s11+$0x0], $0xffff  }
0x2f7: {  	[tilespmem:v60+s16+$0x0] =	vst.idx.msk $0xffff, v49;
	v49 =	vor.u32 $0xB, v36;
	v48 =	vadd.s32 v16, v37;
	v47 =	vld.idx.msk [tilespmem:v50+s11+$0x0], $0xffff  }
0x2f8: {  	v60 =	vadd.s32 v21, v40;
	v1 =	vld.idx.msk [tilespmem:v1+s11+$0x0], $0xffff;
	v50 =	vor.u32 $0x6, v38;
	[tilespmem:v3+s16+$0x0] =	vst.idx.msk $0xffff, v2  }
0x2f9: {  	v2 =	vor.u32 $0x2, v39;
	v3 =	vld.idx.msk [tilespmem:v5+s11+$0x0], $0xffff;
	[tilespmem:v6+s16+$0x0] =	vst.idx.msk $0xffff, v4;
	v4 =	vadd.s32 v58, v44  }
0x2fa: {  	v6 =	vor.u32 $0x19, v43;
	[tilespmem:v8+s16+$0x0] =	vst.idx.msk $0xffff, v7;
	v5 =	vld.idx.msk [tilespmem:v9+s11+$0x0], $0xffff;
	v7 =	vadd.s32 v18, v45  }
0x2fb: {  	v9 =	vor.u32 $0x15, v46;
	v8 =	vld.idx.msk [tilespmem:v41+s11+$0x0], $0xffff;
	[tilespmem:v42+s16+$0x0] =	vst.idx.msk $0xffff, v0;
	v0 =	vadd.s32 v56, v33  }
0x2fc: {  	v42 =	vor.u32 $0x10, v34;
	[tilespmem:v48+s16+$0x0] =	vst.idx.msk $0xffff, v47;
	v41 =	vld.idx.msk [tilespmem:v49+s11+$0x0], $0xffff;
	v47 =	vadd.s32 v32, v35  }
0x2fd: {  	[tilespmem:v60+s16+$0x0] =	vst.idx.msk $0xffff, v1;
	v1 =	vadd.s32 v20, v37;
	v49 =	vor.u32 $0xC, v36;
	v48 =	vld.idx.msk [tilespmem:v50+s11+$0x0], $0xffff  }
0x2fe: {  	v60 =	vadd.s32 v13, v40;
	v2 =	vld.idx.msk [tilespmem:v2+s11+$0x0], $0xffff;
	v50 =	vor.u32 $0x7, v38;
	[tilespmem:v4+s16+$0x0] =	vst.idx.msk $0xffff, v3  }
0x2ff: {  	v3 =	vor.u32 $0x3, v39;
	v4 =	vld.idx.msk [tilespmem:v6+s11+$0x0], $0xffff;
	[tilespmem:v7+s16+$0x0] =	vst.idx.msk $0xffff, v5;
	v5 =	vadd.s32 v54, v44  }
0x300: {  	v6 =	vor.u32 $0x1A, v43;
	v7 =	vadd.s32 v62, v45;
	[tilespmem:v0+s16+$0x0] =	vst.idx.msk $0xffff, v8;
	v0 =	vld.idx.msk [tilespmem:v9+s11+$0x0], $0xffff  }
0x301: {  	v9 =	vadd.s32 v27, v33;
	v8 =	vld.idx.msk [tilespmem:v42+s11+$0x0], $0xffff;
	[tilespmem:v47+s16+$0x0] =	vst.idx.msk $0xffff, v41;
	v41 =	vor.u32 $0x16, v46  }
0x302: {  	v11 =	vmov v62;
	v62 =	vadd.s32 v57, v35;
	v42 =	vor.u32 $0x11, v34;
	[tilespmem:v1+s16+$0x0] =	vst.idx.msk $0xffff, v48;
	v1 =	vld.idx.msk [tilespmem:v49+s11+$0x0], $0xffff  }
0x303: {  	[tilespmem:v60+s16+$0x0] =	vst.idx.msk $0xffff, v2;
	v2 =	vadd.s32 v22, v37;
	v60 =	vor.u32 $0xD, v36;
	v48 =	vld.idx.msk [tilespmem:v50+s11+$0x0], $0xffff  }
0x304: {  	v15 =	vmov v51;
	v51 =	vadd.s32 v59, v40;
	v3 =	vld.idx.msk [tilespmem:v3+s11+$0x0], $0xffff;
	v50 =	vor.u32 $0x8, v38;
	[tilespmem:v5+s16+$0x0] =	vst.idx.msk $0xffff, v4  }
0x305: {  	v4 =	vor.u32 $0x4, v39;
	v5 =	vld.idx.msk [tilespmem:v6+s11+$0x0], $0xffff;
	[tilespmem:v7+s16+$0x0] =	vst.idx.msk $0xffff, v0;
	v0 =	vadd.s32 v61, v44  }
0x306: {  	v7 =	vor.u32 $0x1B, v43;
	[tilespmem:v9+s16+$0x0] =	vst.idx.msk $0xffff, v8;
	v6 =	vld.idx.msk [tilespmem:v41+s11+$0x0], $0xffff;
	v8 =	vadd.s32 v15, v45  }
0x307: {  	v9 =	vld.idx.msk [tilespmem:v42+s11+$0x0], $0xffff;
	[tilespmem:v62+s16+$0x0] =	vst.idx.msk $0xffff, v1;
	v1 =	vadd.s32 v28, v33;
	v42 =	vor.u32 $0x17, v46  }
0x308: {  	v47 =	vor.u32 $0x12, v34;
	[tilespmem:v2+s16+$0x0] =	vst.idx.msk $0xffff, v48;
	v2 =	vld.idx.msk [tilespmem:v60+s11+$0x0], $0xffff;
	v48 =	vadd.s32 v10, v35  }
0x309: {  	s30 =	simm.s32 $0x60;
	v12 =	vmov v25;
	v52 =	vadd.s32 v26, v37;
	v25 =	vmov v53;
	[tilespmem:v51+s16+$0x0] =	vst.idx.msk $0xffff, v3;
	v50 =	vld.idx.msk [tilespmem:v50+s11+$0x0], $0xffff  }
0x30a: {  	v53 =	vadd.s32 v14, v40;
	v49 =	vor.u32 $0xE, v36;
	v51 =	vor.u32 s30, v55;
	v4 =	vld.idx.msk [tilespmem:v4+s11+$0x0], $0xffff;
	[tilespmem:v0+s16+$0x0] =	vst.idx.msk $0xffff, v5  }
0x30b: {  	v3 =	vor.u32 $0x9, v38;
	v62 =	vmul.u32 $0x29, v51;
	v7 =	vld.idx.msk [tilespmem:v7+s11+$0x0], $0xffff;
	[tilespmem:v8+s16+$0x0] =	vst.idx.msk $0xffff, v6;
	v6 =	vadd.s32 v17, v44  }
0x30c: {  	v60 =	vmov v29;
	v0 =	vor.u32 $0x5, v39;
	v8 =	vadd.s32 v25, v45;
	[tilespmem:v1+s16+$0x0] =	vst.idx.msk $0xffff, v9;
	v1 =	vld.idx.msk [tilespmem:v42+s11+$0x0], $0xffff  }
0x30d: {  	v41 =	vshll.u32 v51, $0x5;
	v5 =	vshrl.u32 v62, $0xD;
	v62 =	vadd.s32 v60, v33;
	v47 =	vld.idx.msk [tilespmem:v47+s11+$0x0], $0xffff;
	[tilespmem:v48+s16+$0x0] =	vst.idx.msk $0xffff, v2  }
0x30e: {  	v5 =	vmul.u32 $0x1838, v5;
	[tilespmem:v52+s16+$0x0] =	vst.idx.msk $0xffff, v50  }
0x30f: {  	v2 =	vor.u32 $0x18, v46;
	v49 =	vld.idx.msk [tilespmem:v49+s11+$0x0], $0xffff;
	[tilespmem:v53+s16+$0x0] =	vst.idx.msk $0xffff, v4;
	v4 =	vadd.s32 v12, v35  }
0x310: {  	v5 =	vadd.s32 v51, v5;
	v51 =	vadd.s32 v23, v37;
	v3 =	vld.idx.msk [tilespmem:v3+s11+$0x0], $0xffff;
	[tilespmem:v6+s16+$0x0] =	vst.idx.msk $0xffff, v7  }
0x311: {  	v50 =	vor.u32 $0x13, v34;
	v0 =	vld.idx.msk [tilespmem:v0+s11+$0x0], $0xffff;
	v42 =	vand.u32 $0xFFFFFFF8, v5;
	v5 =	vadd.s32 v16, v40;
	[tilespmem:v8+s16+$0x0] =	vst.idx.msk $0xffff, v1  }
0x312: {  	v53 =	vor.u32 $0xA, v38;
	v12 =	vmov v54;
	v54 =	vld.idx.msk [tilespmem:v41+s11+$0x0], $0xffff;
	v7 =	vor.u32 v19, v42;
	[tilespmem:v62+s16+$0x0] =	vst.idx.msk $0xffff, v47  }
0x313: {  	v9 =	vor.u32 $0x1C, v43;
	v62 =	vld [tilespmem:$0x1FFA0]  }
0x314: {  	v52 =	vor.u32 $0xF, v36  }
0x315: {  	v48 =	vadd.s32 v58, v45;
	v6 =	vor.u32 $0x6, v39;
	v2 =	vld.idx.msk [tilespmem:v2+s11+$0x0], $0xffff;
	[tilespmem:v51+s16+$0x0] =	vst.idx.msk $0xffff, v3  }
0x316: {  	v47 =	vld.idx.msk [tilespmem:v50+s11+$0x0], $0xffff;
	v50 =	vor.u32 $0x19, v46;
	v3 =	vadd.s32 v63, v33;
	[tilespmem:v5+s16+$0x0] =	vst.idx.msk $0xffff, v0  }
0x317: {  	v0 =	vor.u32 $0x14, v34;
	v51 =	vld.idx.msk [tilespmem:v53+s11+$0x0], $0xffff;
	[tilespmem:v7+s16+$0x0] =	vst.idx.msk $0xffff, v54;
	v7 =	vadd.s32 v24, v37  }
0x318: {  	v9 =	vld.idx.msk [tilespmem:v9+s11+$0x0], $0xffff;
	v1 =	vor.u32 $0x1, v41;
	[tilespmem:v4+s16+$0x0] =	vst.idx.msk $0xffff, v49;
	v8 =	vadd.s32 v62, v44  }
0x319: {  	v49 =	vld.idx.msk [tilespmem:v52+s11+$0x0], $0xffff;
	v5 =	vadd.s32 v56, v35  }
0x31a: {  	v4 =	vor.u32 $0x1D, v43;
	v63 =	vadd.s32 v20, v40;
	v6 =	vld.idx.msk [tilespmem:v6+s11+$0x0], $0xffff;
	[tilespmem:v48+s16+$0x0] =	vst.idx.msk $0xffff, v2  }
0x31b: {  	v52 =	vor.u32 $0x10, v36;
	v48 =	vadd.s32 v12, v45;
	[tilespmem:v3+s16+$0x0] =	vst.idx.msk $0xffff, v47;
	v47 =	vld.idx.msk [tilespmem:v50+s11+$0x0], $0xffff  }
0x31c: {  	v53 =	vor.u32 $0xB, v38;
	v0 =	vld.idx.msk [tilespmem:v0+s11+$0x0], $0xffff;
	[tilespmem:v7+s16+$0x0] =	vst.idx.msk $0xffff, v51;
	v7 =	vadd.s32 v18, v33  }
0x31d: {  	v1 =	vld.idx.msk [tilespmem:v1+s11+$0x0], $0xffff;
	v50 =	vor.u32 $0x1A, v46;
	[tilespmem:v8+s16+$0x0] =	vst.idx.msk $0xffff, v9;
	v8 =	vadd.s32 v21, v42  }
0x31e: {  	v29 =	vmov v56;
	v56 =	vor.u32 $0x7, v39;
	[tilespmem:v5+s16+$0x0] =	vst.idx.msk $0xffff, v49  }
0x31f: {  	v2 =	vor.u32 $0x2, v41;
	v3 =	vadd.s32 v31, v44;
	[tilespmem:v63+s16+$0x0] =	vst.idx.msk $0xffff, v6;
	v4 =	vld.idx.msk [tilespmem:v4+s11+$0x0], $0xffff  }
0x320: {  	v49 =	vld.idx.msk [tilespmem:v52+s11+$0x0], $0xffff;
	v6 =	vor.u32 $0x15, v34;
	[tilespmem:v48+s16+$0x0] =	vst.idx.msk $0xffff, v47  }
0x321: {  	v5 =	vor.u32 $0x1E, v43;
	v63 =	vadd.s32 v27, v35;
	v51 =	vld.idx.msk [tilespmem:v53+s11+$0x0], $0xffff;
	[tilespmem:v7+s16+$0x0] =	vst.idx.msk $0xffff, v0  }
0x322: {  	v9 =	vor.u32 $0x11, v36;
	v7 =	vld.idx.msk [tilespmem:v50+s11+$0x0], $0xffff;
	[tilespmem:v8+s16+$0x0] =	vst.idx.msk $0xffff, v1;
	v1 =	vadd.s32 v32, v37  }
0x323: {  	v54 =	vadd.s32 v22, v40;
	v53 =	vor.u32 $0xC, v38;
	v8 =	vld.idx.msk [tilespmem:v56+s11+$0x0], $0xffff  }
0x324: {  	v2 =	vld.idx.msk [tilespmem:v2+s11+$0x0], $0xffff;
	[tilespmem:v3+s16+$0x0] =	vst.idx.msk $0xffff, v4;
	v3 =	vadd.s32 v13, v42  }
0x325: {  	v27 =	vor.u32 $0x8, v39;
	v48 =	vadd.s32 v61, v45;
	v6 =	vld.idx.msk [tilespmem:v6+s11+$0x0], $0xffff  }
0x326: {  	v0 =	vadd.s32 v30, v44;
	[tilespmem:v63+s16+$0x0] =	vst.idx.msk $0xffff, v49;
	v56 =	vor.u32 $0x3, v41;
	v5 =	vld.idx.msk [tilespmem:v5+s11+$0x0], $0xffff  }
0x327: {  	v9 =	vld.idx.msk [tilespmem:v9+s11+$0x0], $0xffff;
	[tilespmem:v1+s16+$0x0] =	vst.idx.msk $0xffff, v51;
	v1 =	vadd.s32 v11, v33  }
0x328: {  	[tilespmem:v54+s16+$0x0] =	vst.idx.msk $0xffff, v8;
	v52 =	vld.idx.msk [tilespmem:v53+s11+$0x0], $0xffff;
	v53 =	vadd.s32 v28, v35  }
0x329: {  	[tilespmem:v3+s16+$0x0] =	vst.idx.msk $0xffff, v2;
	v2 =	vadd.s32 v57, v37  }
0x32a: {  	s31 =	simm.s32 $0x70;
	[tilespmem:v48+s16+$0x0] =	vst.idx.msk $0xffff, v7;
	v3 =	vld.idx.msk [tilespmem:v27+s11+$0x0], $0xffff;
	v27 =	vadd.s32 v26, v40  }
0x32b: {  	v49 =	vor.u32 s31, v55;
	v50 =	vor.u32 $0x1B, v46;
	v47 =	vld.idx.msk [tilespmem:v56+s11+$0x0], $0xffff;
	[tilespmem:v0+s16+$0x0] =	vst.idx.msk $0xffff, v5;
	v5 =	vadd.s32 v59, v42  }
0x32c: {  	v61 =	vmul.u32 $0x29, v49;
	[tilespmem:v1+s16+$0x0] =	vst.idx.msk $0xffff, v6  }
0x32d: {  	v63 =	vmovc v11;
	v8 =	vor.u32 $0x16, v34;
	v11 =	vmov v30;
	v30 =	vmov v31;
	v31 =	vld [tilespmem:$0x1FF10];
	[tilespmem:v53+s16+$0x0] =	vst.idx.msk $0xffff, v9  }
0x32e: {  	v4 =	vor.u32 $0x12, v36;
	v51 =	vshrl.u32 v61, $0xD;
	[tilespmem:v2+s16+$0x0] =	vst.idx.msk $0xffff, v52  }
0x32f: {  	v0 =	vmul.u32 $0x1838, v51;
	v51 =	vor.u32 $0x9, v39;
	[tilespmem:v27+s16+$0x0] =	vst.idx.msk $0xffff, v3  }
0x330: {  	v43 =	vor.u32 $0x1F, v43;
	v6 =	vld.idx.msk [tilespmem:v50+s11+$0x0], $0xffff;
	[tilespmem:v5+s16+$0x0] =	vst.idx.msk $0xffff, v47  }
0x331: {  	v54 =	vor.u32 $0xD, v38;
	v9 =	vadd.s32 v17, v45;
	v10 =	vld [tilespmem:$0x1FE90]  }
0x332: {  	v7 =	vor.u32 $0x4, v41;
	v8 =	vld.idx.msk [tilespmem:v8+s11+$0x0], $0xffff;
	v2 =	vadd.s32 v15, v33  }
0x333: {  	v27 =	vadd.s32 v60, v35;
	v4 =	vld.idx.msk [tilespmem:v4+s11+$0x0], $0xffff  }
0x334: {  	v23 =	vadd.s32 v23, v40;
	v48 =	vor.u32 $0x1C, v46;
	v61 =	vmov v59;
	v59 =	vld.idx.msk [tilespmem:v51+s11+$0x0], $0xffff  }
0x335: {  	v56 =	vld.idx.msk [tilespmem:v43+s11+$0x0], $0xffff;
	v43 =	vshll.u32 v49, $0x5;
	v0 =	vadd.s32 v49, v0;
	v1 =	vadd.s32 v31, v44  }
0x336: {  	v60 =	vor.u32 $0x13, v36;
	v49 =	vld.idx.msk [tilespmem:v54+s11+$0x0], $0xffff;
	[tilespmem:v9+s16+$0x0] =	vst.idx.msk $0xffff, v6;
	v5 =	vadd.s32 v10, v37  }
0x337: {  	v7 =	vld.idx.msk [tilespmem:v7+s11+$0x0], $0xffff;
	v44 =	vand.u32 $0xFFFFFFF8, v0;
	v0 =	vadd.s32 v14, v42;
	[tilespmem:v2+s16+$0x0] =	vst.idx.msk $0xffff, v8  }
0x338: {  	[tilespmem:v27+s16+$0x0] =	vst.idx.msk $0xffff, v4  }
0x339: {  	v3 =	vor.u32 $0x17, v34;
	v2 =	vld.idx.msk [tilespmem:v48+s11+$0x0], $0xffff;
	[tilespmem:v23+s16+$0x0] =	vst.idx.msk $0xffff, v59  }
0x33a: {  	v6 =	vor.u32 $0x5, v41;
	v9 =	vor.u32 v19, v44;
	[tilespmem:v1+s16+$0x0] =	vst.idx.msk $0xffff, v56;
	v1 =	vld.idx.msk [tilespmem:v43+s11+$0x0], $0xffff  }
0x33b: {  	v27 =	vadd.s32 v62, v45;
	v48 =	vld.idx.msk [tilespmem:v60+s11+$0x0], $0xffff;
	v56 =	vor.u32 $0x1, v43;
	[tilespmem:v5+s16+$0x0] =	vst.idx.msk $0xffff, v49  }
0x33c: {  	v60 =	vld [tilespmem:$0x1FF60];
	[tilespmem:v0+s16+$0x0] =	vst.idx.msk $0xffff, v7  }
0x33d: {  	v17 =	vor.u32 $0xE, v38;
	v7 =	vld [tilespmem:$0x1FFC0]  }
0x33e: {  	v3 =	vld.idx.msk [tilespmem:v3+s11+$0x0], $0xffff;
	v5 =	vadd.s32 v25, v33;
	v49 =	vor.u32 $0x1D, v46  }
0x33f: {  	v54 =	vor.u32 $0xA, v39;
	v23 =	vadd.s32 v16, v42;
	v6 =	vld.idx.msk [tilespmem:v6+s11+$0x0], $0xffff;
	[tilespmem:v9+s16+$0x0] =	vst.idx.msk $0xffff, v1  }
0x340: {  	v59 =	vor.u32 $0x18, v34;
	[tilespmem:v27+s16+$0x0] =	vst.idx.msk $0xffff, v2;
	v27 =	vadd.s32 v21, v44;
	v8 =	vld.idx.msk [tilespmem:v56+s11+$0x0], $0xffff  }
0x341: {  	v2 =	vor.u32 $0x6, v41;
	v62 =	vadd.s32 v60, v35  }
0x342: {  	v50 =	vld.idx.msk [tilespmem:v17+s11+$0x0], $0xffff;
	v0 =	vadd.s32 v7, v37  }
0x343: {  	v17 =	vor.u32 $0x14, v36;
	[tilespmem:v5+s16+$0x0] =	vst.idx.msk $0xffff, v3;
	v3 =	vld.idx.msk [tilespmem:v49+s11+$0x0], $0xffff  }
0x344: {  	v19 =	vadd.s32 v24, v40;
	v1 =	vor.u32 $0xF, v38;
	v7 =	vld.idx.msk [tilespmem:v54+s11+$0x0], $0xffff;
	[tilespmem:v23+s16+$0x0] =	vst.idx.msk $0xffff, v6  }
0x345: {  	v24 =	vor.u32 $0xB, v39;
	v47 =	vld.idx.msk [tilespmem:v59+s11+$0x0], $0xffff;
	v59 =	vadd.s32 v30, v45;
	[tilespmem:v27+s16+$0x0] =	vst.idx.msk $0xffff, v8  }
0x346: {  	v2 =	vld.idx.msk [tilespmem:v2+s11+$0x0], $0xffff;
	v27 =	vadd.s32 v20, v42;
	[tilespmem:v62+s16+$0x0] =	vst.idx.msk $0xffff, v48  }
0x347: {  	[tilespmem:v0+s16+$0x0] =	vst.idx.msk $0xffff, v50;
	v0 =	vadd.s32 v58, v33  }
0x348: {  	v60 =	vld.idx.msk [tilespmem:v17+s11+$0x0], $0xffff;
	v17 =	vadd.s32 v18, v35  }
0x349: {  	[tilespmem:v19+s16+$0x0] =	vst.idx.msk $0xffff, v7;
	v18 =	vadd.s32 v29, v37;
	v1 =	vld.idx.msk [tilespmem:v1+s11+$0x0], $0xffff  }
0x34a: {  	v21 =	vor.u32 $0x15, v36;
	[tilespmem:v59+s16+$0x0] =	vst.idx.msk $0xffff, v3;
	v19 =	vld.idx.msk [tilespmem:v24+s11+$0x0], $0xffff;
	v24 =	vadd.s32 v32, v40  }
0x34b: {  	[tilespmem:v27+s16+$0x0] =	vst.idx.msk $0xffff, v2  }
0x34c: {  	v56 =	vor.u32 $0x2, v43;
	[tilespmem:v0+s16+$0x0] =	vst.idx.msk $0xffff, v47  }
0x34d: {  	v62 =	vor.u32 $0x1E, v46;
	[tilespmem:v17+s16+$0x0] =	vst.idx.msk $0xffff, v60  }
0x34e: {  	v16 =	vor.u32 $0x19, v34;
	[tilespmem:v18+s16+$0x0] =	vst.idx.msk $0xffff, v1  }
0x34f: {  	v6 =	vld.idx.msk [tilespmem:v21+s11+$0x0], $0xffff;
	[tilespmem:v24+s16+$0x0] =	vst.idx.msk $0xffff, v19  }
0x350: {  	v23 =	vor.u32 $0x10, v38;
	v21 =	vld [tilespmem:$0x1FFE0]  }
0x351: {  	v30 =	vadd.s32 v13, v44;
	v5 =	vld.idx.msk [tilespmem:v56+s11+$0x0], $0xffff  }
0x352: {  	v3 =	vor.u32 $0x7, v41;
	v0 =	vld.idx.msk [tilespmem:v62+s11+$0x0], $0xffff;
	v47 =	vadd.s32 v11, v45  }
0x353: {  	v29 =	vor.u32 $0xC, v39;
	v7 =	vld.idx.msk [tilespmem:v16+s11+$0x0], $0xffff;
	v1 =	vadd.s32 v12, v33  }
0x354: {  	v20 =	vadd.s32 v63, v35;
	v32 =	vor.u32 $0x3, v43  }
0x355: {  	v49 =	vor.u32 $0x1F, v46;
	v4 =	vld.idx.msk [tilespmem:v23+s11+$0x0], $0xffff;
	v2 =	vadd.s32 v21, v37  }
0x356: {  	[tilespmem:v30+s16+$0x0] =	vst.idx.msk $0xffff, v5  }
0x357: {  	v8 =	vor.u32 $0x1A, v34;
	v3 =	vld.idx.msk [tilespmem:v3+s11+$0x0], $0xffff;
	[tilespmem:v47+s16+$0x0] =	vst.idx.msk $0xffff, v0  }
0x358: {  	v24 =	vor.u32 $0x16, v36;
	v23 =	vld.idx.msk [tilespmem:v29+s11+$0x0], $0xffff;
	[tilespmem:v1+s16+$0x0] =	vst.idx.msk $0xffff, v7  }
0x359: {  	v27 =	vor.u32 $0x11, v38;
	v29 =	vadd.s32 v57, v40;
	v50 =	vld.idx.msk [tilespmem:v32+s11+$0x0], $0xffff;
	[tilespmem:v20+s16+$0x0] =	vst.idx.msk $0xffff, v6  }
0x35a: {  	v30 =	vadd.s32 v22, v42;
	v32 =	vor.u32 $0xD, v39;
	v53 =	vld.idx.msk [tilespmem:v49+s11+$0x0], $0xffff;
	[tilespmem:v2+s16+$0x0] =	vst.idx.msk $0xffff, v4  }
0x35b: {  	v52 =	vor.u32 $0x1B, v34;
	v46 =	vadd.s32 v61, v44;
	v0 =	vor.u32 $0x8, v41;
	v4 =	vld [tilespmem:$0x1FFB0]  }
0x35c: {  	v55 =	vadd.s32 v31, v45;
	v13 =	vor.u32 $0xE, v39;
	v54 =	vadd.s32 v25, v35;
	v49 =	vld.idx.msk [tilespmem:v8+s11+$0x0], $0xffff  }
0x35d: {  	v56 =	vor.u32 $0x18, v36;
	v48 =	vadd.s32 v26, v42;
	v61 =	vadd.s32 v28, v37;
	v57 =	vld.idx.msk [tilespmem:v24+s11+$0x0], $0xffff  }
0x35e: {  	v59 =	vor.u32 $0x17, v36;
	v58 =	vadd.s32 v15, v35;
	v62 =	vor.u32 $0x12, v38;
	v60 =	vld.idx.msk [tilespmem:v27+s11+$0x0], $0xffff;
	[tilespmem:v29+s16+$0x0] =	vst.idx.msk $0xffff, v23  }
0x35f: {  	v45 =	vor.u32 $0x1C, v34;
	v47 =	vor.u32 $0xE, v43;
	v2 =	vor.u32 $0x4, v43;
	[tilespmem:v30+s16+$0x0] =	vst.idx.msk $0xffff, v3;
	v63 =	vld.idx.msk [tilespmem:v32+s11+$0x0], $0xffff  }
0x360: {  	s22 =	simm.s32 $0x90;
	s21 =	simm.s32 $0x6;
	[tilespmem:v46+s16+$0x0] =	vst.idx.msk $0xffff, v50;
	v1 =	vld.idx.msk [tilespmem:v0+s11+$0x0], $0xffff;
	v0 =	vadd.s32 v10, v40;
	v51 =	vadd.s32 v4, v33  }
.LBB2_11:
0x361: {  	_ =	sdelay $0x2  }
0x362: {  	v2 =	vld.idx.msk [tilespmem:v2+s11+$0x0], $0xffff  }
0x363: {  	v17 =	vld [tilespmem:$0x1FE00]  }
0x364: {  	v21 =	vld [tilespmem:$0x1FE10]  }
0x365: {  	v31 =	vld [tilespmem:$0x1FF40]  }
0x366: {  	v27 =	vld [tilespmem:$0x1FFC0]  }
0x367: {  	v15 =	vld [tilespmem:$0x1FE50]  }
0x368: {  	v20 =	vld [tilespmem:$0x1FE40]  }
0x369: {  	v12 =	vld [tilespmem:$0x1FF20]  }
0x36a: {  	v28 =	vld [tilespmem:$0x1FFD0]  }
0x36b: {  	v10 =	vmov v47;
	v11 =	vld [tilespmem:$0x1FE60]  }
0x36c: {  	v22 =	vld [tilespmem:$0x1FE20];
	[tilespmem:$0x1FDE0] =	vst v10  }
0x36d: {  	v14 =	vld [tilespmem:$0x1FE70];
	[tilespmem:v55+s16+$0x0] =	vst.idx.msk $0xffff, v53  }
0x36e: {  	v10 =	vld [tilespmem:$0x1FF70];
	[tilespmem:v51+s16+$0x0] =	vst.idx.msk $0xffff, v49  }
0x36f: {  	v3 =	vor.u32 $0x9, v41;
	v19 =	vld.idx.msk [tilespmem:v52+s11+$0x0], $0xffff;
	[tilespmem:v58+s16+$0x0] =	vst.idx.msk $0xffff, v57  }
0x370: {  	s23 =	sadd.s32 $0xFFFFFFF0, s22;
	v7 =	vlaneseq.u32;
	[tilespmem:v61+s16+$0x0] =	vst.idx.msk $0xffff, v60;
	v58 =	vld.idx.msk [tilespmem:v59+s11+$0x0], $0xffff  }
0x371: {  	v6 =	vor.u32 s23, v7;
	v59 =	vld.idx.msk [tilespmem:v62+s11+$0x0], $0xffff  }
0x372: {  	v7 =	vor.u32 s22, v7;
	v51 =	vshll.u32 v6, $0x5;
	[tilespmem:v0+s16+$0x0] =	vst.idx.msk $0xffff, v63;
	v63 =	vld [tilespmem:$0x1FEC0]  }
0x373: {  	v18 =	vmul.u32 $0x29, v7;
	[tilespmem:v48+s16+$0x0] =	vst.idx.msk $0xffff, v1;
	v8 =	vadd.s32 v21, v44;
	v61 =	vld.idx.msk [tilespmem:v13+s11+$0x0], $0xffff  }
0x374: {  	v4 =	vor.u32 $0x5, v43;
	v9 =	vmul.u32 $0x29, v6;
	v5 =	vadd.s32 v17, v33;
	v3 =	vld.idx.msk [tilespmem:v3+s11+$0x0], $0xffff  }
0x375: {  	v50 =	vmov v44;
	v44 =	vshrl.u32 v18, $0xD;
	v18 =	vld [tilespmem:$0x1FFA0]  }
0x376: {  	v9 =	vshrl.u32 v9, $0xD;
	v1 =	vadd.s32 v31, v37;
	v13 =	vld [tilespmem:$0x1FEF0];
	v23 =	vmul.u32 $0x1838, v44  }
0x377: {  	v60 =	vor.u32 $0x13, v38;
	v0 =	vmul.u32 $0x1838, v9;
	v9 =	vld.idx.msk [tilespmem:v51+s11+$0x0], $0xffff  }
0x378: {  	v32 =	vadd.s32 v15, v42;
	v30 =	vadd.s32 v7, v23;
	v23 =	vld [tilespmem:$0x1FEE0];
	[tilespmem:v8+s16+$0x0] =	vst.idx.msk $0xffff, v2  }
0x379: {  	v29 =	vadd.s32 v27, v40;
	[tilespmem:v5+s16+$0x0] =	vst.idx.msk $0xffff, v19;
	v4 =	vld.idx.msk [tilespmem:v4+s11+$0x0], $0xffff  }
0x37a: {  	v57 =	vor.u32 $0xF, v39;
	v0 =	vadd.s32 v6, v0;
	v6 =	vld.idx.msk [tilespmem:v45+s11+$0x0], $0xffff;
	[tilespmem:v54+s16+$0x0] =	vst.idx.msk $0xffff, v58  }
0x37b: {  	v62 =	vor.u32 $0xA, v41;
	v52 =	vand.u32 $0xFFFFFFF8, v0;
	[tilespmem:v1+s16+$0x0] =	vst.idx.msk $0xffff, v59;
	v53 =	vld.idx.msk [tilespmem:v56+s11+$0x0], $0xffff  }
0x37c: {  	v24 =	vor.u32 v63, v52;
	v16 =	vld.idx.msk [tilespmem:v60+s11+$0x0], $0xffff  }
0x37d: {  	v25 =	vor.u32 $0x1, v51;
	v1 =	vadd.s32 v18, v33;
	[tilespmem:v32+s16+$0x0] =	vst.idx.msk $0xffff, v3;
	v32 =	vld [tilespmem:$0x1FF60]  }
0x37e: {  	v19 =	vor.u32 $0x1D, v34;
	[tilespmem:v29+s16+$0x0] =	vst.idx.msk $0xffff, v61;
	v60 =	vld [tilespmem:$0x1FEA0];
	v0 =	vadd.s32 v23, v50  }
0x37f: {  	v49 =	vshll.u32 v7, $0x5;
	v7 =	vld.idx.msk [tilespmem:v57+s11+$0x0], $0xffff  }
0x380: {  	v55 =	vor.u32 $0xE, v49;
	v26 =	vadd.s32 v12, v35;
	v2 =	vor.u32 $0x6, v43;
	v57 =	vld.idx.msk [tilespmem:v62+s11+$0x0], $0xffff  }
0x381: {  	v47 =	vmov v55;
	v55 =	vor.u32 $0x19, v36;
	v62 =	vld [tilespmem:$0x1FED0];
	[tilespmem:v24+s16+$0x0] =	vst.idx.msk $0xffff, v9  }
0x382: {  	v45 =	vld.idx.msk [tilespmem:v25+s11+$0x0], $0xffff;
	[tilespmem:v1+s16+$0x0] =	vst.idx.msk $0xffff, v6;
	v3 =	vadd.s32 v32, v37  }
0x383: {  	v8 =	vld.idx.msk [tilespmem:v19+s11+$0x0], $0xffff;
	[tilespmem:v0+s16+$0x0] =	vst.idx.msk $0xffff, v4;
	v0 =	vor.u32 $0x14, v38;
	v4 =	vadd.s32 v28, v40  }
0x384: {  	v44 =	vand.u32 $0xFFFFFFF8, v30;
	v30 =	vor.u32 $0x10, v39;
	v29 =	vadd.s32 v11, v42;
	v19 =	vld [tilespmem:$0x1FF00]  }
0x385: {  	v46 =	vor.u32 $0xB, v41;
	v2 =	vld.idx.msk [tilespmem:v2+s11+$0x0], $0xffff;
	[tilespmem:v26+s16+$0x0] =	vst.idx.msk $0xffff, v53  }
0x386: {  	v54 =	vld.idx.msk [tilespmem:v55+s11+$0x0], $0xffff  }
0x387: {  	v24 =	vadd.s32 v22, v50;
	[tilespmem:v3+s16+$0x0] =	vst.idx.msk $0xffff, v16;
	v16 =	vld [tilespmem:$0x1FF30]  }
0x388: {  	v25 =	vor.u32 $0x7, v43;
	v1 =	vadd.s32 v60, v52;
	v0 =	vld.idx.msk [tilespmem:v0+s11+$0x0], $0xffff;
	[tilespmem:v4+s16+$0x0] =	vst.idx.msk $0xffff, v7  }
0x389: {  	v26 =	vor.u32 $0x2, v51;
	[tilespmem:v29+s16+$0x0] =	vst.idx.msk $0xffff, v57;
	v9 =	vld.idx.msk [tilespmem:v30+s11+$0x0], $0xffff  }
0x38a: {  	v29 =	vld.idx.msk [tilespmem:v46+s11+$0x0], $0xffff  }
0x38b: {  	v3 =	vadd.s32 v19, v33;
	v46 =	vld [tilespmem:$0x1FFE0]  }
0x38c: {  	v5 =	vadd.s32 v10, v37;
	v4 =	vor.u32 $0x1E, v34;
	[tilespmem:v24+s16+$0x0] =	vst.idx.msk $0xffff, v2;
	v24 =	vld [tilespmem:$0x1FE30]  }
0x38d: {  	v2 =	vor.u32 $0x15, v38;
	[tilespmem:v1+s16+$0x0] =	vst.idx.msk $0xffff, v45;
	v6 =	vld.idx.msk [tilespmem:v25+s11+$0x0], $0xffff  }
0x38e: {  	v1 =	vadd.s32 v14, v42;
	v53 =	vld.idx.msk [tilespmem:v26+s11+$0x0], $0xffff  }
0x38f: {  	v58 =	vor.u32 $0xC, v41;
	v26 =	vld [tilespmem:$0x1FFB0];
	v7 =	vadd.s32 v16, v35  }
0x390: {  	v55 =	vor.u32 $0x1A, v36;
	v25 =	vld [tilespmem:$0x1FFF0];
	[tilespmem:v3+s16+$0x0] =	vst.idx.msk $0xffff, v8;
	v3 =	vadd.s32 v62, v52  }
0x391: {  	v61 =	vor.u32 $0x3, v51;
	v4 =	vld.idx.msk [tilespmem:v4+s11+$0x0], $0xffff;
	[tilespmem:v5+s16+$0x0] =	vst.idx.msk $0xffff, v0  }
0x392: {  	v30 =	vadd.s32 v46, v40;
	v2 =	vld.idx.msk [tilespmem:v2+s11+$0x0], $0xffff  }
0x393: {  	v45 =	vor.u32 $0x11, v39;
	[tilespmem:v1+s16+$0x0] =	vst.idx.msk $0xffff, v29;
	v29 =	vld [tilespmem:$0x1FF80]  }
0x394: {  	v59 =	vadd.s32 v24, v50;
	v56 =	vld.idx.msk [tilespmem:v58+s11+$0x0], $0xffff;
	[tilespmem:v7+s16+$0x0] =	vst.idx.msk $0xffff, v54  }
0x395: {  	[tilespmem:v3+s16+$0x0] =	vst.idx.msk $0xffff, v53;
	v5 =	vld.idx.msk [tilespmem:v55+s11+$0x0], $0xffff  }
0x396: {  	v8 =	vor.u32 $0x8, v43;
	v0 =	vadd.s32 v13, v33;
	v7 =	vld.idx.msk [tilespmem:v61+s11+$0x0], $0xffff  }
0x397: {  	v54 =	vadd.s32 v26, v35;
	v61 =	vld [tilespmem:$0x1FEB0];
	[tilespmem:v30+s16+$0x0] =	vst.idx.msk $0xffff, v9;
	v9 =	vor.u32 $0x1F, v34  }
0x398: {  	v55 =	vor.u32 $0x1B, v36;
	v1 =	vadd.s32 v29, v37;
	v45 =	vld.idx.msk [tilespmem:v45+s11+$0x0], $0xffff  }
0x399: {  	v57 =	vadd.s32 v25, v40;
	[tilespmem:v59+s16+$0x0] =	vst.idx.msk $0xffff, v6;
	v59 =	vld [tilespmem:$0x1FE80]  }
0x39a: {  	v34 =	vmovc v38;
	v38 =	vmov v41;
	v41 =	vmov v51;
	v51 =	vor.u32 $0x12, v39;
	v30 =	vld [tilespmem:$0x1FF10]  }
0x39b: {  	v48 =	vadd.s32 v20, v52;
	v20 =	vadd.s32 v20, v50;
	[tilespmem:v0+s16+$0x0] =	vst.idx.msk $0xffff, v4;
	v8 =	vld.idx.msk [tilespmem:v8+s11+$0x0], $0xffff  }
0x39c: {  	[tilespmem:v54+s16+$0x0] =	vst.idx.msk $0xffff, v5;
	v9 =	vld.idx.msk [tilespmem:v9+s11+$0x0], $0xffff  }
0x39d: {  	[tilespmem:v1+s16+$0x0] =	vst.idx.msk $0xffff, v2;
	v2 =	vld.idx.msk [tilespmem:v55+s11+$0x0], $0xffff  }
0x39e: {  	v6 =	vor.u32 $0x16, v34;
	v3 =	vadd.s32 v59, v42;
	[tilespmem:v57+s16+$0x0] =	vst.idx.msk $0xffff, v45;
	v45 =	vadd.s32 v17, v35;
	v17 =	vld [tilespmem:$0x1FF90]  }
0x39f: {  	v4 =	vor.u32 $0x9, v43;
	v51 =	vld.idx.msk [tilespmem:v51+s11+$0x0], $0xffff  }
0x3a0: {  	v53 =	vor.u32 $0xD, v38;
	v0 =	vadd.s32 v61, v52;
	[tilespmem:v20+s16+$0x0] =	vst.idx.msk $0xffff, v8;
	v20 =	vld [tilespmem:$0x1FE90]  }
0x3a1: {  	v5 =	vor.u32 $0x4, v41;
	v1 =	vadd.s32 v30, v33  }
0x3a2: {  	v54 =	vadd.s32 v31, v40;
	v31 =	vadd.s32 v15, v50;
	v15 =	vld [tilespmem:$0x1FF50];
	v33 =	vmovc v37;
	v37 =	vmov v42  }
0x3a3: {  	v6 =	vld.idx.msk [tilespmem:v6+s11+$0x0], $0xffff;
	v42 =	vmov v52;
	v52 =	vor.u32 $0x1C, v36;
	[tilespmem:v3+s16+$0x0] =	vst.idx.msk $0xffff, v56;
	v3 =	vadd.s32 v17, v33  }
0x3a4: {  	v8 =	vor.u32 $0x17, v34;
	v4 =	vld.idx.msk [tilespmem:v4+s11+$0x0], $0xffff  }
0x3a5: {  	v53 =	vld.idx.msk [tilespmem:v53+s11+$0x0], $0xffff;
	[tilespmem:v0+s16+$0x0] =	vst.idx.msk $0xffff, v7;
	v0 =	vadd.s32 v20, v37;
	v7 =	vor.u32 $0x13, v39  }
0x3a6: {  	v55 =	vor.u32 $0xE, v38;
	v5 =	vld.idx.msk [tilespmem:v5+s11+$0x0], $0xffff;
	[tilespmem:v1+s16+$0x0] =	vst.idx.msk $0xffff, v9  }
0x3a7: {  	v57 =	vor.u32 $0xA, v43;
	v1 =	vadd.s32 v21, v42;
	v9 =	vld.idx.msk [tilespmem:v49+s11+$0x0], $0xffff;
	[tilespmem:v45+s16+$0x0] =	vst.idx.msk $0xffff, v2  }
0x3a8: {  	v2 =	vor.u32 $0x5, v41;
	v21 =	vor.u32 v63, v44;
	[tilespmem:v3+s16+$0x0] =	vst.idx.msk $0xffff, v6;
	v3 =	vld.idx.msk [tilespmem:v52+s11+$0x0], $0xffff  }
0x3a9: {  	v6 =	vor.u32 $0x1, v49;
	[tilespmem:v54+s16+$0x0] =	vst.idx.msk $0xffff, v51;
	v51 =	vadd.s32 v18, v35;
	v8 =	vld.idx.msk [tilespmem:v8+s11+$0x0], $0xffff  }
0x3aa: {  	v52 =	vor.u32 $0x1D, v36;
	[tilespmem:v0+s16+$0x0] =	vst.idx.msk $0xffff, v53;
	v0 =	vadd.s32 v15, v33;
	v7 =	vld.idx.msk [tilespmem:v7+s11+$0x0], $0xffff  }
0x3ab: {  	v32 =	vadd.s32 v32, v40;
	[tilespmem:v31+s16+$0x0] =	vst.idx.msk $0xffff, v4;
	v31 =	vor.u32 $0x18, v34;
	v53 =	vld.idx.msk [tilespmem:v55+s11+$0x0], $0xffff  }
0x3ac: {  	v63 =	vor.u32 $0x14, v39;
	[tilespmem:v1+s16+$0x0] =	vst.idx.msk $0xffff, v5;
	v1 =	vadd.s32 v27, v37;
	v5 =	vld.idx.msk [tilespmem:v57+s11+$0x0], $0xffff  }
0x3ad: {  	v18 =	vor.u32 $0xF, v38;
	[tilespmem:v21+s16+$0x0] =	vst.idx.msk $0xffff, v9;
	v21 =	vadd.s32 v11, v50;
	v2 =	vld.idx.msk [tilespmem:v2+s11+$0x0], $0xffff  }
0x3ae: {  	v23 =	vadd.s32 v23, v42;
	v27 =	vor.u32 $0xB, v43;
	v6 =	vld.idx.msk [tilespmem:v6+s11+$0x0], $0xffff;
	[tilespmem:v51+s16+$0x0] =	vst.idx.msk $0xffff, v3  }
0x3af: {  	v58 =	vadd.s32 v60, v44;
	v3 =	vor.u32 $0x6, v41;
	[tilespmem:v0+s16+$0x0] =	vst.idx.msk $0xffff, v8;
	v0 =	vld.idx.msk [tilespmem:v52+s11+$0x0], $0xffff  }
0x3b0: {  	v60 =	vor.u32 $0x2, v49;
	[tilespmem:v32+s16+$0x0] =	vst.idx.msk $0xffff, v7;
	v4 =	vld.idx.msk [tilespmem:v31+s11+$0x0], $0xffff  }
0x3b1: {  	v31 =	vadd.s32 v19, v35;
	[tilespmem:v1+s16+$0x0] =	vst.idx.msk $0xffff, v53;
	v32 =	vld.idx.msk [tilespmem:v63+s11+$0x0], $0xffff  }
0x3b2: {  	v1 =	vadd.s32 v12, v33;
	v63 =	vor.u32 $0x1E, v36;
	[tilespmem:v21+s16+$0x0] =	vst.idx.msk $0xffff, v5;
	v9 =	vld.idx.msk [tilespmem:v18+s11+$0x0], $0xffff  }
0x3b3: {  	v19 =	vadd.s32 v10, v40;
	v18 =	vor.u32 $0x19, v34;
	[tilespmem:v23+s16+$0x0] =	vst.idx.msk $0xffff, v2;
	v54 =	vld.idx.msk [tilespmem:v27+s11+$0x0], $0xffff  }
0x3b4: {  	v21 =	vor.u32 $0x15, v39;
	v2 =	vadd.s32 v28, v37;
	v3 =	vld.idx.msk [tilespmem:v3+s11+$0x0], $0xffff;
	[tilespmem:v58+s16+$0x0] =	vst.idx.msk $0xffff, v6  }
0x3b5: {  	v23 =	vor.u32 $0x10, v38;
	v27 =	vadd.s32 v14, v50;
	v8 =	vld.idx.msk [tilespmem:v60+s11+$0x0], $0xffff  }
0x3b6: {  	v28 =	vadd.s32 v22, v42;
	v60 =	vor.u32 $0xC, v43;
	[tilespmem:v31+s16+$0x0] =	vst.idx.msk $0xffff, v0;
	v31 =	vadd.s32 v13, v35;
	v13 =	vld [tilespmem:$0x1FDE0]  }
0x3b7: {  	v62 =	vadd.s32 v62, v44;
	v0 =	vor.u32 $0x7, v41;
	[tilespmem:v1+s16+$0x0] =	vst.idx.msk $0xffff, v4;
	v1 =	vld.idx.msk [tilespmem:v63+s11+$0x0], $0xffff  }
0x3b8: {  	v63 =	vor.u32 $0x3, v49;
	v5 =	vld.idx.msk [tilespmem:v18+s11+$0x0], $0xffff;
	[tilespmem:v19+s16+$0x0] =	vst.idx.msk $0xffff, v32  }
0x3b9: {  	[tilespmem:v2+s16+$0x0] =	vst.idx.msk $0xffff, v9;
	v2 =	vadd.s32 v16, v33;
	v16 =	vor.u32 $0x1F, v36;
	v32 =	vld.idx.msk [tilespmem:v21+s11+$0x0], $0xffff  }
0x3ba: {  	v36 =	vmov v39;
	v18 =	vor.u32 $0x1A, v34;
	v19 =	vadd.s32 v29, v40;
	v6 =	vld.idx.msk [tilespmem:v23+s11+$0x0], $0xffff;
	[tilespmem:v27+s16+$0x0] =	vst.idx.msk $0xffff, v54  }
0x3bb: {  	v22 =	vor.u32 $0x16, v36;
	[tilespmem:v28+s16+$0x0] =	vst.idx.msk $0xffff, v3;
	v3 =	vadd.s32 v46, v37;
	v21 =	vld.idx.msk [tilespmem:v60+s11+$0x0], $0xffff  }
0x3bc: {  	v39 =	vmov v43;
	v23 =	vor.u32 $0x11, v38;
	v27 =	vadd.s32 v59, v50;
	[tilespmem:v62+s16+$0x0] =	vst.idx.msk $0xffff, v8;
	v0 =	vld.idx.msk [tilespmem:v0+s11+$0x0], $0xffff  }
0x3bd: {  	s21 =	sadd.s32 $0x2, s21;
	v29 =	vor.u32 $0xD, v39;
	v28 =	vadd.s32 v24, v42;
	v4 =	vld.idx.msk [tilespmem:v63+s11+$0x0], $0xffff;
	[tilespmem:v31+s16+$0x0] =	vst.idx.msk $0xffff, v1  }
0x3be: {  	p0 =	slt.u32 s21, $0x30;
	v45 =	vor.u32 $0x1C, v34;
	v1 =	vor.u32 $0x8, v41;
	v31 =	vadd.s32 v61, v44;
	[tilespmem:v2+s16+$0x0] =	vst.idx.msk $0xffff, v5;
	v53 =	vld.idx.msk [tilespmem:v16+s11+$0x0], $0xffff  }
.Ltmp5:
0x3bf: {  	v55 =	vadd.s32 v30, v35;
	v35 =	vmov v40;
	v43 =	vmov v49;
	v49 =	vld.idx.msk [tilespmem:v18+s11+$0x0], $0xffff;
	[tilespmem:v19+s16+$0x0] =	vst.idx.msk $0xffff, v32;
	(pc) =	sbr.rel @p0 .LBB2_11-.Ltmp5, $4  }
0x3c0: {  	v51 =	vadd.s32 v26, v33;
	v58 =	vadd.s32 v17, v35;
	[tilespmem:v3+s16+$0x0] =	vst.idx.msk $0xffff, v6;
	v57 =	vld.idx.msk [tilespmem:v22+s11+$0x0], $0xffff  }
0x3c1: {  	v52 =	vor.u32 $0x1B, v34;
	v54 =	vadd.s32 v15, v35;
	v59 =	vor.u32 $0x17, v36;
	v60 =	vld.idx.msk [tilespmem:v23+s11+$0x0], $0xffff;
	[tilespmem:v27+s16+$0x0] =	vst.idx.msk $0xffff, v21  }
0x3c2: {  	v40 =	vmovc v50;
	v56 =	vor.u32 $0x18, v36;
	v62 =	vor.u32 $0x12, v38;
	v2 =	vor.u32 $0x4, v43;
	[tilespmem:v28+s16+$0x0] =	vst.idx.msk $0xffff, v0;
	v63 =	vld.idx.msk [tilespmem:v29+s11+$0x0], $0xffff  }
0x3c3: {  	s22 =	sadd.s32 $0x20, s22;
	v61 =	vadd.s32 v25, v37;
	v0 =	vadd.s32 v20, v40;
	v1 =	vld.idx.msk [tilespmem:v1+s11+$0x0], $0xffff;
	[tilespmem:v31+s16+$0x0] =	vst.idx.msk $0xffff, v4  }
0x3c4: {  	v20 =	vld [tilespmem:$0x1FE10];
	_ =	sdelay $0x4  }
0x3c5: {  	v2 =	vld.idx.msk [tilespmem:v2+s11+$0x0], $0xffff;
	v3 =	vadd.s32 v20, v44;
	_ =	sdelay $0x4  }
0x3c6: {  	[tilespmem:v3+s16+$0x0] =	vst.idx.msk $0xffff, v2  }
0x3c7: {  	v4 =	vor.u32 $0x5, v43;
	v23 =	vld [tilespmem:$0x1FEE0];
	_ =	sdelay $0x4  }
0x3c8: {  	v2 =	vld.idx.msk [tilespmem:v4+s11+$0x0], $0xffff;
	v3 =	vadd.s32 v23, v44;
	_ =	sdelay $0x4  }
0x3c9: {  	[tilespmem:v3+s16+$0x0] =	vst.idx.msk $0xffff, v2  }
0x3ca: {  	v4 =	vor.u32 $0x6, v43;
	v3 =	vld [tilespmem:$0x1FE20];
	_ =	sdelay $0x4  }
0x3cb: {  	v2 =	vld.idx.msk [tilespmem:v4+s11+$0x0], $0xffff;
	v3 =	vadd.s32 v3, v44;
	_ =	sdelay $0x4  }
0x3cc: {  	[tilespmem:v3+s16+$0x0] =	vst.idx.msk $0xffff, v2  }
0x3cd: {  	v4 =	vor.u32 $0x7, v43;
	v3 =	vld [tilespmem:$0x1FE30];
	_ =	sdelay $0x4  }
0x3ce: {  	v2 =	vld.idx.msk [tilespmem:v4+s11+$0x0], $0xffff;
	v3 =	vadd.s32 v3, v44;
	_ =	sdelay $0x4  }
0x3cf: {  	[tilespmem:v3+s16+$0x0] =	vst.idx.msk $0xffff, v2  }
0x3d0: {  	v4 =	vor.u32 $0x8, v43;
	v32 =	vld [tilespmem:$0x1FE40];
	[tilespmem:v48+s16+$0x0] =	vst.idx.msk $0xffff, v1  }
0x3d1: {  	v2 =	vor.u32 $0x9, v41;
	v6 =	vld [tilespmem:$0x1FE50];
	_ =	sdelay $0x3  }
0x3d2: {  	v3 =	vld.idx.msk [tilespmem:v4+s11+$0x0], $0xffff;
	v4 =	vadd.s32 v32, v44  }
0x3d3: {  	v1 =	vld.idx.msk [tilespmem:v2+s11+$0x0], $0xffff;
	v2 =	vadd.s32 v6, v42;
	_ =	sdelay $0x3  }
0x3d4: {  	[tilespmem:v4+s16+$0x0] =	vst.idx.msk $0xffff, v3  }
0x3d5: {  	v5 =	vor.u32 $0x9, v43;
	[tilespmem:v2+s16+$0x0] =	vst.idx.msk $0xffff, v1  }
0x3d6: {  	v3 =	vor.u32 $0xA, v41;
	v21 =	vld [tilespmem:$0x1FE60];
	_ =	sdelay $0x3  }
0x3d7: {  	v4 =	vld.idx.msk [tilespmem:v5+s11+$0x0], $0xffff;
	v5 =	vadd.s32 v6, v44  }
0x3d8: {  	v1 =	vld.idx.msk [tilespmem:v3+s11+$0x0], $0xffff;
	v2 =	vadd.s32 v21, v42;
	_ =	sdelay $0x3  }
0x3d9: {  	[tilespmem:v5+s16+$0x0] =	vst.idx.msk $0xffff, v4  }
0x3da: {  	v6 =	vor.u32 $0xA, v43;
	[tilespmem:v2+s16+$0x0] =	vst.idx.msk $0xffff, v1  }
0x3db: {  	v3 =	vor.u32 $0xB, v41;
	v22 =	vld [tilespmem:$0x1FE70];
	_ =	sdelay $0x3  }
0x3dc: {  	v4 =	vld.idx.msk [tilespmem:v6+s11+$0x0], $0xffff;
	v5 =	vadd.s32 v21, v44  }
0x3dd: {  	v6 =	vor.u32 $0xB, v43;
	v1 =	vld.idx.msk [tilespmem:v3+s11+$0x0], $0xffff;
	v2 =	vadd.s32 v22, v42;
	_ =	sdelay $0x3  }
0x3de: {  	[tilespmem:v5+s16+$0x0] =	vst.idx.msk $0xffff, v4  }
0x3df: {  	v4 =	vld.idx.msk [tilespmem:v6+s11+$0x0], $0xffff;
	[tilespmem:v2+s16+$0x0] =	vst.idx.msk $0xffff, v1  }
0x3e0: {  	v3 =	vor.u32 $0xC, v41;
	v5 =	vadd.s32 v22, v44;
	v7 =	vld [tilespmem:$0x1FE80]  }
0x3e1: {  	v6 =	vor.u32 $0xC, v43;
	_ =	sdelay $0x3  }
0x3e2: {  	v1 =	vld.idx.msk [tilespmem:v3+s11+$0x0], $0xffff;
	[tilespmem:v5+s16+$0x0] =	vst.idx.msk $0xffff, v4;
	v2 =	vadd.s32 v7, v42  }
0x3e3: {  	v4 =	vld.idx.msk [tilespmem:v6+s11+$0x0], $0xffff;
	v5 =	vadd.s32 v7, v44;
	_ =	sdelay $0x3  }
0x3e4: {  	[tilespmem:v2+s16+$0x0] =	vst.idx.msk $0xffff, v1  }
0x3e5: {  	v3 =	vor.u32 $0xD, v41;
	v11 =	vld [tilespmem:$0x1FE90];
	[tilespmem:v5+s16+$0x0] =	vst.idx.msk $0xffff, v4  }
0x3e6: {  	v6 =	vor.u32 $0xD, v43;
	[tilespmem:v0+s16+$0x0] =	vst.idx.msk $0xffff, v63  }
0x3e7: {  	v25 =	vld [tilespmem:$0x1FFC0];
	_ =	sdelay $0x2  }
0x3e8: {  	v1 =	vld.idx.msk [tilespmem:v3+s11+$0x0], $0xffff;
	v2 =	vadd.s32 v11, v42  }
0x3e9: {  	v4 =	vld.idx.msk [tilespmem:v6+s11+$0x0], $0xffff;
	v5 =	vadd.s32 v11, v44  }
0x3ea: {  	v0 =	vld.idx.msk [tilespmem:v13+s11+$0x0], $0xffff;
	v6 =	vadd.s32 v25, v40;
	_ =	sdelay $0x2  }
0x3eb: {  	[tilespmem:v2+s16+$0x0] =	vst.idx.msk $0xffff, v1  }
0x3ec: {  	v3 =	vor.u32 $0xE, v41;
	[tilespmem:v5+s16+$0x0] =	vst.idx.msk $0xffff, v4  }
0x3ed: {  	[tilespmem:v6+s16+$0x0] =	vst.idx.msk $0xffff, v0  }
0x3ee: {  	v1 =	vor.u32 $0xF, v39;
	v26 =	vld [tilespmem:$0x1FFD0];
	_ =	sdelay $0x2  }
0x3ef: {  	v2 =	vld.idx.msk [tilespmem:v3+s11+$0x0], $0xffff;
	v3 =	vadd.s32 v25, v42  }
0x3f0: {  	v7 =	vadd.s32 v25, v44;
	v5 =	vld.idx.msk [tilespmem:v47+s11+$0x0], $0xffff  }
0x3f1: {  	v4 =	vor.u32 $0xF, v41;
	v0 =	vld.idx.msk [tilespmem:v1+s11+$0x0], $0xffff;
	v1 =	vadd.s32 v26, v40;
	_ =	sdelay $0x1  }
0x3f2: {  	v8 =	vor.u32 $0xF, v43  }
0x3f3: {  	[tilespmem:v3+s16+$0x0] =	vst.idx.msk $0xffff, v2  }
0x3f4: {  	[tilespmem:v7+s16+$0x0] =	vst.idx.msk $0xffff, v5  }
0x3f5: {  	v3 =	vld.idx.msk [tilespmem:v4+s11+$0x0], $0xffff;
	[tilespmem:v1+s16+$0x0] =	vst.idx.msk $0xffff, v0  }
0x3f6: {  	v2 =	vor.u32 $0x10, v39;
	v4 =	vadd.s32 v26, v42;
	v27 =	vld [tilespmem:$0x1FFE0]  }
0x3f7: {  	v5 =	vor.u32 $0x10, v41;
	v6 =	vld.idx.msk [tilespmem:v8+s11+$0x0], $0xffff;
	v7 =	vadd.s32 v26, v44  }
0x3f8: {  	v8 =	vor.u32 $0x10, v43;
	_ =	sdelay $0x2  }
0x3f9: {  	v0 =	vld.idx.msk [tilespmem:v2+s11+$0x0], $0xffff;
	[tilespmem:v4+s16+$0x0] =	vst.idx.msk $0xffff, v3;
	v1 =	vadd.s32 v27, v40  }
0x3fa: {  	[tilespmem:v7+s16+$0x0] =	vst.idx.msk $0xffff, v6;
	v3 =	vld.idx.msk [tilespmem:v5+s11+$0x0], $0xffff;
	v4 =	vadd.s32 v27, v42  }
0x3fb: {  	v6 =	vld.idx.msk [tilespmem:v8+s11+$0x0], $0xffff;
	v7 =	vadd.s32 v27, v44;
	_ =	sdelay $0x2  }
0x3fc: {  	[tilespmem:v1+s16+$0x0] =	vst.idx.msk $0xffff, v0  }
0x3fd: {  	v2 =	vor.u32 $0x11, v39;
	v28 =	vld [tilespmem:$0x1FFF0];
	[tilespmem:v4+s16+$0x0] =	vst.idx.msk $0xffff, v3  }
0x3fe: {  	v5 =	vor.u32 $0x11, v41;
	[tilespmem:v7+s16+$0x0] =	vst.idx.msk $0xffff, v6  }
0x3ff: {  	v8 =	vor.u32 $0x11, v43;
	[tilespmem:v61+s16+$0x0] =	vst.idx.msk $0xffff, v60  }
0x400: {  	v29 =	vld [tilespmem:$0x1FF40];
	_ =	sdelay $0x1  }
0x401: {  	v0 =	vld.idx.msk [tilespmem:v2+s11+$0x0], $0xffff;
	v1 =	vadd.s32 v28, v40  }
0x402: {  	v3 =	vld.idx.msk [tilespmem:v5+s11+$0x0], $0xffff;
	v4 =	vadd.s32 v28, v42  }
0x403: {  	v6 =	vld.idx.msk [tilespmem:v8+s11+$0x0], $0xffff;
	v7 =	vadd.s32 v28, v44  }
0x404: {  	v9 =	vld.idx.msk [tilespmem:v62+s11+$0x0], $0xffff;
	v46 =	vadd.s32 v29, v37;
	_ =	sdelay $0x1  }
0x405: {  	[tilespmem:v1+s16+$0x0] =	vst.idx.msk $0xffff, v0  }
0x406: {  	v2 =	vor.u32 $0x12, v39;
	[tilespmem:v4+s16+$0x0] =	vst.idx.msk $0xffff, v3  }
0x407: {  	v5 =	vor.u32 $0x12, v41;
	[tilespmem:v7+s16+$0x0] =	vst.idx.msk $0xffff, v6  }
0x408: {  	v8 =	vor.u32 $0x12, v43;
	[tilespmem:v46+s16+$0x0] =	vst.idx.msk $0xffff, v9  }
0x409: {  	v0 =	vor.u32 $0x13, v38;
	v13 =	vld [tilespmem:$0x1FF60];
	_ =	sdelay $0x1  }
0x40a: {  	v1 =	vld.idx.msk [tilespmem:v2+s11+$0x0], $0xffff;
	v2 =	vadd.s32 v29, v40  }
0x40b: {  	v4 =	vld.idx.msk [tilespmem:v5+s11+$0x0], $0xffff;
	v5 =	vadd.s32 v29, v42  }
0x40c: {  	v7 =	vld.idx.msk [tilespmem:v8+s11+$0x0], $0xffff;
	v8 =	vadd.s32 v29, v44  }
0x40d: {  	v0 =	vld.idx.msk [tilespmem:v0+s11+$0x0], $0xffff;
	v9 =	vadd.s32 v13, v37;
	_ =	sdelay $0x1  }
0x40e: {  	[tilespmem:v2+s16+$0x0] =	vst.idx.msk $0xffff, v1  }
0x40f: {  	v3 =	vor.u32 $0x13, v39;
	[tilespmem:v5+s16+$0x0] =	vst.idx.msk $0xffff, v4  }
0x410: {  	v6 =	vor.u32 $0x13, v41;
	[tilespmem:v8+s16+$0x0] =	vst.idx.msk $0xffff, v7  }
0x411: {  	v61 =	vor.u32 $0x13, v43;
	[tilespmem:v9+s16+$0x0] =	vst.idx.msk $0xffff, v0  }
0x412: {  	v1 =	vor.u32 $0x14, v38;
	v30 =	vld [tilespmem:$0x1FF70];
	_ =	sdelay $0x1  }
0x413: {  	v2 =	vld.idx.msk [tilespmem:v3+s11+$0x0], $0xffff;
	v3 =	vadd.s32 v13, v40  }
0x414: {  	v5 =	vld.idx.msk [tilespmem:v6+s11+$0x0], $0xffff;
	v6 =	vadd.s32 v13, v42  }
0x415: {  	v8 =	vld.idx.msk [tilespmem:v61+s11+$0x0], $0xffff;
	v62 =	vadd.s32 v13, v44  }
0x416: {  	v0 =	vld.idx.msk [tilespmem:v1+s11+$0x0], $0xffff;
	v1 =	vadd.s32 v30, v37;
	_ =	sdelay $0x1  }
0x417: {  	[tilespmem:v3+s16+$0x0] =	vst.idx.msk $0xffff, v2  }
0x418: {  	v4 =	vor.u32 $0x14, v39;
	[tilespmem:v6+s16+$0x0] =	vst.idx.msk $0xffff, v5  }
0x419: {  	v7 =	vor.u32 $0x14, v41;
	[tilespmem:v62+s16+$0x0] =	vst.idx.msk $0xffff, v8  }
0x41a: {  	v63 =	vor.u32 $0x14, v43;
	[tilespmem:v1+s16+$0x0] =	vst.idx.msk $0xffff, v0  }
0x41b: {  	v2 =	vor.u32 $0x15, v38;
	v61 =	vld [tilespmem:$0x1FF80];
	_ =	sdelay $0x1  }
0x41c: {  	v3 =	vld.idx.msk [tilespmem:v4+s11+$0x0], $0xffff;
	v4 =	vadd.s32 v30, v40  }
0x41d: {  	v6 =	vld.idx.msk [tilespmem:v7+s11+$0x0], $0xffff;
	v7 =	vadd.s32 v30, v42  }
0x41e: {  	v9 =	vld.idx.msk [tilespmem:v63+s11+$0x0], $0xffff;
	v48 =	vadd.s32 v30, v44  }
0x41f: {  	v5 =	vor.u32 $0x15, v39;
	v0 =	vld.idx.msk [tilespmem:v2+s11+$0x0], $0xffff;
	v1 =	vadd.s32 v61, v37;
	_ =	sdelay $0x1  }
0x420: {  	v8 =	vor.u32 $0x15, v41;
	[tilespmem:v4+s16+$0x0] =	vst.idx.msk $0xffff, v3  }
0x421: {  	v50 =	vor.u32 $0x15, v43;
	[tilespmem:v7+s16+$0x0] =	vst.idx.msk $0xffff, v6  }
0x422: {  	[tilespmem:v48+s16+$0x0] =	vst.idx.msk $0xffff, v9  }
0x423: {  	v3 =	vld.idx.msk [tilespmem:v5+s11+$0x0], $0xffff;
	[tilespmem:v1+s16+$0x0] =	vst.idx.msk $0xffff, v0  }
0x424: {  	v2 =	vor.u32 $0x16, v38;
	v4 =	vadd.s32 v61, v40;
	v10 =	vld [tilespmem:$0x1FF90]  }
0x425: {  	v5 =	vor.u32 $0x16, v39;
	v6 =	vld.idx.msk [tilespmem:v8+s11+$0x0], $0xffff;
	v7 =	vadd.s32 v61, v42  }
0x426: {  	v8 =	vor.u32 $0x16, v41;
	v9 =	vld.idx.msk [tilespmem:v50+s11+$0x0], $0xffff;
	v48 =	vadd.s32 v61, v44  }
0x427: {  	v50 =	vor.u32 $0x16, v43;
	_ =	sdelay $0x1  }
0x428: {  	v0 =	vld.idx.msk [tilespmem:v2+s11+$0x0], $0xffff;
	[tilespmem:v4+s16+$0x0] =	vst.idx.msk $0xffff, v3;
	v1 =	vadd.s32 v10, v37  }
0x429: {  	[tilespmem:v7+s16+$0x0] =	vst.idx.msk $0xffff, v6;
	v3 =	vld.idx.msk [tilespmem:v5+s11+$0x0], $0xffff;
	v4 =	vadd.s32 v10, v40  }
0x42a: {  	[tilespmem:v48+s16+$0x0] =	vst.idx.msk $0xffff, v9;
	v6 =	vld.idx.msk [tilespmem:v8+s11+$0x0], $0xffff;
	v7 =	vadd.s32 v10, v42  }
0x42b: {  	[tilespmem:v58+s16+$0x0] =	vst.idx.msk $0xffff, v57;
	v9 =	vld.idx.msk [tilespmem:v50+s11+$0x0], $0xffff;
	v46 =	vadd.s32 v10, v44  }
0x42c: {  	v59 =	vld.idx.msk [tilespmem:v59+s11+$0x0], $0xffff  }
0x42d: {  	[tilespmem:v1+s16+$0x0] =	vst.idx.msk $0xffff, v0  }
0x42e: {  	v2 =	vor.u32 $0x17, v38;
	v63 =	vld [tilespmem:$0x1FF50];
	[tilespmem:v4+s16+$0x0] =	vst.idx.msk $0xffff, v3  }
0x42f: {  	v5 =	vor.u32 $0x17, v39;
	[tilespmem:v7+s16+$0x0] =	vst.idx.msk $0xffff, v6  }
0x430: {  	v8 =	vor.u32 $0x17, v41;
	[tilespmem:v46+s16+$0x0] =	vst.idx.msk $0xffff, v9  }
0x431: {  	v58 =	vor.u32 $0x17, v43;
	[tilespmem:v54+s16+$0x0] =	vst.idx.msk $0xffff, v59  }
0x432: {  	v59 =	vld [tilespmem:$0x1FF20]  }
0x433: {  	v0 =	vld.idx.msk [tilespmem:v2+s11+$0x0], $0xffff;
	v1 =	vadd.s32 v63, v37  }
0x434: {  	v4 =	vld.idx.msk [tilespmem:v5+s11+$0x0], $0xffff;
	v3 =	vadd.s32 v63, v40  }
0x435: {  	v6 =	vld.idx.msk [tilespmem:v8+s11+$0x0], $0xffff;
	v7 =	vadd.s32 v63, v42  }
0x436: {  	v46 =	vld.idx.msk [tilespmem:v58+s11+$0x0], $0xffff;
	v9 =	vadd.s32 v63, v44  }
0x437: {  	v2 =	vor.u32 $0x18, v38;
	v48 =	vld.idx.msk [tilespmem:v56+s11+$0x0], $0xffff;
	v50 =	vadd.s32 v59, v35  }
0x438: {  	[tilespmem:v1+s16+$0x0] =	vst.idx.msk $0xffff, v0  }
0x439: {  	v5 =	vor.u32 $0x18, v39;
	[tilespmem:v3+s16+$0x0] =	vst.idx.msk $0xffff, v4  }
0x43a: {  	v8 =	vor.u32 $0x18, v41;
	[tilespmem:v7+s16+$0x0] =	vst.idx.msk $0xffff, v6  }
0x43b: {  	v54 =	vor.u32 $0x18, v43;
	[tilespmem:v9+s16+$0x0] =	vst.idx.msk $0xffff, v46  }
0x43c: {  	v1 =	vld.idx.msk [tilespmem:v2+s11+$0x0], $0xffff;
	[tilespmem:v50+s16+$0x0] =	vst.idx.msk $0xffff, v48  }
0x43d: {  	v0 =	vor.u32 $0x19, v36;
	v2 =	vadd.s32 v59, v37;
	v60 =	vld [tilespmem:$0x1FF30]  }
0x43e: {  	v3 =	vor.u32 $0x19, v38;
	v4 =	vld.idx.msk [tilespmem:v5+s11+$0x0], $0xffff;
	v5 =	vadd.s32 v59, v40  }
0x43f: {  	v6 =	vor.u32 $0x19, v39;
	v7 =	vld.idx.msk [tilespmem:v8+s11+$0x0], $0xffff;
	v8 =	vadd.s32 v59, v42  }
0x440: {  	v57 =	vadd.s32 v59, v44;
	v9 =	vor.u32 $0x19, v41;
	v46 =	vld.idx.msk [tilespmem:v54+s11+$0x0], $0xffff  }
0x441: {  	v58 =	vor.u32 $0x19, v43  }
0x442: {  	v0 =	vld.idx.msk [tilespmem:v0+s11+$0x0], $0xffff;
	[tilespmem:v2+s16+$0x0] =	vst.idx.msk $0xffff, v1;
	v54 =	vadd.s32 v60, v35  }
0x443: {  	[tilespmem:v5+s16+$0x0] =	vst.idx.msk $0xffff, v4;
	v2 =	vld.idx.msk [tilespmem:v3+s11+$0x0], $0xffff;
	v3 =	vadd.s32 v60, v37  }
0x444: {  	[tilespmem:v8+s16+$0x0] =	vst.idx.msk $0xffff, v7;
	v5 =	vld.idx.msk [tilespmem:v6+s11+$0x0], $0xffff;
	v6 =	vadd.s32 v60, v40  }
0x445: {  	[tilespmem:v57+s16+$0x0] =	vst.idx.msk $0xffff, v46;
	v8 =	vld.idx.msk [tilespmem:v9+s11+$0x0], $0xffff;
	v9 =	vadd.s32 v60, v42  }
0x446: {  	[tilespmem:v55+s16+$0x0] =	vst.idx.msk $0xffff, v53;
	v47 =	vld.idx.msk [tilespmem:v58+s11+$0x0], $0xffff;
	v57 =	vadd.s32 v60, v44  }
0x447: {  	v1 =	vor.u32 $0x1A, v36;
	[tilespmem:v54+s16+$0x0] =	vst.idx.msk $0xffff, v0  }
0x448: {  	v31 =	vld [tilespmem:$0x1FFB0];
	[tilespmem:v3+s16+$0x0] =	vst.idx.msk $0xffff, v2  }
0x449: {  	v4 =	vor.u32 $0x1A, v38;
	[tilespmem:v6+s16+$0x0] =	vst.idx.msk $0xffff, v5  }
0x44a: {  	v7 =	vor.u32 $0x1A, v39;
	[tilespmem:v9+s16+$0x0] =	vst.idx.msk $0xffff, v8  }
0x44b: {  	v56 =	vor.u32 $0x1A, v41;
	[tilespmem:v57+s16+$0x0] =	vst.idx.msk $0xffff, v47  }
0x44c: {  	v0 =	vor.u32 $0x1A, v43;
	v1 =	vld.idx.msk [tilespmem:v1+s11+$0x0], $0xffff;
	[tilespmem:v51+s16+$0x0] =	vst.idx.msk $0xffff, v49  }
0x44d: {  	v12 =	vld [tilespmem:$0x1FE00];
	v58 =	vadd.s32 v31, v35  }
0x44e: {  	v3 =	vld.idx.msk [tilespmem:v4+s11+$0x0], $0xffff;
	v4 =	vadd.s32 v31, v37  }
0x44f: {  	v6 =	vld.idx.msk [tilespmem:v7+s11+$0x0], $0xffff;
	v7 =	vadd.s32 v31, v40  }
0x450: {  	v9 =	vld.idx.msk [tilespmem:v56+s11+$0x0], $0xffff;
	v62 =	vadd.s32 v31, v42  }
0x451: {  	v2 =	vor.u32 $0x1B, v36;
	v0 =	vld.idx.msk [tilespmem:v0+s11+$0x0], $0xffff;
	v55 =	vadd.s32 v31, v44  }
0x452: {  	v8 =	vor.u32 $0x1B, v39;
	v51 =	vld.idx.msk [tilespmem:v52+s11+$0x0], $0xffff;
	v56 =	vadd.s32 v12, v33;
	[tilespmem:v58+s16+$0x0] =	vst.idx.msk $0xffff, v1  }
0x453: {  	[tilespmem:v4+s16+$0x0] =	vst.idx.msk $0xffff, v3  }
0x454: {  	v5 =	vor.u32 $0x1B, v38;
	[tilespmem:v7+s16+$0x0] =	vst.idx.msk $0xffff, v6  }
0x455: {  	[tilespmem:v62+s16+$0x0] =	vst.idx.msk $0xffff, v9  }
0x456: {  	v54 =	vor.u32 $0x1B, v41;
	v57 =	vadd.s32 v12, v35;
	[tilespmem:v55+s16+$0x0] =	vst.idx.msk $0xffff, v0;
	v2 =	vld.idx.msk [tilespmem:v2+s11+$0x0], $0xffff  }
0x457: {  	v1 =	vor.u32 $0x1B, v43;
	v4 =	vadd.s32 v12, v37;
	v7 =	vld.idx.msk [tilespmem:v8+s11+$0x0], $0xffff;
	[tilespmem:v56+s16+$0x0] =	vst.idx.msk $0xffff, v51  }
0x458: {  	v58 =	vadd.s32 v12, v42;
	v62 =	vadd.s32 v12, v44;
	v8 =	vadd.s32 v12, v40;
	v12 =	vld [tilespmem:$0x1FFA0]  }
0x459: {  	v5 =	vld.idx.msk [tilespmem:v5+s11+$0x0], $0xffff;
	_ =	sdelay $0x1  }
0x45a: {  	v47 =	vld.idx.msk [tilespmem:v54+s11+$0x0], $0xffff  }
0x45b: {  	v1 =	vld.idx.msk [tilespmem:v1+s11+$0x0], $0xffff  }
0x45c: {  	v3 =	vor.u32 $0x1C, v36;
	v45 =	vld.idx.msk [tilespmem:v45+s11+$0x0], $0xffff;
	[tilespmem:v57+s16+$0x0] =	vst.idx.msk $0xffff, v2;
	v54 =	vadd.s32 v12, v33  }
0x45d: {  	[tilespmem:v4+s16+$0x0] =	vst.idx.msk $0xffff, v5  }
0x45e: {  	v6 =	vor.u32 $0x1C, v38;
	[tilespmem:v8+s16+$0x0] =	vst.idx.msk $0xffff, v7  }
0x45f: {  	v9 =	vor.u32 $0x1C, v39;
	[tilespmem:v58+s16+$0x0] =	vst.idx.msk $0xffff, v47  }
0x460: {  	v0 =	vor.u32 $0x1C, v41;
	[tilespmem:v62+s16+$0x0] =	vst.idx.msk $0xffff, v1  }
0x461: {  	v2 =	vor.u32 $0x1C, v43;
	v3 =	vld.idx.msk [tilespmem:v3+s11+$0x0], $0xffff;
	[tilespmem:v54+s16+$0x0] =	vst.idx.msk $0xffff, v45  }
0x462: {  	v55 =	vor.u32 $0x1D, v34;
	v56 =	vadd.s32 v12, v35;
	v17 =	vld [tilespmem:$0x1FF00]  }
0x463: {  	v5 =	vld.idx.msk [tilespmem:v6+s11+$0x0], $0xffff;
	v6 =	vadd.s32 v12, v37  }
0x464: {  	v8 =	vld.idx.msk [tilespmem:v9+s11+$0x0], $0xffff;
	v9 =	vadd.s32 v12, v40  }
0x465: {  	v0 =	vld.idx.msk [tilespmem:v0+s11+$0x0], $0xffff;
	v58 =	vadd.s32 v12, v42  }
0x466: {  	v2 =	vld.idx.msk [tilespmem:v2+s11+$0x0], $0xffff;
	v45 =	vadd.s32 v12, v44  }
0x467: {  	v4 =	vor.u32 $0x1D, v36;
	v62 =	vld.idx.msk [tilespmem:v55+s11+$0x0], $0xffff;
	[tilespmem:v56+s16+$0x0] =	vst.idx.msk $0xffff, v3;
	v54 =	vadd.s32 v17, v33  }
0x468: {  	[tilespmem:v6+s16+$0x0] =	vst.idx.msk $0xffff, v5  }
0x469: {  	v7 =	vor.u32 $0x1D, v38;
	[tilespmem:v9+s16+$0x0] =	vst.idx.msk $0xffff, v8  }
0x46a: {  	v57 =	vor.u32 $0x1D, v39;
	[tilespmem:v58+s16+$0x0] =	vst.idx.msk $0xffff, v0  }
0x46b: {  	v1 =	vor.u32 $0x1D, v41;
	[tilespmem:v45+s16+$0x0] =	vst.idx.msk $0xffff, v2  }
0x46c: {  	v3 =	vor.u32 $0x1D, v43;
	v4 =	vld.idx.msk [tilespmem:v4+s11+$0x0], $0xffff;
	[tilespmem:v54+s16+$0x0] =	vst.idx.msk $0xffff, v62  }
0x46d: {  	v55 =	vor.u32 $0x1E, v34;
	v56 =	vadd.s32 v17, v35;
	v18 =	vld [tilespmem:$0x1FEF0]  }
0x46e: {  	v6 =	vld.idx.msk [tilespmem:v7+s11+$0x0], $0xffff;
	v7 =	vadd.s32 v17, v37  }
0x46f: {  	v9 =	vld.idx.msk [tilespmem:v57+s11+$0x0], $0xffff;
	v57 =	vadd.s32 v17, v40  }
0x470: {  	v1 =	vld.idx.msk [tilespmem:v1+s11+$0x0], $0xffff;
	v58 =	vadd.s32 v17, v42  }
0x471: {  	v3 =	vld.idx.msk [tilespmem:v3+s11+$0x0], $0xffff;
	v62 =	vadd.s32 v17, v44  }
0x472: {  	v5 =	vor.u32 $0x1E, v36;
	v48 =	vld.idx.msk [tilespmem:v55+s11+$0x0], $0xffff;
	[tilespmem:v56+s16+$0x0] =	vst.idx.msk $0xffff, v4;
	v52 =	vadd.s32 v18, v33  }
0x473: {  	[tilespmem:v7+s16+$0x0] =	vst.idx.msk $0xffff, v6  }
0x474: {  	v8 =	vor.u32 $0x1E, v38;
	[tilespmem:v57+s16+$0x0] =	vst.idx.msk $0xffff, v9  }
0x475: {  	v0 =	vor.u32 $0x1E, v39;
	[tilespmem:v58+s16+$0x0] =	vst.idx.msk $0xffff, v1  }
0x476: {  	v2 =	vor.u32 $0x1E, v41;
	[tilespmem:v62+s16+$0x0] =	vst.idx.msk $0xffff, v3  }
0x477: {  	v4 =	vor.u32 $0x1E, v43;
	v5 =	vld.idx.msk [tilespmem:v5+s11+$0x0], $0xffff;
	[tilespmem:v52+s16+$0x0] =	vst.idx.msk $0xffff, v48  }
0x478: {  	v53 =	vor.u32 $0x1F, v34;
	v54 =	vadd.s32 v18, v35;
	v19 =	vld [tilespmem:$0x1FF10]  }
0x479: {  	v6 =	vor.u32 $0x1F, v36;
	v7 =	vld.idx.msk [tilespmem:v8+s11+$0x0], $0xffff;
	v8 =	vadd.s32 v18, v37  }
0x47a: {  	v9 =	vor.u32 $0x1F, v38;
	v0 =	vld.idx.msk [tilespmem:v0+s11+$0x0], $0xffff;
	v55 =	vadd.s32 v18, v40  }
0x47b: {  	v1 =	vor.u32 $0x1F, v39;
	v2 =	vld.idx.msk [tilespmem:v2+s11+$0x0], $0xffff;
	v56 =	vadd.s32 v18, v42  }
0x47c: {  	v3 =	vor.u32 $0x1F, v41;
	v4 =	vld.idx.msk [tilespmem:v4+s11+$0x0], $0xffff;
	v57 =	vadd.s32 v18, v44  }
0x47d: {  	v34 =	vld.idx.msk [tilespmem:v53+s11+$0x0], $0xffff;
	[tilespmem:v54+s16+$0x0] =	vst.idx.msk $0xffff, v5;
	v5 =	vor.u32 $0x1F, v43;
	v58 =	vadd.s32 v19, v33  }
0x47e: {  	[tilespmem:v8+s16+$0x0] =	vst.idx.msk $0xffff, v7;
	v6 =	vld.idx.msk [tilespmem:v6+s11+$0x0], $0xffff;
	v62 =	vadd.s32 v19, v35  }
0x47f: {  	[tilespmem:v55+s16+$0x0] =	vst.idx.msk $0xffff, v0;
	v7 =	vld.idx.msk [tilespmem:v9+s11+$0x0], $0xffff;
	v8 =	vadd.s32 v19, v37  }
0x480: {  	[tilespmem:v56+s16+$0x0] =	vst.idx.msk $0xffff, v2;
	v0 =	vld.idx.msk [tilespmem:v1+s11+$0x0], $0xffff;
	v1 =	vadd.s32 v19, v40  }
0x481: {  	[tilespmem:v57+s16+$0x0] =	vst.idx.msk $0xffff, v4;
	v2 =	vld.idx.msk [tilespmem:v3+s11+$0x0], $0xffff;
	v3 =	vadd.s32 v19, v42  }
0x482: {  	v4 =	vld.idx.msk [tilespmem:v5+s11+$0x0], $0xffff;
	v5 =	vadd.s32 v19, v44;
	[tilespmem:v58+s16+$0x0] =	vst.idx.msk $0xffff, v34  }
0x483: {  	[tilespmem:v62+s16+$0x0] =	vst.idx.msk $0xffff, v6  }
0x484: {  	[tilespmem:v8+s16+$0x0] =	vst.idx.msk $0xffff, v7  }
0x485: {  	[tilespmem:v1+s16+$0x0] =	vst.idx.msk $0xffff, v0  }
0x486: {  	[tilespmem:v3+s16+$0x0] =	vst.idx.msk $0xffff, v2  }
0x487: {  	[tilespmem:v5+s16+$0x0] =	vst.idx.msk $0xffff, v4  }
0x488: {  	v4 =	vld [tilespmem:$0x1FEC0]  }
0x489: {  	s19 =	sadd.s32 $0x1, s19;
	v6 =	vld [tilespmem:$0x1FEA0]  }
0x48a: {  	p0 =	sne.s32 s19, $0x10;
	v24 =	vld [tilespmem:$0x1FED0]  }
.Ltmp6:
0x48b: {  	s20 =	sadd.s32 s6, s20;
	v5 =	vld [tilespmem:$0x1FEB0];
	(pc) =	sbr.rel @p0 .LBB2_4-.Ltmp6, $4  }
0x48c: {  	s20 =	smul.u32 $0xC80, s20;
	v9 =	vmov v23;
	v23 =	vld [tilespmem:$0x1FE20]  }
0x48d: {  	v62 =	vld [tilespmem:$0x1FE30]  }
0x48e: {  	v15 =	vlaneseq.u32;
	s20 =	sadd.s32 s2, s20;
	v50 =	vmovc v25;
	v25 =	vmov v27;
	v48 =	vmov v11;
	v39 =	vld [tilespmem:$0x1FE50]  }
0x48f: {  	v11 =	vmovc v13;
	v7 =	vmovc v26;
	v26 =	vmov v28;
	v28 =	vmov v29;
	v3 =	vmov v31;
	[hbm4b:s20+s3] =	stream.linear.scatter [tilespmem:s16], [sflag:$0x4], $0x6400, $0x38;
	v8 =	vld [tilespmem:$0x1FE80]  }
0x490: {  	s18 =	sadd.s32 $0x1, s18  }
0x491: {  	_ =	swait.ge [sflag:s17], $0x6400;
	p0 =	sne.s32 s18, s7  }
.Ltmp7:
0x492: {  	[sflag:s17] =	ssyncset.done $0x0;
	(pc) =	sbr.rel @p0 .LBB2_1-.Ltmp7, $4  }
0x493: {  	[sflag:s17] =	ssyncadd.s32 $0xFFFF9C00  }
0x494: {  	_ =	swait.ge [sflag:s15], $0x6400  }
0x495: {  	[sflag:s15] =	ssyncset.done $0x0  }
0x496: {  	[sflag:s15] =	ssyncadd.s32 $0xFFFF9C00  }
0x497: {  	_ =	sfence.sel $0x180000  }
0x498: {  	[bflag:$0x0] =	sbarrier.arrive $0xFFFF  }
0x499: {  	p0 =	sne.s32 s0, $0x0;
	_ =	strace $0x90000047  }
0x49a: {  	s0 =	sadd.s32 @!p0 $0x100000, s1;
	[bflag:$0x2] =	sbarrier.arrive $0xFFFF  }
0x49b: {  	[sflag:s0] =	ssyncadd.tile.s32 @!p0 $0x1;
	_ =	shalt  }
.Lfunc_end2:
_tile_overlayer_lowered:
.L_overlay_start_2:
0x49c: {  	(tag) =	ssettag $0x2  }
0x49d: {  	s0 =	rddreg [dreg:$0x0];
	s2 =	stileid.u32  }
0x49e: {  	s1 =	rddreg [dreg:$0x1];
	p0 =	sne.s32 s2, $0x0  }
0x49f: {  	s3 =	rddreg [dreg:$0x2];
	[bflag:$0x3] =	sbarrier.arrive $0xFFFF;
	s2 =	simm.s32 @!p0 $0x1C05  }
0x4a0: {  	[timem:s3], [sflag:s2] =	dma.local @!p0 [hbm:s0], s1  }
0x4a1: {  	s0 =	simm.s32 @!p0 $0x5  }
0x4a2: {  	_ =	swait.ge @!p0 [sflag:s0], s1  }
0x4a3: {  	s1 =	ssub.s32 @!p0 $0x0, s1;
	[sflag:s0] =	ssyncset.done @!p0 $0x0  }
0x4a4: {  	[sflag:s0] =	ssyncadd.s32 @!p0 s1  }
0x4a5: {  	[bflag:$0x3] =	sbarrier.arrive $0xFFFF  }
0x4a6: {  	_ =	shalt  }

// kernel: sparse-core-data-format-call.cloned.1.call-start
scs
called_computation_lowered:
.L_overlay_start_0:
0x0: {  	s2 =	sld [smem:$0x3FD9]  }
0x1: {  	s3 =	sld [smem:$0x3FFE];
	_ =	sdelay $0x1  }
0x2: {  	s1 =	srdreg.scid  }
0x3: {  	s0 =	sand.u32 $0x1, s1  }
0x4: {  	s18 =	sshll.u32 s0, $0xA;
	s2 =	sadd.s32 s3, s2  }
0x5: {  	s2 =	sadd.s32 s2, s18  }
0x6: {  	[smem:$0x3FC6] =	sst s2  }
0x7: {  	_ = 	snop  }
0x8: {  	s2 =	sld [smem:$0x3FD0];
	(tm) =	ssettm $0x1  }
0x9: {  	s19 =	sld [smem:$0x3FFB];
	_ =	sdelay $0x3  }
0xa: {  	_ =	strace s19  }
0xb: {  	s3 =	sld [smem:$0x3FFC];
	_ =	sdelay $0x3  }
0xc: {  	_ =	strace s3  }
0xd: {  	s3 =	sld [smem:$0x3FFD];
	_ =	sdelay $0x3  }
0xe: {  	_ =	strace s3  }
0xf: {  	_ =	strace $0x8FFFFFFF  }
0x10: {  	s20 =	sld [smem:$0x3FDB];
	_ =	sdelay $0x1  }
0x11: {  	s4 =	simm.s32 $_scs_section_size  }
0x12: {  	s5 =	simm.s32 $_size__tile_overlayer_lowered;
	s6 =	simm.s32 $_tile_overlayer_lowered  }
0x13: {  	s23 =	simm.s32 $0x1BFF;
	s22 =	sshll.u32 s6, $0x1;
	s3 =	sadd.s32 s4, s20  }
0x14: {  	s7 =	simm.s32 $0x0;
	s21 =	sshll.u32 s5, $0x1;
	s5 =	sadd.s32 s22, s3  }
0x15: {  	[timem:s7], [sflag:s23] =	dma.local [hbm:s5], s21  }
0x16: {  	_ =	swait.ge [sflag:s23], s21  }
0x17: {  	s4 =	ssub.s32 $0x0, s21;
	[sflag:s23] =	ssyncset.done $0x0  }
0x18: {  	[sflag:s23] =	ssyncadd.s32 s4;
	_ =	sdelay $0x1  }
0x19: {  	s24 =	simm.s32 $0x1B8B  }
0x1a: {  	_ =	swait.ge [sflag:s24], $0x1  }
0x1b: {  	[sflag:s24] =	ssyncset.done $0x0  }
0x1c: {  	s26 =	simm.s32 $0x1B8E;
	s25 =	sld [smem:$0x3FFE];
	[sflag:s24] =	ssyncadd.s32 $0xFFFFFFFF  }
0x1d: {  	s27 =	simm.s32 $execute0_lowered;
	[smem:$0x3FD2] =	sst s26  }
0x1e: {  	s5 =	sshll.u32 s27, $0x1;
	_ =	strace $0x80000049;
	[dreg:$0x1] =	wrdreg $0xFFFFFFFF  }
0x1f: {  	s28 =	simm.s32 $_size_execute0_lowered;
	s3 =	sadd.s32 s3, s5;
	[dreg:$0x0] =	wrdreg $0x0  }
0x20: {  	s5 =	sshll.u32 s28, $0x1;
	[dreg:$0x2] =	wrdreg s3  }
0x21: {  	[dreg:$0x3] =	wrdreg s5  }
0x22: {  	[dreg:$0x4] =	wrdreg $0xC0  }
0x23: {  	_ =	task [dreg:s7], $0x5FFFF  }
0x24: {  	[dreg:$0x1] =	wrdreg $0xFFFFFFFF  }
0x25: {  	[dreg:$0x0] =	wrdreg $0x60  }
0x26: {  	[dreg:$0x2] =	wrdreg s25  }
0x27: {  	[dreg:$0x3] =	wrdreg s2  }
0x28: {  	[dreg:$0x4] =	wrdreg $0x9  }
0x29: {  	_ =	task.clear_ibuf [dreg:s7], $0x5FFFF;
	_ =	strace $0x90000049  }
0x2a: {  	s29 =	simm.s32 $0x9;
	_ =	strace $0x8000004B  }
0x2b: {  	_ =	swait.ge [sflag:s29], $0x1  }
0x2c: {  	[sflag:s29] =	ssyncadd.s32 $0xFFFFFFFF  }
0x2d: {  	_ =	strace $0x9000004B  }
0x2e: {  	_ =	sfence  }
0x2f: {  	s30 =	sld [smem:$0x0];
	_ =	sdelay $0x2  }
0x30: {  	s31 =	sshll.u32 s1, $0xD;
	s1 =	sshrl.u32 s1, $0x2  }
0x31: {  	s3 =	sand.u32 $0x4000, s31;
	s1 =	sadd.s32 s1, s30  }
0x32: {  	s0 =	sor.u32 s3, s0;
	s1 =	sshll.u32 s1, $0x11  }
0x33: {  	s0 =	sor.u32 s1, s0  }
0x34: {  	s0 =	sadd.s32 $0x8F2B, s0  }
0x35: {  	[sflag:s0] =	ssyncadd.remote.s32 $0x1  }
0x36: {  	_ =	sfence.sel $0xFFFF  }
0x37: {  	[dreg:$0x0] =	wrdreg $0xFFFFFFFF;
	(pc) =	sbr.abs _section_cstart, $3  }
0x38: {  	[dreg:$0x1] =	wrdreg $0xFFFFFFFF  }
0x39: {  	_ =	task.clear_ibuf [dreg:s7], $0x2FFFF;
	_ =	strace $0x9FFFFFFF  }
0x3a: {  	(tm) =	ssettm $0x7FFFFFFF  }
0x3b: {  	_ =	shalt  }
tec
execute0_lowered:
.L_overlay_start_1:
0x0: {  	(tag) =	ssettag $0x1  }
0x1: {  	s5 =	rddreg [dreg:$0x0]  }
0x2: {  	s0 =	srdreg.scid;
	s3 =	rddreg [dreg:$0x1];
	s7 =	simm.s32 $0x1  }
0x3: {  	s8 =	simm.s32 $0x2;
	s16 =	simm.s32 $0x0;
	s1 =	sshll.u32 s0, $0x4  }
0x4: {  	s18 =	simm.s32 $0x0;
	s0 =	stileid.u32;
	s1 =	sand.u32 $0x10, s1  }
0x5: {  	s17 =	simm.s32 $0x0;
	s9 =	simm.s32 $0x0;
	s1 =	sor.u32 s0, s1  }
0x6: {  	s10 =	simm.s32 $0x0;
	s11 =	simm.s32 $0x0;
	s2 =	sshll.u32 s1, $0x7  }
0x7: {  	s12 =	simm.s32 $0x0;
	s13 =	simm.s32 $0x0;
	s6 =	ssub.s32 $0x1000, s2  }
0x8: {  	s15 =	simm.s32 $0x0;
	s5 =	sadd.s32 $0x800, s5;
	s4 =	sand.u32 $0xF80, s6  }
.Ltmp0:
0x9: {  	s1 =	rddreg [dreg:$0x2];
	p0 =	sne.s32 s4, $0x0;
	(pc) =	sbr.rel .LBB1_1-.Ltmp0, $4  }
0xa: {  	_ =	strace $0x8000004A;
	s6 =	sshrl.u32 s6, $0xC;
	s7 =	simm.s32 @!p0 $0x0  }
0xb: {  	s14 =	smov.u32 s2;
	s4 =	simm.s32 $0x1;
	s6 =	sadd.s32 s7, s6  }
0xc: {  	[sflag:s4] =	ssyncpa.u1 $0x0;
	p0 =	por $0x0, $0x0;
	s6 =	sshll.u32 s6, $0x6  }
0xd: {  	[sflag:s8] =	ssyncpa.u1 $0x0;
	s8 =	simm.s32 $0x8000;
	s7 =	sor.u32 $0x1, s6  }
.LBB1_4:
0xe: {  	s23 =	sshra.s32 s23, $0x2;
	s30 =	sshll.u32 s9, $0xC  }
0xf: {  	p1 =	sgt.s32 s10, $0x1F;
	s24 =	smov.u32 s10;
	s25 =	sshra.s32 s10, $0x1F  }
0x10: {  	s26 =	sshll.u32 s11, $0x3;
	s28 =	smov.u32 s11;
	s29 =	sshra.s32 s11, $0x1F  }
0x11: {  	s22 =	sadd.s32 s23, s22;
	s24 =	simm.s32 @!p1 $0x1F;
	s25 =	sand.u32 s25, s10  }
0x12: {  	s23 =	sand.u32 $0xFFFF8000, s30;
	s27 =	sand.u32 $0xFFFFFC00, s26;
	p1 =	sgt.s32 s9, $0x48  }
0x13: {  	s31 =	sand.u32 s29, s11;
	s29 =	sshll.u32 s9, $0x7;
	s30 =	sshra.s32 s9, $0x1F  }
0x14: {  	[tilespmem:s21+$0x2040 ss:$0x81] =	vst.msk $0xffff, v4;
	s24 =	ssub.s32 s24, s25;
	s23 =	sadd.s32 s27, s23;
	s27 =	smov.u32 s9  }
0x15: {  	[tilespmem:s21+$0x2850 ss:$0x81] =	vst.msk $0xffff, v3;
	s29 =	sand.u32 $0x380, s29;
	s25 =	sadd.s32 $0xFFFFFFE1, s24;
	s27 =	simm.s32 @!p1 $0x48  }
0x16: {  	v5 =	vld [tilespmem:s20+$0xFFFFFFD0];
	[tilespmem:s21+$0x3060 ss:$0x81] =	vst.msk $0xffff, v2;
	p1 =	sgt.s32 s11, $0xF80;
	s23 =	sshrl.u32 s23, $0xC;
	s24 =	ssub.s32 $0x20, s24  }
0x17: {  	v58 =	vld [tilespmem:s20+$0xFFFFFFE0];
	[tilespmem:s21+$0x0 ss:$0x81] =	vst.msk $0xffff, v1;
	s28 =	simm.s32 @!p1 $0xF80;
	p1 =	sgt.s32 s25, $0x0;
	s21 =	smulhi.u32 $0x147AE15, s23  }
0x18: {  	v59 =	vld [tilespmem:s20+$0xFFFFFFF0];
	s25 =	ssub.s32 s28, s31;
	s28 =	sand.u32 s30, s9;
	s24 =	simm.s32 @p1 $0x0  }
0x19: {  	v60 =	vld [tilespmem:s20+$0x0];
	s27 =	ssub.s32 s27, s28;
	s31 =	sadd.s32 $0xFFFFF080, s25;
	s25 =	ssub.s32 $0x1000, s25  }
0x1a: {  	v61 =	vld [tilespmem:s20+$0x10];
	[tilespmem:s22+$0x3870 ss:$0x81] =	vst.msk $0xffff, v0;
	s21 =	smul.u32 $0xC8, s21;
	s28 =	sand.u32 $0x7, s11;
	p1 =	sgt.s32 s31, $0x7F  }
0x1b: {  	v62 =	vld [tilespmem:s20+$0x20];
	[tilespmem:s22+$0x810 ss:$0x81] =	vst.msk $0xffff, v5;
	s30 =	sadd.s32 $0xFFFFFFB8, s27;
	s31 =	sand.u32 $0x78, s11;
	s25 =	simm.s32 @p1 $0x0  }
0x1c: {  	v63 =	vld [tilespmem:s20+$0xFFFFFFC0];
	[tilespmem:s22+$0x1020 ss:$0x81] =	vst.msk $0xffff, v58;
	p1 =	sgt.s32 s30, $0x7F;
	s30 =	sand.u32 $0xC00, s26;
	s24 =	smul.u32 s25, s24  }
0x1d: {  	[tilespmem:s22+$0x1830 ss:$0x81] =	vst.msk $0xffff, v59;
	s26 =	ssub.s32 $0xC8, s27;
	s20 =	sor.u32 s31, s30;
	s31 =	smul.u32 $0x19000, s10  }
0x1e: {  	[tilespmem:s22+$0x2040 ss:$0x81] =	vst.msk $0xffff, v60;
	s21 =	ssub.s32 s23, s21;
	s26 =	simm.s32 @p1 $0x0;
	s20 =	sor.u32 s29, s20  }
0x1f: {  	[tilespmem:s22+$0x2850 ss:$0x81] =	vst.msk $0xffff, v61;
	s26 =	smul.u32 s26, s24;
	s20 =	sshrl.u32 s20, $0x3;
	s27 =	sadd.s32 s3, s31  }
0x20: {  	[tilespmem:s22+$0x3060 ss:$0x81] =	vst.msk $0xffff, v62;
	s21 =	sshll.u32 s21, $0x9;
	s29 =	sshll.u32 s28, $0x12;
	s20 =	sadd.s32 s20, s27  }
0x21: {  	[tilespmem:s22+$0x0 ss:$0x81] =	vst.msk $0xffff, v63;
	s31 =	sor.u32 $0x400, s29;
	s30 =	sand.u32 $0x3FFFFFFF, s26;
	s20 =	sadd.s32 s21, s20  }
0x22: {  	[hbm4b:s20+s31] =	stream.strided.scatter [tilespmem:s19], [sflag:$0x2], s30, s8, s31, $0x20;
	[tilespmem:$0x10100] =	vst v63  }
.LBB1_5:
0x23: {  	p1 =	slt.u32 s15, $0x2  }
0x24: {  	p2 =	sgt.s32 @!p1 s18, $0x1F  }
0x25: {  	s19 =	smov.u32 s18;
	s20 =	sshra.s32 @!p1 s18, $0x1F;
	p2 =	por !p2, p1  }
0x26: {  	s18 =	sand.u32 @!p1 s20, s18;
	s19 =	simm.s32 @p2 $0x1F  }
0x27: {  	p3 =	sgt.s32 @!p1 s16, $0x48;
	s18 =	ssub.s32 @!p1 s19, s18  }
0x28: {  	p4 =	sgt.s32 @!p1 s17, $0xF80;
	s21 =	sshra.s32 @!p1 s17, $0x1F;
	s19 =	sadd.s32 @!p1 $0xFFFFFFE1, s18  }
0x29: {  	s20 =	smov.u32 s16;
	p2 =	sgt.s32 @!p1 s19, $0x0;
	s19 =	sshra.s32 @!p1 s16, $0x1F  }
0x2a: {  	p4 =	por !p4, p1;
	s16 =	sand.u32 @!p1 s19, s16;
	s19 =	smov.u32 s17  }
0x2b: {  	p3 =	por !p3, p1;
	s17 =	sand.u32 @!p1 s21, s17;
	s19 =	simm.s32 @p4 $0xF80  }
0x2c: {  	s20 =	simm.s32 @p3 $0x48;
	s18 =	ssub.s32 @!p1 $0x20, s18;
	s17 =	ssub.s32 @!p1 s19, s17  }
0x2d: {  	p2 =	por !p2, p1;
	s16 =	ssub.s32 @!p1 s20, s16;
	s20 =	sadd.s32 @!p1 $0xFFFFF080, s17  }
0x2e: {  	s18 =	simm.s32 @!p2 $0x0;
	p3 =	sgt.s32 @!p1 s20, $0x7F  }
0x2f: {  	s19 =	sadd.s32 @!p1 $0xFFFFFFB8, s16;
	s17 =	ssub.s32 @!p1 $0x1000, s17;
	p3 =	por !p3, p1  }
0x30: {  	p2 =	sgt.s32 @!p1 s19, $0x7F;
	s19 =	sadd.s32 $0x80, s12;
	s17 =	simm.s32 @!p3 $0x0  }
0x31: {  	p3 =	sgt.s32 s19, $0xC7;
	s17 =	smul.u32 @!p1 s17, s18;
	s18 =	simm.s32 $0x1  }
0x32: {  	s16 =	ssub.s32 @!p1 $0xC8, s16;
	p2 =	por !p2, p1;
	s18 =	simm.s32 @!p3 $0x0  }
0x33: {  	s21 =	smov.u32 s14;
	s16 =	simm.s32 @!p2 $0x0;
	s20 =	sadd.s32 s18, s13  }
0x34: {  	s16 =	smul.u32 @!p1 s16, s17;
	s17 =	sadd.s32 $0x1000, s14;
	p2 =	sgt.s32 s20, $0x1F  }
0x35: {  	p0 =	por !p0, !p0;
	s22 =	simm.s32 @!p1 $0x2;
	s21 =	smov.u32 @p2 s17  }
0x36: {  	s19 =	simm.s32 @p3 $0x0;
	s20 =	simm.s32 @p2 $0x0;
	p2 =	sgt.s32 s21, $0xFFF  }
0x37: {  	s18 =	smov.u32 s10;
	s21 =	smov.u32 @p2 s2;
	p2 =	sne.s32 s15, s7  }
.Ltmp1:
0x38: {  	s10 =	smov.u32 s13;
	s16 =	sand.u32 @!p1 $0x3FFFFFFF, s16;
	(pc) =	sbr.rel @!p2 .LBB1_6-.Ltmp1, $4  }
0x39: {  	s17 =	smov.u32 s11;
	s11 =	smov.u32 s14;
	_ =	swait.ge @!p1 [sflag:s22], s16  }
0x3a: {  	s23 =	ssub.s32 @!p1 $0x0, s16;
	s16 =	smov.u32 s9;
	s9 =	smov.u32 s12  }
0x3b: {  	s12 =	smov.u32 s19;
	s13 =	smov.u32 s20;
	[sflag:s22] =	ssyncset.done @!p1 $0x0  }
0x3c: {  	s15 =	sadd.s32 $0x1, s15;
	[sflag:s22] =	ssyncadd.s32 @!p1 s23;
	s14 =	smov.u32 s21  }
.LBB1_1:
0x3d: {  	p1 =	sge.u32 s15, s6  }
0x3e: {  	s31 =	sadd.s32 $0xFFFFFFFF, s15;
	s19 =	sxor.u32 @!p1 $0xFFFFFFFF, s15  }
0x3f: {  	s20 =	sshll.u32 @!p1 s13, $0x8;
	s21 =	sshll.u32 @!p1 s12, $0x3;
	s22 =	sshll.u32 @!p1 s13, $0x7  }
0x40: {  	s23 =	sand.u32 @!p1 $0x78, s12;
	s20 =	sand.u32 @!p1 $0x1800, s20;
	s21 =	sand.u32 @!p1 $0x1C00, s21  }
0x41: {  	s19 =	sshll.u32 @!p1 s19, $0xE;
	s20 =	sadd.s32 @!p1 s20, s21;
	s21 =	sand.u32 @!p1 $0x300, s22  }
0x42: {  	s19 =	sand.u32 @!p1 $0x4000, s19;
	s20 =	sor.u32 @!p1 s21, s20;
	s21 =	sand.u32 @!p1 $0x80, s22  }
0x43: {  	s22 =	sshll.u32 @!p1 s14, $0xA;
	s21 =	sor.u32 @!p1 s23, s21;
	s20 =	sshrl.u32 @!p1 s20, $0x3  }
0x44: {  	s22 =	sadd.s32 @!p1 s5, s22;
	s23 =	sand.u32 @!p1 $0x7, s12;
	s21 =	sshrl.u32 @!p1 s21, $0x3  }
0x45: {  	s20 =	sand.u32 @!p1 $0x3E0, s20;
	s21 =	sadd.s32 @!p1 s21, s22;
	s22 =	sshll.u32 @!p1 s23, $0x12  }
0x46: {  	s20 =	sadd.s32 @!p1 s20, s21;
	s21 =	sor.u32 @!p1 $0x80, s22;
	s22 =	simm.s32 @!p1 $0x2000  }
0x47: {  	[tilespmem:s19], [sflag:$0x1] =	stream.strided.gather @!p1 [hbm4b:s20+s21], $0x4000, s22, s21, $0x38;
	[tilespmem:$0x10100] =	vst v63  }
0x48: {  	p1 =	sge.u32 s31, s6  }
.Ltmp2:
0x49: {  	_ = 	snop;
	(pc) =	sbr.rel @p1 .LBB1_5-.Ltmp2, $1  }
0x4a: {  	_ =	sdelay $0x3  }
0x4b: {  	s19 =	simm.s32 $0x1  }
0x4c: {  	_ =	swait.ge [sflag:s4], $0x4000;
	s19 =	simm.s32 @!p0 $0x0  }
0x4d: {  	[sflag:s4] =	ssyncset.done $0x0;
	s20 =	sshll.u32 s19, $0xE  }
0x4e: {  	[sflag:s4] =	ssyncadd.s32 $0xFFFFC000;
	s20 =	sor.u32 $0x40, s20  }
0x4f: {  	s19 =	smul.u32 $0x10200, s19;
	v0 =	vld [tilespmem:s20+$0x30]  }
0x50: {  	v1 =	vld [tilespmem:s20+$0xFFFFFFD0]  }
0x51: {  	s19 =	sshrl.u32 s19, $0x2;
	v5 =	vld [tilespmem:s20+$0xFFFFFFE0]  }
0x52: {  	v6 =	vld [tilespmem:s20+$0xFFFFFFF0];
	s22 =	sor.u32 $0x8000, s19  }
0x53: {  	s31 =	sand.u32 $0x1, s15;
	v4 =	vld [tilespmem:s20+$0x0];
	s21 =	sadd.s32 $0x0, s22  }
0x54: {  	v3 =	vld [tilespmem:s20+$0x10];
	s19 =	smul.u32 $0x10200, s31;
	[tilespmem:s21+$0x3870 ss:$0x81] =	vst.msk $0xffff, v0  }
0x55: {  	v2 =	vld [tilespmem:s20+$0x20];
	[tilespmem:s21+$0x810 ss:$0x81] =	vst.msk $0xffff, v1  }
0x56: {  	s19 =	sshrl.u32 s19, $0x2;
	v1 =	vld [tilespmem:s20+$0xFFFFFFC0];
	[tilespmem:s21+$0x1020 ss:$0x81] =	vst.msk $0xffff, v5;
	s20 =	sadd.s32 $0x80, s20  }
0x57: {  	s23 =	simm.s32 $0x4;
	s24 =	simm.s32 $0x8;
	s19 =	sor.u32 $0x8000, s19;
	[tilespmem:s21+$0x1830 ss:$0x81] =	vst.msk $0xffff, v6;
	v0 =	vld [tilespmem:s20+$0x30]  }
.LBB1_3:
0x58: {  	p1 =	sne.s32 s24, $0x1FC;
	v5 =	vld [tilespmem:s20+$0xFFFFFFD0];
	[tilespmem:s21+$0x2040 ss:$0x81] =	vst.msk $0xffff, v4  }
0x59: {  	v6 =	vld [tilespmem:s20+$0xFFFFFFE0];
	[tilespmem:s21+$0x2850 ss:$0x81] =	vst.msk $0xffff, v3  }
0x5a: {  	s25 =	sshra.s32 s23, $0x2;
	s23 =	smov.u32 s24;
	v7 =	vld [tilespmem:s20+$0xFFFFFFF0];
	[tilespmem:s21+$0x3060 ss:$0x81] =	vst.msk $0xffff, v2  }
.Ltmp3:
0x5b: {  	v4 =	vld [tilespmem:s20+$0x0];
	[tilespmem:s21+$0x0 ss:$0x81] =	vst.msk $0xffff, v1;
	s21 =	sadd.s32 s25, s22;
	(pc) =	sbr.rel @p1 .LBB1_3-.Ltmp3, $4  }
0x5c: {  	v3 =	vld [tilespmem:s20+$0x10];
	[tilespmem:s21+$0x3870 ss:$0x81] =	vst.msk $0xffff, v0  }
0x5d: {  	[tilespmem:s21+$0x810 ss:$0x81] =	vst.msk $0xffff, v5;
	v2 =	vld [tilespmem:s20+$0x20]  }
0x5e: {  	v1 =	vld [tilespmem:s20+$0xFFFFFFC0];
	[tilespmem:s21+$0x1020 ss:$0x81] =	vst.msk $0xffff, v6;
	s20 =	sadd.s32 $0x80, s20  }
0x5f: {  	s24 =	sadd.s32 $0x4, s24;
	v0 =	vld [tilespmem:s20+$0x30];
	[tilespmem:s21+$0x1830 ss:$0x81] =	vst.msk $0xffff, v7  }
.Ltmp4:
0x60: {  	_ = 	snop;
	(pc) =	sbr.rel .LBB1_4-.Ltmp4, $1  }
0x61: {  	_ =	sdelay $0x3  }
.LBB1_6:
0x62: {  	_ =	sfence.sel $0x180000  }
0x63: {  	s2 =	simm.s32 $0x1;
	[bflag:$0x0] =	sbarrier.arrive $0xFFFF  }
0x64: {  	s31 =	simm.s32 $0x2;
	[sflag:s2] =	ssyncpa.u1 $0x1  }
0x65: {  	[sflag:s31] =	ssyncpa.u1 $0x1  }
0x66: {  	p0 =	sne.s32 s0, $0x0;
	_ =	strace $0x9000004A  }
0x67: {  	s0 =	sadd.s32 @!p0 $0x100000, s1;
	[bflag:$0x2] =	sbarrier.arrive $0xFFFF  }
0x68: {  	[sflag:s0] =	ssyncadd.tile.s32 @!p0 $0x1;
	_ =	shalt  }
.Lfunc_end1:
_tile_overlayer_lowered:
.L_overlay_start_2:
0x69: {  	(tag) =	ssettag $0x2  }
0x6a: {  	s0 =	rddreg [dreg:$0x0];
	s2 =	stileid.u32  }
0x6b: {  	s1 =	rddreg [dreg:$0x1];
	p0 =	sne.s32 s2, $0x0  }
0x6c: {  	s3 =	rddreg [dreg:$0x2];
	[bflag:$0x3] =	sbarrier.arrive $0xFFFF;
	s2 =	simm.s32 @!p0 $0x1C01  }
0x6d: {  	[timem:s3], [sflag:s2] =	dma.local @!p0 [hbm:s0], s1  }
0x6e: {  	s0 =	simm.s32 @!p0 $0x1  }
0x6f: {  	_ =	swait.ge @!p0 [sflag:s0], s1  }
0x70: {  	s1 =	ssub.s32 @!p0 $0x0, s1;
	[sflag:s0] =	ssyncset.done @!p0 $0x0  }
0x71: {  	[sflag:s0] =	ssyncadd.s32 @!p0 s1  }
0x72: {  	[bflag:$0x3] =	sbarrier.arrive $0xFFFF  }
0x73: {  	_ =	shalt  }

</sc_bundles>
